<compile_context>
chip_gen: v7x
topology: tpu7x:2x2x1
jax: 0.10.2.dev20260603
libtpu: 0.0.44.dev20260713+nightly
codegen_flags: <defaults>
</compile_context>

<pallas_src>
import functools

import jax
import jax.numpy as jnp
import numpy as np
from jax import lax
from jax.experimental import pallas as pl
from jax.experimental.pallas import tpu as pltpu
from jax.experimental.pallas import tpu_sc as plsc

B = 16384
F = 26
D = 128
FIELD = 4000
V = F * FIELD

NC = 2
NS = 16
NW = NC * NS
BW = B // NW

CHUNKS = ((4096, 128), (4096, 128), (4096, 128), (4096, 128))
assert sum(c for c, _ in CHUNKS) == B


def _make_emb_body(per_w, nch, ch):
    def _sc_emb_body(idx_hbm, tab_hbm, emb_out,
                     idx_v, bufA, bufB, semA, semB, semWA, semWB):
        wid = lax.axis_index("s") * NC + lax.axis_index("c")
        base = wid * per_w
        pltpu.sync_copy(idx_hbm.at[wid], idx_v)

        def body(c, carry):
            c0 = c * 2
            c1 = c0 + 1

            @pl.when(c > 0)
            def _drain_prev_writes():
                pltpu.make_async_copy(bufA, emb_out.at[pl.ds(0, ch)], semWA).wait()
                pltpu.make_async_copy(bufB, emb_out.at[pl.ds(0, ch)], semWB).wait()

            gA = pltpu.async_copy(tab_hbm.at[idx_v.at[c0]], bufA, semA)
            gB = pltpu.async_copy(tab_hbm.at[idx_v.at[c1]], bufB, semB)
            gA.wait()
            pltpu.async_copy(bufA, emb_out.at[pl.ds(base + c0 * ch, ch)], semWA)
            gB.wait()
            pltpu.async_copy(bufB, emb_out.at[pl.ds(base + c1 * ch, ch)], semWB)
            return carry

        lax.fori_loop(0, nch // 2, body, 0)
        pltpu.make_async_copy(bufA, emb_out.at[pl.ds(0, ch)], semWA).wait()
        pltpu.make_async_copy(bufB, emb_out.at[pl.ds(0, ch)], semWB).wait()

    return _sc_emb_body


def _sc_wide_body(idx_hbm, lw_hbm, lin_out, idx_v, lw_v, acc_v, sem):
    wid = lax.axis_index("s") * NC + lax.axis_index("c")
    base = wid * BW
    cp_lw = pltpu.async_copy(lw_hbm, lw_v, sem)
    pltpu.sync_copy(idx_hbm.at[wid], idx_v)
    cp_lw.wait()

    def body(j, carry):
        p = j * 16
        acc = jnp.zeros((16,), jnp.float32)
        for f in range(F):
            ivec = idx_v[f, pl.ds(p, 16)]
            acc = acc + plsc.load_gather(lw_v, [ivec])
        acc_v[pl.ds(p, 16)] = acc
        return carry

    lax.fori_loop(0, BW // 16, body, 0)
    pltpu.sync_copy(acc_v, lin_out.at[pl.ds(base, BW)])


@functools.cache
def _mesh():
    return plsc.VectorSubcoreMesh(
        core_axis_name="c", subcore_axis_name="s",
        num_cores=NC, num_subcores=NS)


@functools.cache
def _get_emb_kernel(cb, ch):
    per_w = F * cb // NW
    nch = per_w // ch
    assert nch % 2 == 0 and nch * ch == per_w
    return pl.kernel(
        _make_emb_body(per_w, nch, ch),
        out_type=jax.ShapeDtypeStruct((F * cb, D), jnp.float32),
        mesh=_mesh(),
        scratch_types=[
            pltpu.VMEM((nch, ch), jnp.int32),
            pltpu.VMEM((ch, D), jnp.float32),
            pltpu.VMEM((ch, D), jnp.float32),
            pltpu.SemaphoreType.DMA,
            pltpu.SemaphoreType.DMA,
            pltpu.SemaphoreType.DMA,
            pltpu.SemaphoreType.DMA,
        ],
        compiler_params=pltpu.CompilerParams(has_side_effects=True),
    )


@functools.cache
def _get_wide_kernel():
    return pl.kernel(
        _sc_wide_body,
        out_type=jax.ShapeDtypeStruct((B,), jnp.float32),
        mesh=_mesh(),
        scratch_types=[
            pltpu.VMEM((F, BW), jnp.int32),
            pltpu.VMEM((V,), jnp.float32),
            pltpu.VMEM((BW,), jnp.float32),
            pltpu.SemaphoreType.DMA,
        ],
        compiler_params=pltpu.CompilerParams(
            needs_layout_passes=False, has_side_effects=True),
    )


BB = 512


def _mlp_body(emb_ref, w1_ref, b1_ref, w2_ref, b2_ref, w3_ref,
              b3_ref, wout_ref, out_ref):
    a1 = jnp.zeros((BB, 1024), jnp.float32)
    for f in range(0, F, 2):
        lhs = jnp.concatenate(
            [emb_ref[f].astype(jnp.bfloat16),
             emb_ref[f + 1].astype(jnp.bfloat16)], axis=1)
        rhs = jnp.concatenate([w1_ref[f], w1_ref[f + 1]], axis=0)
        a1 = a1 + jnp.dot(lhs, rhs, preferred_element_type=jnp.float32)
    h1 = jnp.maximum(a1 + b1_ref[...], 0.0).astype(jnp.bfloat16)
    a2 = jnp.dot(h1, w2_ref[...], preferred_element_type=jnp.float32)
    h2 = jnp.maximum(a2 + b2_ref[...], 0.0).astype(jnp.bfloat16)
    a3 = jnp.dot(h2, w3_ref[...], preferred_element_type=jnp.float32)
    h3 = jnp.maximum(a3 + b3_ref[...], 0.0)
    deep = jnp.sum(h3 * wout_ref[...], axis=1)
    out_ref[...] = deep


def _mlp(cb, emb, w1, b1, w2, b2, w3, b3, wout_t):
    grid = (cb // BB,)
    return pl.pallas_call(
        _mlp_body,
        grid=grid,
        in_specs=[
            pl.BlockSpec((F, BB, D), lambda i: (0, i, 0)),
            pl.BlockSpec((F, D, 1024), lambda i: (0, 0, 0)),
            pl.BlockSpec((1, 1024), lambda i: (0, 0)),
            pl.BlockSpec((1024, 512), lambda i: (0, 0)),
            pl.BlockSpec((1, 512), lambda i: (0, 0)),
            pl.BlockSpec((512, 256), lambda i: (0, 0)),
            pl.BlockSpec((1, 256), lambda i: (0, 0)),
            pl.BlockSpec((1, 256), lambda i: (0, 0)),
        ],
        out_specs=pl.BlockSpec((BB,), lambda i: (i,)),
        out_shape=jax.ShapeDtypeStruct((cb,), jnp.float32),
    )(emb, w1, b1, w2, b2, w3, b3, wout_t)


_OFFS = np.arange(F, dtype=np.int32) * FIELD


def kernel(x, linear_w, linear_bias, embed_table, W1, b1, W2, b2, W3, b3,
           Wout, bout):
    idx = x.astype(jnp.int32) + _OFFS[None, :]
    idx_w = idx.reshape(NW, BW, F).transpose(0, 2, 1)

    embs = []
    off = 0
    for cb, ch in CHUNKS:
        per_w = F * cb // NW
        idx_c = idx[off:off + cb].T.reshape(NW, per_w // ch, ch)
        embs.append(_get_emb_kernel(cb, ch)(idx_c, embed_table))
        off += cb
    lin = _get_wide_kernel()(idx_w, linear_w.reshape(V))

    w1r = W1.reshape(F, D, 1024).astype(jnp.bfloat16)
    w2c = W2.astype(jnp.bfloat16)
    w3c = W3.astype(jnp.bfloat16)
    b1r = b1.reshape(1, 1024)
    b2r = b2.reshape(1, 512)
    b3r = b3.reshape(1, 256)
    woutr = Wout.reshape(1, 256)

    outs = []
    for i, (cb, _) in enumerate(CHUNKS):
        outs.append(_mlp(cb, embs[i].reshape(F, cb, D),
                         w1r, b1r, w2c, b2r, w3c, b3r, woutr))
    deep = jnp.concatenate(outs)
    return deep + lin + (bout[0] + linear_bias[0])

# --- scband reference (transcript-rebuilt; emitter-appended) ---
"""Pipeline reference for scband-wide-and-deep-model-80582176408347 (READ-ONLY COPY).

The authoritative reference and input builder live on the scoring server;
editing this copy changes nothing except your own understanding.
"""

import jax, jax.numpy as jnp
import numpy as np

FIELD_DIMS = [4000] * 26
EMBED_DIM = 128
MLP_DIMS = [1024, 512, 256]
BATCH = 16384
NUM_FIELDS = len(FIELD_DIMS)
TOTAL_VOCAB = sum(FIELD_DIMS)
EMBED_OUT = NUM_FIELDS * EMBED_DIM
OFFSETS = jnp.asarray(np.concatenate([[0], np.cumsum(FIELD_DIMS)[:-1]]), dtype=jnp.int64)


def setup_inputs(seed: int = 0) -> dict:
    key = jax.random.key(seed)
    ks = jax.random.split(key, 12)
    x = jax.random.randint(ks[0], (BATCH, NUM_FIELDS), 0, FIELD_DIMS[0], dtype=jnp.int64)
    inp = {"x": x}
    # linear (wide) part: per-row weight of output dim 1 + bias
    inp["linear_w"] = jax.random.normal(ks[1], (TOTAL_VOCAB, 1), dtype=jnp.float32) * 0.01
    inp["linear_bias"] = jnp.zeros((1,), dtype=jnp.float32)
    # embedding table
    inp["embed_table"] = jax.random.normal(ks[2], (TOTAL_VOCAB, EMBED_DIM), dtype=jnp.float32) * 0.01
    # MLP: 3328 -> 1024 -> 512 -> 256 -> 1
    dims = [EMBED_OUT] + MLP_DIMS
    wkeys = [ks[3], ks[4], ks[5], ks[6]]
    for i in range(len(MLP_DIMS)):
        fan_in = dims[i]
        inp[f"W{i+1}"] = jax.random.normal(wkeys[i], (dims[i], dims[i + 1]), dtype=jnp.float32) * (1.0 / np.sqrt(fan_in))
        inp[f"b{i+1}"] = jnp.zeros((dims[i + 1],), dtype=jnp.float32)
    inp["Wout"] = jax.random.normal(wkeys[3], (MLP_DIMS[-1], 1), dtype=jnp.float32) * (1.0 / np.sqrt(MLP_DIMS[-1]))
    inp["bout"] = jnp.zeros((1,), dtype=jnp.float32)
    return inp


def reference(x, linear_w, linear_bias, embed_table, W1, b1, W2, b2, W3, b3, Wout, bout):
    # offset indices into the concatenated per-field tables
    idx = x + OFFSETS[None, :]  # [B, F]
    # wide/linear part: FeaturesLinear -> sum of per-feature scalar weights + bias
    lin = jnp.sum(jnp.take(linear_w, idx, axis=0), axis=1) + linear_bias  # [B, 1]
    # deep part: FeaturesEmbedding (normalize=False) -> [B, F, D]
    emb = jnp.take(embed_table, idx, axis=0)
    h = emb.reshape(-1, EMBED_OUT)
    h = jax.nn.relu(h @ W1 + b1)
    h = jax.nn.relu(h @ W2 + b2)
    h = jax.nn.relu(h @ W3 + b3)
    deep = h @ Wout + bout  # [B, 1]
    out = lin + deep  # [B, 1]
    return jnp.squeeze(out, axis=1)  # [B]

if __name__ == "__main__":
    import jax
    _d = setup_inputs()
    print(jax.jit(kernel)(*tuple(_d.values())))

</pallas_src>

<mosaic_0001>
#map = affine_map<(d0, d1) -> (0, 0, 0)>
#map1 = affine_map<(d0, d1) -> (0, 0)>
module attributes {stable_mosaic.version = 14 : i64} {
  func.func @_sc_emb_body(%arg0: i32, %arg1: i32, %arg2: memref<32x26x128xi32, #tpu.memory_space<hbm>>, %arg3: memref<104000x128xf32, #tpu.memory_space<hbm>>, %arg4: memref<106496x128xf32, #tpu.memory_space<hbm>>, %arg5: memref<26x128xi32, #tpu.memory_space<vmem>>, %arg6: memref<128x128xf32, #tpu.memory_space<vmem>>, %arg7: memref<128x128xf32, #tpu.memory_space<vmem>>, %arg8: memref<!tpu.dma_semaphore, #tpu.memory_space<semaphore_mem>>, %arg9: memref<!tpu.dma_semaphore, #tpu.memory_space<semaphore_mem>>, %arg10: memref<!tpu.dma_semaphore, #tpu.memory_space<semaphore_mem>>, %arg11: memref<!tpu.dma_semaphore, #tpu.memory_space<semaphore_mem>>) attributes {dimension_semantics = [#tpu.dimension_semantics<core_parallel>, #tpu.dimension_semantics<subcore_parallel>], iteration_bounds = array<i64: 2, 16>, scalar_prefetch = 0 : i64, scratch_operands = 7 : i64, tpu.core_type = #tpu.core_type<sc_vector_subcore>, window_params = [{transform_indices = #map}, {transform_indices = #map1}, {transform_indices = #map1}]} {
    %mul3A = arith.constant 2 : i32
    %mul3A_0 = arith.muli %arg1, %mul3A : i32
    %add3A = arith.addi %mul3A_0, %arg0 : i32
    %mul3A_1 = arith.constant 3328 : i32
    %mul3A_2 = arith.muli %add3A, %mul3A_1 : i32
    "tpu.region"() ({
      %run_scoped3A = tpu.sem_alloc : memref<!tpu.dma_semaphore, #tpu.memory_space<semaphore_mem>>
      %dma_start3A = arith.constant 0 : i32
      %dma_start3A_19 = arith.constant 0 : i32
      %dma_start3A_20 = tpu.memref_slice %arg2[%add3A, %dma_start3A, %dma_start3A_19] : memref<32x26x128xi32, #tpu.memory_space<hbm>> -> memref<1x26x128xi32, #tpu.memory_space<hbm>>
      %dma_start3A_21 = tpu.memref_squeeze %dma_start3A_20 : memref<1x26x128xi32, #tpu.memory_space<hbm>> -> memref<26x128xi32, #tpu.memory_space<hbm>>
      %dma_start3A_22 = arith.constant 0 : i32
      %dma_start3A_23 = arith.constant 0 : i32
      %dma_start3A_24 = tpu.memref_slice %arg2[%add3A, %dma_start3A_22, %dma_start3A_23] : memref<32x26x128xi32, #tpu.memory_space<hbm>> -> memref<1x26x128xi32, #tpu.memory_space<hbm>>
      %dma_start3A_25 = tpu.memref_squeeze %dma_start3A_24 : memref<1x26x128xi32, #tpu.memory_space<hbm>> -> memref<26x128xi32, #tpu.memory_space<hbm>>
      tpu.enqueue_dma source(%dma_start3A_25 : memref<26x128xi32, #tpu.memory_space<hbm>>) target(%arg5 : memref<26x128xi32, #tpu.memory_space<vmem>>) target_semaphore(%run_scoped3A : memref<!tpu.dma_semaphore, #tpu.memory_space<semaphore_mem>>)
      %dma_wait3A_26 = arith.constant 0 : i32
      %dma_wait3A_27 = arith.constant 0 : i32
      %dma_wait3A_28 = tpu.memref_slice %arg2[%add3A, %dma_wait3A_26, %dma_wait3A_27] : memref<32x26x128xi32, #tpu.memory_space<hbm>> -> memref<1x26x128xi32, #tpu.memory_space<hbm>>
      %dma_wait3A_29 = tpu.memref_squeeze %dma_wait3A_28 : memref<1x26x128xi32, #tpu.memory_space<hbm>> -> memref<26x128xi32, #tpu.memory_space<hbm>>
      %dma_wait3A_30 = arith.constant 0 : i32
      %dma_wait3A_31 = arith.constant 0 : i32
      %dma_wait3A_32 = tpu.memref_slice %arg2[%add3A, %dma_wait3A_30, %dma_wait3A_31] : memref<32x26x128xi32, #tpu.memory_space<hbm>> -> memref<1x26x128xi32, #tpu.memory_space<hbm>>
      %dma_wait3A_33 = tpu.memref_squeeze %dma_wait3A_32 : memref<1x26x128xi32, #tpu.memory_space<hbm>> -> memref<26x128xi32, #tpu.memory_space<hbm>>
      tpu.wait_dma2 semaphore(%run_scoped3A : memref<!tpu.dma_semaphore, #tpu.memory_space<semaphore_mem>>) src(%dma_wait3A_33 : memref<26x128xi32, #tpu.memory_space<hbm>>) dst(%arg5 : memref<26x128xi32, #tpu.memory_space<vmem>>)
      tpu.yield
    }) : () -> ()
    %scan3A = arith.constant 0 : i32
    %scan3A_3 = arith.constant 0 : i32
    %scan3A_4 = arith.constant 13 : i32
    %scan3A_5 = arith.addi %scan3A_3, %scan3A_4 : i32
    %scan3A_6 = arith.constant 1 : i32
    scf.for %scan3A_19 = %scan3A_3 to %scan3A_5 step %scan3A_6  : i32 {
      %mul3A_20 = arith.constant 2 : i32
      %mul3A_21 = arith.muli %scan3A_19, %mul3A_20 : i32
      %add3A_22 = arith.constant 1 : i32
      %add3A_23 = arith.addi %mul3A_21, %add3A_22 : i32
      %gt3A = arith.constant 0 : i32
      %gt3A_24 = arith.cmpi sgt, %scan3A_19, %gt3A : i32
      %convert_element_type3A = arith.extui %gt3A_24 : i1 to i32
      %cond3A = arith.constant 0 : i32
      %cond3A_25 = arith.cmpi ne, %convert_element_type3A, %cond3A : i32
      scf.if %cond3A_25 {
        %dma_wait3A_63 = arith.constant 0 : i32
        %dma_wait3A_64 = arith.constant 0 : i32
        %dma_wait3A_65 = tpu.memref_slice %arg4[%dma_wait3A_63, %dma_wait3A_64] : memref<106496x128xf32, #tpu.memory_space<hbm>> -> memref<128x128xf32, #tpu.memory_space<hbm>>
        %dma_wait3A_66 = arith.constant 0 : i32
        %dma_wait3A_67 = arith.constant 0 : i32
        %dma_wait3A_68 = tpu.memref_slice %arg4[%dma_wait3A_66, %dma_wait3A_67] : memref<106496x128xf32, #tpu.memory_space<hbm>> -> memref<128x128xf32, #tpu.memory_space<hbm>>
        tpu.wait_dma2 semaphore(%arg10 : memref<!tpu.dma_semaphore, #tpu.memory_space<semaphore_mem>>) src(%arg6 : memref<128x128xf32, #tpu.memory_space<vmem>>) dst(%dma_wait3A_68 : memref<128x128xf32, #tpu.memory_space<hbm>>)
        %dma_wait3A_69 = arith.constant 0 : i32
        %dma_wait3A_70 = arith.constant 0 : i32
        %dma_wait3A_71 = tpu.memref_slice %arg4[%dma_wait3A_69, %dma_wait3A_70] : memref<106496x128xf32, #tpu.memory_space<hbm>> -> memref<128x128xf32, #tpu.memory_space<hbm>>
        %dma_wait3A_72 = arith.constant 0 : i32
        %dma_wait3A_73 = arith.constant 0 : i32
        %dma_wait3A_74 = tpu.memref_slice %arg4[%dma_wait3A_72, %dma_wait3A_73] : memref<106496x128xf32, #tpu.memory_space<hbm>> -> memref<128x128xf32, #tpu.memory_space<hbm>>
        tpu.wait_dma2 semaphore(%arg11 : memref<!tpu.dma_semaphore, #tpu.memory_space<semaphore_mem>>) src(%arg7 : memref<128x128xf32, #tpu.memory_space<vmem>>) dst(%dma_wait3A_74 : memref<128x128xf32, #tpu.memory_space<hbm>>)
      } else {
      }
      %dma_start3A = arith.constant 0 : i32
      %dma_start3A_26 = tpu.memref_slice %arg5[%mul3A_21, %dma_start3A] : memref<26x128xi32, #tpu.memory_space<vmem>> -> memref<1x128xi32, #tpu.memory_space<vmem>>
      %dma_start3A_27 = tpu.memref_squeeze %dma_start3A_26 : memref<1x128xi32, #tpu.memory_space<vmem>> -> memref<128xi32, #tpu.memory_space<vmem>>
      %dma_start3A_28 = arith.constant 0 : i32
      %dma_start3A_29 = arith.constant 0 : i32
      %dma_start3A_30 = tpu.memref_slice %arg3[%dma_start3A_28, %dma_start3A_29] : memref<104000x128xf32, #tpu.memory_space<hbm>> -> memref<104000x128xf32, #tpu.memory_space<hbm>>
      tpu.enqueue_indirect_dma source(%dma_start3A_30 : memref<104000x128xf32, #tpu.memory_space<hbm>>) target(%arg6 : memref<128x128xf32, #tpu.memory_space<vmem>>) offsets(%dma_start3A_27 : memref<128xi32, #tpu.memory_space<vmem>>) semaphore(%arg8 : memref<!tpu.dma_semaphore, #tpu.memory_space<semaphore_mem>>)
      %dma_start3A_31 = arith.constant 0 : i32
      %dma_start3A_32 = tpu.memref_slice %arg5[%add3A_23, %dma_start3A_31] : memref<26x128xi32, #tpu.memory_space<vmem>> -> memref<1x128xi32, #tpu.memory_space<vmem>>
      %dma_start3A_33 = tpu.memref_squeeze %dma_start3A_32 : memref<1x128xi32, #tpu.memory_space<vmem>> -> memref<128xi32, #tpu.memory_space<vmem>>
      %dma_start3A_34 = arith.constant 0 : i32
      %dma_start3A_35 = arith.constant 0 : i32
      %dma_start3A_36 = tpu.memref_slice %arg3[%dma_start3A_34, %dma_start3A_35] : memref<104000x128xf32, #tpu.memory_space<hbm>> -> memref<104000x128xf32, #tpu.memory_space<hbm>>
      tpu.enqueue_indirect_dma source(%dma_start3A_36 : memref<104000x128xf32, #tpu.memory_space<hbm>>) target(%arg7 : memref<128x128xf32, #tpu.memory_space<vmem>>) offsets(%dma_start3A_33 : memref<128xi32, #tpu.memory_space<vmem>>) semaphore(%arg9 : memref<!tpu.dma_semaphore, #tpu.memory_space<semaphore_mem>>)
      %dma_wait3A_37 = arith.constant 0 : i32
      %dma_wait3A_38 = tpu.memref_slice %arg5[%mul3A_21, %dma_wait3A_37] : memref<26x128xi32, #tpu.memory_space<vmem>> -> memref<1x128xi32, #tpu.memory_space<vmem>>
      %dma_wait3A_39 = tpu.memref_squeeze %dma_wait3A_38 : memref<1x128xi32, #tpu.memory_space<vmem>> -> memref<128xi32, #tpu.memory_space<vmem>>
      %dma_wait3A_40 = arith.constant 0 : i32
      %dma_wait3A_41 = arith.constant 0 : i32
      %dma_wait3A_42 = tpu.memref_slice %arg3[%dma_wait3A_40, %dma_wait3A_41] : memref<104000x128xf32, #tpu.memory_space<hbm>> -> memref<104000x128xf32, #tpu.memory_space<hbm>>
      tpu.wait_indirect_dma semaphore(%arg8 : memref<!tpu.dma_semaphore, #tpu.memory_space<semaphore_mem>>) src(%dma_wait3A_42 : memref<104000x128xf32, #tpu.memory_space<hbm>>) dst(%arg6 : memref<128x128xf32, #tpu.memory_space<vmem>>)
      %mul3A_43 = arith.constant 128 : i32
      %mul3A_44 = arith.muli %mul3A_21, %mul3A_43 : i32
      %add3A_45 = arith.addi %mul3A_2, %mul3A_44 : i32
      %dma_start3A_46 = arith.constant 0 : i32
      %dma_start3A_47 = tpu.memref_slice %arg4[%add3A_45, %dma_start3A_46] : memref<106496x128xf32, #tpu.memory_space<hbm>> -> memref<128x128xf32, #tpu.memory_space<hbm>>
      %dma_start3A_48 = arith.constant 0 : i32
      %dma_start3A_49 = tpu.memref_slice %arg4[%add3A_45, %dma_start3A_48] : memref<106496x128xf32, #tpu.memory_space<hbm>> -> memref<128x128xf32, #tpu.memory_space<hbm>>
      tpu.enqueue_dma source(%arg6 : memref<128x128xf32, #tpu.memory_space<vmem>>) target(%dma_start3A_49 : memref<128x128xf32, #tpu.memory_space<hbm>>) target_semaphore(%arg10 : memref<!tpu.dma_semaphore, #tpu.memory_space<semaphore_mem>>)
      %dma_wait3A_50 = arith.constant 0 : i32
      %dma_wait3A_51 = tpu.memref_slice %arg5[%add3A_23, %dma_wait3A_50] : memref<26x128xi32, #tpu.memory_space<vmem>> -> memref<1x128xi32, #tpu.memory_space<vmem>>
      %dma_wait3A_52 = tpu.memref_squeeze %dma_wait3A_51 : memref<1x128xi32, #tpu.memory_space<vmem>> -> memref<128xi32, #tpu.memory_space<vmem>>
      %dma_wait3A_53 = arith.constant 0 : i32
      %dma_wait3A_54 = arith.constant 0 : i32
      %dma_wait3A_55 = tpu.memref_slice %arg3[%dma_wait3A_53, %dma_wait3A_54] : memref<104000x128xf32, #tpu.memory_space<hbm>> -> memref<104000x128xf32, #tpu.memory_space<hbm>>
      tpu.wait_indirect_dma semaphore(%arg9 : memref<!tpu.dma_semaphore, #tpu.memory_space<semaphore_mem>>) src(%dma_wait3A_55 : memref<104000x128xf32, #tpu.memory_space<hbm>>) dst(%arg7 : memref<128x128xf32, #tpu.memory_space<vmem>>)
      %mul3A_56 = arith.constant 128 : i32
      %mul3A_57 = arith.muli %add3A_23, %mul3A_56 : i32
      %add3A_58 = arith.addi %mul3A_2, %mul3A_57 : i32
      %dma_start3A_59 = arith.constant 0 : i32
      %dma_start3A_60 = tpu.memref_slice %arg4[%add3A_58, %dma_start3A_59] : memref<106496x128xf32, #tpu.memory_space<hbm>> -> memref<128x128xf32, #tpu.memory_space<hbm>>
      %dma_start3A_61 = arith.constant 0 : i32
      %dma_start3A_62 = tpu.memref_slice %arg4[%add3A_58, %dma_start3A_61] : memref<106496x128xf32, #tpu.memory_space<hbm>> -> memref<128x128xf32, #tpu.memory_space<hbm>>
      tpu.enqueue_dma source(%arg7 : memref<128x128xf32, #tpu.memory_space<vmem>>) target(%dma_start3A_62 : memref<128x128xf32, #tpu.memory_space<hbm>>) target_semaphore(%arg11 : memref<!tpu.dma_semaphore, #tpu.memory_space<semaphore_mem>>)
    }
    %scan3A_7 = arith.constant 13 : i32
    %dma_wait3A = arith.constant 0 : i32
    %dma_wait3A_8 = arith.constant 0 : i32
    %dma_wait3A_9 = tpu.memref_slice %arg4[%dma_wait3A, %dma_wait3A_8] : memref<106496x128xf32, #tpu.memory_space<hbm>> -> memref<128x128xf32, #tpu.memory_space<hbm>>
    %dma_wait3A_10 = arith.constant 0 : i32
    %dma_wait3A_11 = arith.constant 0 : i32
    %dma_wait3A_12 = tpu.memref_slice %arg4[%dma_wait3A_10, %dma_wait3A_11] : memref<106496x128xf32, #tpu.memory_space<hbm>> -> memref<128x128xf32, #tpu.memory_space<hbm>>
    tpu.wait_dma2 semaphore(%arg10 : memref<!tpu.dma_semaphore, #tpu.memory_space<semaphore_mem>>) src(%arg6 : memref<128x128xf32, #tpu.memory_space<vmem>>) dst(%dma_wait3A_12 : memref<128x128xf32, #tpu.memory_space<hbm>>)
    %dma_wait3A_13 = arith.constant 0 : i32
    %dma_wait3A_14 = arith.constant 0 : i32
    %dma_wait3A_15 = tpu.memref_slice %arg4[%dma_wait3A_13, %dma_wait3A_14] : memref<106496x128xf32, #tpu.memory_space<hbm>> -> memref<128x128xf32, #tpu.memory_space<hbm>>
    %dma_wait3A_16 = arith.constant 0 : i32
    %dma_wait3A_17 = arith.constant 0 : i32
    %dma_wait3A_18 = tpu.memref_slice %arg4[%dma_wait3A_16, %dma_wait3A_17] : memref<106496x128xf32, #tpu.memory_space<hbm>> -> memref<128x128xf32, #tpu.memory_space<hbm>>
    tpu.wait_dma2 semaphore(%arg11 : memref<!tpu.dma_semaphore, #tpu.memory_space<semaphore_mem>>) src(%arg7 : memref<128x128xf32, #tpu.memory_space<vmem>>) dst(%dma_wait3A_18 : memref<128x128xf32, #tpu.memory_space<hbm>>)
    return
  }
}

#map = affine_map<(d0, d1) -> (0, 0, 0)>
#map1 = affine_map<(d0, d1) -> (0, 0)>
module attributes {stable_mosaic.version = 14 : i64} {
  func.func @_sc_emb_body(%arg0: i32, %arg1: i32, %arg2: memref<32x26x128xi32, #tpu.memory_space<hbm>>, %arg3: memref<104000x128xf32, #tpu.memory_space<hbm>>, %arg4: memref<106496x128xf32, #tpu.memory_space<hbm>>, %arg5: memref<26x128xi32, #tpu.memory_space<vmem>>, %arg6: memref<128x128xf32, #tpu.memory_space<vmem>>, %arg7: memref<128x128xf32, #tpu.memory_space<vmem>>, %arg8: memref<!tpu.dma_semaphore, #tpu.memory_space<semaphore_mem>>, %arg9: memref<!tpu.dma_semaphore, #tpu.memory_space<semaphore_mem>>, %arg10: memref<!tpu.dma_semaphore, #tpu.memory_space<semaphore_mem>>, %arg11: memref<!tpu.dma_semaphore, #tpu.memory_space<semaphore_mem>>) attributes {dimension_semantics = [#tpu.dimension_semantics<core_parallel>, #tpu.dimension_semantics<subcore_parallel>], iteration_bounds = array<i64: 2, 16>, scalar_prefetch = 0 : i64, scratch_operands = 7 : i64, tpu.core_type = #tpu.core_type<sc_vector_subcore>, window_params = [{transform_indices = #map}, {transform_indices = #map1}, {transform_indices = #map1}]} {
    %mul3A = arith.constant 2 : i32
    %mul3A_0 = arith.muli %arg1, %mul3A : i32
    %add3A = arith.addi %mul3A_0, %arg0 : i32
    %mul3A_1 = arith.constant 3328 : i32
    %mul3A_2 = arith.muli %add3A, %mul3A_1 : i32
    "tpu.region"() ({
      %run_scoped3A = tpu.sem_alloc : memref<!tpu.dma_semaphore, #tpu.memory_space<semaphore_mem>>
      %dma_start3A = arith.constant 0 : i32
      %dma_start3A_19 = arith.constant 0 : i32
      %dma_start3A_20 = tpu.memref_slice %arg2[%add3A, %dma_start3A, %dma_start3A_19] : memref<32x26x128xi32, #tpu.memory_space<hbm>> -> memref<1x26x128xi32, #tpu.memory_space<hbm>>
      %dma_start3A_21 = tpu.memref_squeeze %dma_start3A_20 : memref<1x26x128xi32, #tpu.memory_space<hbm>> -> memref<26x128xi32, #tpu.memory_space<hbm>>
      %dma_start3A_22 = arith.constant 0 : i32
      %dma_start3A_23 = arith.constant 0 : i32
      %dma_start3A_24 = tpu.memref_slice %arg2[%add3A, %dma_start3A_22, %dma_start3A_23] : memref<32x26x128xi32, #tpu.memory_space<hbm>> -> memref<1x26x128xi32, #tpu.memory_space<hbm>>
      %dma_start3A_25 = tpu.memref_squeeze %dma_start3A_24 : memref<1x26x128xi32, #tpu.memory_space<hbm>> -> memref<26x128xi32, #tpu.memory_space<hbm>>
      tpu.enqueue_dma source(%dma_start3A_25 : memref<26x128xi32, #tpu.memory_space<hbm>>) target(%arg5 : memref<26x128xi32, #tpu.memory_space<vmem>>) target_semaphore(%run_scoped3A : memref<!tpu.dma_semaphore, #tpu.memory_space<semaphore_mem>>)
      %dma_wait3A_26 = arith.constant 0 : i32
      %dma_wait3A_27 = arith.constant 0 : i32
      %dma_wait3A_28 = tpu.memref_slice %arg2[%add3A, %dma_wait3A_26, %dma_wait3A_27] : memref<32x26x128xi32, #tpu.memory_space<hbm>> -> memref<1x26x128xi32, #tpu.memory_space<hbm>>
      %dma_wait3A_29 = tpu.memref_squeeze %dma_wait3A_28 : memref<1x26x128xi32, #tpu.memory_space<hbm>> -> memref<26x128xi32, #tpu.memory_space<hbm>>
      %dma_wait3A_30 = arith.constant 0 : i32
      %dma_wait3A_31 = arith.constant 0 : i32
      %dma_wait3A_32 = tpu.memref_slice %arg2[%add3A, %dma_wait3A_30, %dma_wait3A_31] : memref<32x26x128xi32, #tpu.memory_space<hbm>> -> memref<1x26x128xi32, #tpu.memory_space<hbm>>
      %dma_wait3A_33 = tpu.memref_squeeze %dma_wait3A_32 : memref<1x26x128xi32, #tpu.memory_space<hbm>> -> memref<26x128xi32, #tpu.memory_space<hbm>>
      tpu.wait_dma2 semaphore(%run_scoped3A : memref<!tpu.dma_semaphore, #tpu.memory_space<semaphore_mem>>) src(%dma_wait3A_33 : memref<26x128xi32, #tpu.memory_space<hbm>>) dst(%arg5 : memref<26x128xi32, #tpu.memory_space<vmem>>)
      tpu.yield
    }) : () -> ()
    %scan3A = arith.constant 0 : i32
    %scan3A_3 = arith.constant 0 : i32
    %scan3A_4 = arith.constant 13 : i32
    %scan3A_5 = arith.addi %scan3A_3, %scan3A_4 : i32
    %scan3A_6 = arith.constant 1 : i32
    scf.for %scan3A_19 = %scan3A_3 to %scan3A_5 step %scan3A_6  : i32 {
      %mul3A_20 = arith.constant 2 : i32
      %mul3A_21 = arith.muli %scan3A_19, %mul3A_20 : i32
      %add3A_22 = arith.constant 1 : i32
      %add3A_23 = arith.addi %mul3A_21, %add3A_22 : i32
      %gt3A = arith.constant 0 : i32
      %gt3A_24 = arith.cmpi sgt, %scan3A_19, %gt3A : i32
      %convert_element_type3A = arith.extui %gt3A_24 : i1 to i32
      %cond3A = arith.constant 0 : i32
      %cond3A_25 = arith.cmpi ne, %convert_element_type3A, %cond3A : i32
      scf.if %cond3A_25 {
        %dma_wait3A_63 = arith.constant 0 : i32
        %dma_wait3A_64 = arith.constant 0 : i32
        %dma_wait3A_65 = tpu.memref_slice %arg4[%dma_wait3A_63, %dma_wait3A_64] : memref<106496x128xf32, #tpu.memory_space<hbm>> -> memref<128x128xf32, #tpu.memory_space<hbm>>
        %dma_wait3A_66 = arith.constant 0 : i32
        %dma_wait3A_67 = arith.constant 0 : i32
        %dma_wait3A_68 = tpu.memref_slice %arg4[%dma_wait3A_66, %dma_wait3A_67] : memref<106496x128xf32, #tpu.memory_space<hbm>> -> memref<128x128xf32, #tpu.memory_space<hbm>>
        tpu.wait_dma2 semaphore(%arg10 : memref<!tpu.dma_semaphore, #tpu.memory_space<semaphore_mem>>) src(%arg6 : memref<128x128xf32, #tpu.memory_space<vmem>>) dst(%dma_wait3A_68 : memref<128x128xf32, #tpu.memory_space<hbm>>)
        %dma_wait3A_69 = arith.constant 0 : i32
        %dma_wait3A_70 = arith.constant 0 : i32
        %dma_wait3A_71 = tpu.memref_slice %arg4[%dma_wait3A_69, %dma_wait3A_70] : memref<106496x128xf32, #tpu.memory_space<hbm>> -> memref<128x128xf32, #tpu.memory_space<hbm>>
        %dma_wait3A_72 = arith.constant 0 : i32
        %dma_wait3A_73 = arith.constant 0 : i32
        %dma_wait3A_74 = tpu.memref_slice %arg4[%dma_wait3A_72, %dma_wait3A_73] : memref<106496x128xf32, #tpu.memory_space<hbm>> -> memref<128x128xf32, #tpu.memory_space<hbm>>
        tpu.wait_dma2 semaphore(%arg11 : memref<!tpu.dma_semaphore, #tpu.memory_space<semaphore_mem>>) src(%arg7 : memref<128x128xf32, #tpu.memory_space<vmem>>) dst(%dma_wait3A_74 : memref<128x128xf32, #tpu.memory_space<hbm>>)
      } else {
      }
      %dma_start3A = arith.constant 0 : i32
      %dma_start3A_26 = tpu.memref_slice %arg5[%mul3A_21, %dma_start3A] : memref<26x128xi32, #tpu.memory_space<vmem>> -> memref<1x128xi32, #tpu.memory_space<vmem>>
      %dma_start3A_27 = tpu.memref_squeeze %dma_start3A_26 : memref<1x128xi32, #tpu.memory_space<vmem>> -> memref<128xi32, #tpu.memory_space<vmem>>
      %dma_start3A_28 = arith.constant 0 : i32
      %dma_start3A_29 = arith.constant 0 : i32
      %dma_start3A_30 = tpu.memref_slice %arg3[%dma_start3A_28, %dma_start3A_29] : memref<104000x128xf32, #tpu.memory_space<hbm>> -> memref<104000x128xf32, #tpu.memory_space<hbm>>
      tpu.enqueue_indirect_dma source(%dma_start3A_30 : memref<104000x128xf32, #tpu.memory_space<hbm>>) target(%arg6 : memref<128x128xf32, #tpu.memory_space<vmem>>) offsets(%dma_start3A_27 : memref<128xi32, #tpu.memory_space<vmem>>) semaphore(%arg8 : memref<!tpu.dma_semaphore, #tpu.memory_space<semaphore_mem>>)
      %dma_start3A_31 = arith.constant 0 : i32
      %dma_start3A_32 = tpu.memref_slice %arg5[%add3A_23, %dma_start3A_31] : memref<26x128xi32, #tpu.memory_space<vmem>> -> memref<1x128xi32, #tpu.memory_space<vmem>>
      %dma_start3A_33 = tpu.memref_squeeze %dma_start3A_32 : memref<1x128xi32, #tpu.memory_space<vmem>> -> memref<128xi32, #tpu.memory_space<vmem>>
      %dma_start3A_34 = arith.constant 0 : i32
      %dma_start3A_35 = arith.constant 0 : i32
      %dma_start3A_36 = tpu.memref_slice %arg3[%dma_start3A_34, %dma_start3A_35] : memref<104000x128xf32, #tpu.memory_space<hbm>> -> memref<104000x128xf32, #tpu.memory_space<hbm>>
      tpu.enqueue_indirect_dma source(%dma_start3A_36 : memref<104000x128xf32, #tpu.memory_space<hbm>>) target(%arg7 : memref<128x128xf32, #tpu.memory_space<vmem>>) offsets(%dma_start3A_33 : memref<128xi32, #tpu.memory_space<vmem>>) semaphore(%arg9 : memref<!tpu.dma_semaphore, #tpu.memory_space<semaphore_mem>>)
      %dma_wait3A_37 = arith.constant 0 : i32
      %dma_wait3A_38 = tpu.memref_slice %arg5[%mul3A_21, %dma_wait3A_37] : memref<26x128xi32, #tpu.memory_space<vmem>> -> memref<1x128xi32, #tpu.memory_space<vmem>>
      %dma_wait3A_39 = tpu.memref_squeeze %dma_wait3A_38 : memref<1x128xi32, #tpu.memory_space<vmem>> -> memref<128xi32, #tpu.memory_space<vmem>>
      %dma_wait3A_40 = arith.constant 0 : i32
      %dma_wait3A_41 = arith.constant 0 : i32
      %dma_wait3A_42 = tpu.memref_slice %arg3[%dma_wait3A_40, %dma_wait3A_41] : memref<104000x128xf32, #tpu.memory_space<hbm>> -> memref<104000x128xf32, #tpu.memory_space<hbm>>
      tpu.wait_indirect_dma semaphore(%arg8 : memref<!tpu.dma_semaphore, #tpu.memory_space<semaphore_mem>>) src(%dma_wait3A_42 : memref<104000x128xf32, #tpu.memory_space<hbm>>) dst(%arg6 : memref<128x128xf32, #tpu.memory_space<vmem>>)
      %mul3A_43 = arith.constant 128 : i32
      %mul3A_44 = arith.muli %mul3A_21, %mul3A_43 : i32
      %add3A_45 = arith.addi %mul3A_2, %mul3A_44 : i32
      %dma_start3A_46 = arith.constant 0 : i32
      %dma_start3A_47 = tpu.memref_slice %arg4[%add3A_45, %dma_start3A_46] : memref<106496x128xf32, #tpu.memory_space<hbm>> -> memref<128x128xf32, #tpu.memory_space<hbm>>
      %dma_start3A_48 = arith.constant 0 : i32
      %dma_start3A_49 = tpu.memref_slice %arg4[%add3A_45, %dma_start3A_48] : memref<106496x128xf32, #tpu.memory_space<hbm>> -> memref<128x128xf32, #tpu.memory_space<hbm>>
      tpu.enqueue_dma source(%arg6 : memref<128x128xf32, #tpu.memory_space<vmem>>) target(%dma_start3A_49 : memref<128x128xf32, #tpu.memory_space<hbm>>) target_semaphore(%arg10 : memref<!tpu.dma_semaphore, #tpu.memory_space<semaphore_mem>>)
      %dma_wait3A_50 = arith.constant 0 : i32
      %dma_wait3A_51 = tpu.memref_slice %arg5[%add3A_23, %dma_wait3A_50] : memref<26x128xi32, #tpu.memory_space<vmem>> -> memref<1x128xi32, #tpu.memory_space<vmem>>
      %dma_wait3A_52 = tpu.memref_squeeze %dma_wait3A_51 : memref<1x128xi32, #tpu.memory_space<vmem>> -> memref<128xi32, #tpu.memory_space<vmem>>
      %dma_wait3A_53 = arith.constant 0 : i32
      %dma_wait3A_54 = arith.constant 0 : i32
      %dma_wait3A_55 = tpu.memref_slice %arg3[%dma_wait3A_53, %dma_wait3A_54] : memref<104000x128xf32, #tpu.memory_space<hbm>> -> memref<104000x128xf32, #tpu.memory_space<hbm>>
      tpu.wait_indirect_dma semaphore(%arg9 : memref<!tpu.dma_semaphore, #tpu.memory_space<semaphore_mem>>) src(%dma_wait3A_55 : memref<104000x128xf32, #tpu.memory_space<hbm>>) dst(%arg7 : memref<128x128xf32, #tpu.memory_space<vmem>>)
      %mul3A_56 = arith.constant 128 : i32
      %mul3A_57 = arith.muli %add3A_23, %mul3A_56 : i32
      %add3A_58 = arith.addi %mul3A_2, %mul3A_57 : i32
      %dma_start3A_59 = arith.constant 0 : i32
      %dma_start3A_60 = tpu.memref_slice %arg4[%add3A_58, %dma_start3A_59] : memref<106496x128xf32, #tpu.memory_space<hbm>> -> memref<128x128xf32, #tpu.memory_space<hbm>>
      %dma_start3A_61 = arith.constant 0 : i32
      %dma_start3A_62 = tpu.memref_slice %arg4[%add3A_58, %dma_start3A_61] : memref<106496x128xf32, #tpu.memory_space<hbm>> -> memref<128x128xf32, #tpu.memory_space<hbm>>
      tpu.enqueue_dma source(%arg7 : memref<128x128xf32, #tpu.memory_space<vmem>>) target(%dma_start3A_62 : memref<128x128xf32, #tpu.memory_space<hbm>>) target_semaphore(%arg11 : memref<!tpu.dma_semaphore, #tpu.memory_space<semaphore_mem>>)
    }
    %scan3A_7 = arith.constant 13 : i32
    %dma_wait3A = arith.constant 0 : i32
    %dma_wait3A_8 = arith.constant 0 : i32
    %dma_wait3A_9 = tpu.memref_slice %arg4[%dma_wait3A, %dma_wait3A_8] : memref<106496x128xf32, #tpu.memory_space<hbm>> -> memref<128x128xf32, #tpu.memory_space<hbm>>
    %dma_wait3A_10 = arith.constant 0 : i32
    %dma_wait3A_11 = arith.constant 0 : i32
    %dma_wait3A_12 = tpu.memref_slice %arg4[%dma_wait3A_10, %dma_wait3A_11] : memref<106496x128xf32, #tpu.memory_space<hbm>> -> memref<128x128xf32, #tpu.memory_space<hbm>>
    tpu.wait_dma2 semaphore(%arg10 : memref<!tpu.dma_semaphore, #tpu.memory_space<semaphore_mem>>) src(%arg6 : memref<128x128xf32, #tpu.memory_space<vmem>>) dst(%dma_wait3A_12 : memref<128x128xf32, #tpu.memory_space<hbm>>)
    %dma_wait3A_13 = arith.constant 0 : i32
    %dma_wait3A_14 = arith.constant 0 : i32
    %dma_wait3A_15 = tpu.memref_slice %arg4[%dma_wait3A_13, %dma_wait3A_14] : memref<106496x128xf32, #tpu.memory_space<hbm>> -> memref<128x128xf32, #tpu.memory_space<hbm>>
    %dma_wait3A_16 = arith.constant 0 : i32
    %dma_wait3A_17 = arith.constant 0 : i32
    %dma_wait3A_18 = tpu.memref_slice %arg4[%dma_wait3A_16, %dma_wait3A_17] : memref<106496x128xf32, #tpu.memory_space<hbm>> -> memref<128x128xf32, #tpu.memory_space<hbm>>
    tpu.wait_dma2 semaphore(%arg11 : memref<!tpu.dma_semaphore, #tpu.memory_space<semaphore_mem>>) src(%arg7 : memref<128x128xf32, #tpu.memory_space<vmem>>) dst(%dma_wait3A_18 : memref<128x128xf32, #tpu.memory_space<hbm>>)
    return
  }
}

#map = affine_map<(d0, d1) -> (0, 0, 0)>
#map1 = affine_map<(d0, d1) -> (0, 0)>
module attributes {stable_mosaic.version = 14 : i64} {
  func.func @_sc_emb_body(%arg0: i32, %arg1: i32, %arg2: memref<32x26x128xi32, #tpu.memory_space<hbm>>, %arg3: memref<104000x128xf32, #tpu.memory_space<hbm>>, %arg4: memref<106496x128xf32, #tpu.memory_space<hbm>>, %arg5: memref<26x128xi32, #tpu.memory_space<vmem>>, %arg6: memref<128x128xf32, #tpu.memory_space<vmem>>, %arg7: memref<128x128xf32, #tpu.memory_space<vmem>>, %arg8: memref<!tpu.dma_semaphore, #tpu.memory_space<semaphore_mem>>, %arg9: memref<!tpu.dma_semaphore, #tpu.memory_space<semaphore_mem>>, %arg10: memref<!tpu.dma_semaphore, #tpu.memory_space<semaphore_mem>>, %arg11: memref<!tpu.dma_semaphore, #tpu.memory_space<semaphore_mem>>) attributes {dimension_semantics = [#tpu.dimension_semantics<core_parallel>, #tpu.dimension_semantics<subcore_parallel>], iteration_bounds = array<i64: 2, 16>, scalar_prefetch = 0 : i64, scratch_operands = 7 : i64, tpu.core_type = #tpu.core_type<sc_vector_subcore>, window_params = [{transform_indices = #map}, {transform_indices = #map1}, {transform_indices = #map1}]} {
    %mul3A = arith.constant 2 : i32
    %mul3A_0 = arith.muli %arg1, %mul3A : i32
    %add3A = arith.addi %mul3A_0, %arg0 : i32
    %mul3A_1 = arith.constant 3328 : i32
    %mul3A_2 = arith.muli %add3A, %mul3A_1 : i32
    "tpu.region"() ({
      %run_scoped3A = tpu.sem_alloc : memref<!tpu.dma_semaphore, #tpu.memory_space<semaphore_mem>>
      %dma_start3A = arith.constant 0 : i32
      %dma_start3A_19 = arith.constant 0 : i32
      %dma_start3A_20 = tpu.memref_slice %arg2[%add3A, %dma_start3A, %dma_start3A_19] : memref<32x26x128xi32, #tpu.memory_space<hbm>> -> memref<1x26x128xi32, #tpu.memory_space<hbm>>
      %dma_start3A_21 = tpu.memref_squeeze %dma_start3A_20 : memref<1x26x128xi32, #tpu.memory_space<hbm>> -> memref<26x128xi32, #tpu.memory_space<hbm>>
      %dma_start3A_22 = arith.constant 0 : i32
      %dma_start3A_23 = arith.constant 0 : i32
      %dma_start3A_24 = tpu.memref_slice %arg2[%add3A, %dma_start3A_22, %dma_start3A_23] : memref<32x26x128xi32, #tpu.memory_space<hbm>> -> memref<1x26x128xi32, #tpu.memory_space<hbm>>
      %dma_start3A_25 = tpu.memref_squeeze %dma_start3A_24 : memref<1x26x128xi32, #tpu.memory_space<hbm>> -> memref<26x128xi32, #tpu.memory_space<hbm>>
      tpu.enqueue_dma source(%dma_start3A_25 : memref<26x128xi32, #tpu.memory_space<hbm>>) target(%arg5 : memref<26x128xi32, #tpu.memory_space<vmem>>) target_semaphore(%run_scoped3A : memref<!tpu.dma_semaphore, #tpu.memory_space<semaphore_mem>>)
      %dma_wait3A_26 = arith.constant 0 : i32
      %dma_wait3A_27 = arith.constant 0 : i32
      %dma_wait3A_28 = tpu.memref_slice %arg2[%add3A, %dma_wait3A_26, %dma_wait3A_27] : memref<32x26x128xi32, #tpu.memory_space<hbm>> -> memref<1x26x128xi32, #tpu.memory_space<hbm>>
      %dma_wait3A_29 = tpu.memref_squeeze %dma_wait3A_28 : memref<1x26x128xi32, #tpu.memory_space<hbm>> -> memref<26x128xi32, #tpu.memory_space<hbm>>
      %dma_wait3A_30 = arith.constant 0 : i32
      %dma_wait3A_31 = arith.constant 0 : i32
      %dma_wait3A_32 = tpu.memref_slice %arg2[%add3A, %dma_wait3A_30, %dma_wait3A_31] : memref<32x26x128xi32, #tpu.memory_space<hbm>> -> memref<1x26x128xi32, #tpu.memory_space<hbm>>
      %dma_wait3A_33 = tpu.memref_squeeze %dma_wait3A_32 : memref<1x26x128xi32, #tpu.memory_space<hbm>> -> memref<26x128xi32, #tpu.memory_space<hbm>>
      tpu.wait_dma2 semaphore(%run_scoped3A : memref<!tpu.dma_semaphore, #tpu.memory_space<semaphore_mem>>) src(%dma_wait3A_33 : memref<26x128xi32, #tpu.memory_space<hbm>>) dst(%arg5 : memref<26x128xi32, #tpu.memory_space<vmem>>)
      tpu.yield
    }) : () -> ()
    %scan3A = arith.constant 0 : i32
    %scan3A_3 = arith.constant 0 : i32
    %scan3A_4 = arith.constant 13 : i32
    %scan3A_5 = arith.addi %scan3A_3, %scan3A_4 : i32
    %scan3A_6 = arith.constant 1 : i32
    scf.for %scan3A_19 = %scan3A_3 to %scan3A_5 step %scan3A_6  : i32 {
      %mul3A_20 = arith.constant 2 : i32
      %mul3A_21 = arith.muli %scan3A_19, %mul3A_20 : i32
      %add3A_22 = arith.constant 1 : i32
      %add3A_23 = arith.addi %mul3A_21, %add3A_22 : i32
      %gt3A = arith.constant 0 : i32
      %gt3A_24 = arith.cmpi sgt, %scan3A_19, %gt3A : i32
      %convert_element_type3A = arith.extui %gt3A_24 : i1 to i32
      %cond3A = arith.constant 0 : i32
      %cond3A_25 = arith.cmpi ne, %convert_element_type3A, %cond3A : i32
      scf.if %cond3A_25 {
        %dma_wait3A_63 = arith.constant 0 : i32
        %dma_wait3A_64 = arith.constant 0 : i32
        %dma_wait3A_65 = tpu.memref_slice %arg4[%dma_wait3A_63, %dma_wait3A_64] : memref<106496x128xf32, #tpu.memory_space<hbm>> -> memref<128x128xf32, #tpu.memory_space<hbm>>
        %dma_wait3A_66 = arith.constant 0 : i32
        %dma_wait3A_67 = arith.constant 0 : i32
        %dma_wait3A_68 = tpu.memref_slice %arg4[%dma_wait3A_66, %dma_wait3A_67] : memref<106496x128xf32, #tpu.memory_space<hbm>> -> memref<128x128xf32, #tpu.memory_space<hbm>>
        tpu.wait_dma2 semaphore(%arg10 : memref<!tpu.dma_semaphore, #tpu.memory_space<semaphore_mem>>) src(%arg6 : memref<128x128xf32, #tpu.memory_space<vmem>>) dst(%dma_wait3A_68 : memref<128x128xf32, #tpu.memory_space<hbm>>)
        %dma_wait3A_69 = arith.constant 0 : i32
        %dma_wait3A_70 = arith.constant 0 : i32
        %dma_wait3A_71 = tpu.memref_slice %arg4[%dma_wait3A_69, %dma_wait3A_70] : memref<106496x128xf32, #tpu.memory_space<hbm>> -> memref<128x128xf32, #tpu.memory_space<hbm>>
        %dma_wait3A_72 = arith.constant 0 : i32
        %dma_wait3A_73 = arith.constant 0 : i32
        %dma_wait3A_74 = tpu.memref_slice %arg4[%dma_wait3A_72, %dma_wait3A_73] : memref<106496x128xf32, #tpu.memory_space<hbm>> -> memref<128x128xf32, #tpu.memory_space<hbm>>
        tpu.wait_dma2 semaphore(%arg11 : memref<!tpu.dma_semaphore, #tpu.memory_space<semaphore_mem>>) src(%arg7 : memref<128x128xf32, #tpu.memory_space<vmem>>) dst(%dma_wait3A_74 : memref<128x128xf32, #tpu.memory_space<hbm>>)
      } else {
      }
      %dma_start3A = arith.constant 0 : i32
      %dma_start3A_26 = tpu.memref_slice %arg5[%mul3A_21, %dma_start3A] : memref<26x128xi32, #tpu.memory_space<vmem>> -> memref<1x128xi32, #tpu.memory_space<vmem>>
      %dma_start3A_27 = tpu.memref_squeeze %dma_start3A_26 : memref<1x128xi32, #tpu.memory_space<vmem>> -> memref<128xi32, #tpu.memory_space<vmem>>
      %dma_start3A_28 = arith.constant 0 : i32
      %dma_start3A_29 = arith.constant 0 : i32
      %dma_start3A_30 = tpu.memref_slice %arg3[%dma_start3A_28, %dma_start3A_29] : memref<104000x128xf32, #tpu.memory_space<hbm>> -> memref<104000x128xf32, #tpu.memory_space<hbm>>
      tpu.enqueue_indirect_dma source(%dma_start3A_30 : memref<104000x128xf32, #tpu.memory_space<hbm>>) target(%arg6 : memref<128x128xf32, #tpu.memory_space<vmem>>) offsets(%dma_start3A_27 : memref<128xi32, #tpu.memory_space<vmem>>) semaphore(%arg8 : memref<!tpu.dma_semaphore, #tpu.memory_space<semaphore_mem>>)
      %dma_start3A_31 = arith.constant 0 : i32
      %dma_start3A_32 = tpu.memref_slice %arg5[%add3A_23, %dma_start3A_31] : memref<26x128xi32, #tpu.memory_space<vmem>> -> memref<1x128xi32, #tpu.memory_space<vmem>>
      %dma_start3A_33 = tpu.memref_squeeze %dma_start3A_32 : memref<1x128xi32, #tpu.memory_space<vmem>> -> memref<128xi32, #tpu.memory_space<vmem>>
      %dma_start3A_34 = arith.constant 0 : i32
      %dma_start3A_35 = arith.constant 0 : i32
      %dma_start3A_36 = tpu.memref_slice %arg3[%dma_start3A_34, %dma_start3A_35] : memref<104000x128xf32, #tpu.memory_space<hbm>> -> memref<104000x128xf32, #tpu.memory_space<hbm>>
      tpu.enqueue_indirect_dma source(%dma_start3A_36 : memref<104000x128xf32, #tpu.memory_space<hbm>>) target(%arg7 : memref<128x128xf32, #tpu.memory_space<vmem>>) offsets(%dma_start3A_33 : memref<128xi32, #tpu.memory_space<vmem>>) semaphore(%arg9 : memref<!tpu.dma_semaphore, #tpu.memory_space<semaphore_mem>>)
      %dma_wait3A_37 = arith.constant 0 : i32
      %dma_wait3A_38 = tpu.memref_slice %arg5[%mul3A_21, %dma_wait3A_37] : memref<26x128xi32, #tpu.memory_space<vmem>> -> memref<1x128xi32, #tpu.memory_space<vmem>>
      %dma_wait3A_39 = tpu.memref_squeeze %dma_wait3A_38 : memref<1x128xi32, #tpu.memory_space<vmem>> -> memref<128xi32, #tpu.memory_space<vmem>>
      %dma_wait3A_40 = arith.constant 0 : i32
      %dma_wait3A_41 = arith.constant 0 : i32
      %dma_wait3A_42 = tpu.memref_slice %arg3[%dma_wait3A_40, %dma_wait3A_41] : memref<104000x128xf32, #tpu.memory_space<hbm>> -> memref<104000x128xf32, #tpu.memory_space<hbm>>
      tpu.wait_indirect_dma semaphore(%arg8 : memref<!tpu.dma_semaphore, #tpu.memory_space<semaphore_mem>>) src(%dma_wait3A_42 : memref<104000x128xf32, #tpu.memory_space<hbm>>) dst(%arg6 : memref<128x128xf32, #tpu.memory_space<vmem>>)
      %mul3A_43 = arith.constant 128 : i32
      %mul3A_44 = arith.muli %mul3A_21, %mul3A_43 : i32
      %add3A_45 = arith.addi %mul3A_2, %mul3A_44 : i32
      %dma_start3A_46 = arith.constant 0 : i32
      %dma_start3A_47 = tpu.memref_slice %arg4[%add3A_45, %dma_start3A_46] : memref<106496x128xf32, #tpu.memory_space<hbm>> -> memref<128x128xf32, #tpu.memory_space<hbm>>
      %dma_start3A_48 = arith.constant 0 : i32
      %dma_start3A_49 = tpu.memref_slice %arg4[%add3A_45, %dma_start3A_48] : memref<106496x128xf32, #tpu.memory_space<hbm>> -> memref<128x128xf32, #tpu.memory_space<hbm>>
      tpu.enqueue_dma source(%arg6 : memref<128x128xf32, #tpu.memory_space<vmem>>) target(%dma_start3A_49 : memref<128x128xf32, #tpu.memory_space<hbm>>) target_semaphore(%arg10 : memref<!tpu.dma_semaphore, #tpu.memory_space<semaphore_mem>>)
      %dma_wait3A_50 = arith.constant 0 : i32
      %dma_wait3A_51 = tpu.memref_slice %arg5[%add3A_23, %dma_wait3A_50] : memref<26x128xi32, #tpu.memory_space<vmem>> -> memref<1x128xi32, #tpu.memory_space<vmem>>
      %dma_wait3A_52 = tpu.memref_squeeze %dma_wait3A_51 : memref<1x128xi32, #tpu.memory_space<vmem>> -> memref<128xi32, #tpu.memory_space<vmem>>
      %dma_wait3A_53 = arith.constant 0 : i32
      %dma_wait3A_54 = arith.constant 0 : i32
      %dma_wait3A_55 = tpu.memref_slice %arg3[%dma_wait3A_53, %dma_wait3A_54] : memref<104000x128xf32, #tpu.memory_space<hbm>> -> memref<104000x128xf32, #tpu.memory_space<hbm>>
      tpu.wait_indirect_dma semaphore(%arg9 : memref<!tpu.dma_semaphore, #tpu.memory_space<semaphore_mem>>) src(%dma_wait3A_55 : memref<104000x128xf32, #tpu.memory_space<hbm>>) dst(%arg7 : memref<128x128xf32, #tpu.memory_space<vmem>>)
      %mul3A_56 = arith.constant 128 : i32
      %mul3A_57 = arith.muli %add3A_23, %mul3A_56 : i32
      %add3A_58 = arith.addi %mul3A_2, %mul3A_57 : i32
      %dma_start3A_59 = arith.constant 0 : i32
      %dma_start3A_60 = tpu.memref_slice %arg4[%add3A_58, %dma_start3A_59] : memref<106496x128xf32, #tpu.memory_space<hbm>> -> memref<128x128xf32, #tpu.memory_space<hbm>>
      %dma_start3A_61 = arith.constant 0 : i32
      %dma_start3A_62 = tpu.memref_slice %arg4[%add3A_58, %dma_start3A_61] : memref<106496x128xf32, #tpu.memory_space<hbm>> -> memref<128x128xf32, #tpu.memory_space<hbm>>
      tpu.enqueue_dma source(%arg7 : memref<128x128xf32, #tpu.memory_space<vmem>>) target(%dma_start3A_62 : memref<128x128xf32, #tpu.memory_space<hbm>>) target_semaphore(%arg11 : memref<!tpu.dma_semaphore, #tpu.memory_space<semaphore_mem>>)
    }
    %scan3A_7 = arith.constant 13 : i32
    %dma_wait3A = arith.constant 0 : i32
    %dma_wait3A_8 = arith.constant 0 : i32
    %dma_wait3A_9 = tpu.memref_slice %arg4[%dma_wait3A, %dma_wait3A_8] : memref<106496x128xf32, #tpu.memory_space<hbm>> -> memref<128x128xf32, #tpu.memory_space<hbm>>
    %dma_wait3A_10 = arith.constant 0 : i32
    %dma_wait3A_11 = arith.constant 0 : i32
    %dma_wait3A_12 = tpu.memref_slice %arg4[%dma_wait3A_10, %dma_wait3A_11] : memref<106496x128xf32, #tpu.memory_space<hbm>> -> memref<128x128xf32, #tpu.memory_space<hbm>>
    tpu.wait_dma2 semaphore(%arg10 : memref<!tpu.dma_semaphore, #tpu.memory_space<semaphore_mem>>) src(%arg6 : memref<128x128xf32, #tpu.memory_space<vmem>>) dst(%dma_wait3A_12 : memref<128x128xf32, #tpu.memory_space<hbm>>)
    %dma_wait3A_13 = arith.constant 0 : i32
    %dma_wait3A_14 = arith.constant 0 : i32
    %dma_wait3A_15 = tpu.memref_slice %arg4[%dma_wait3A_13, %dma_wait3A_14] : memref<106496x128xf32, #tpu.memory_space<hbm>> -> memref<128x128xf32, #tpu.memory_space<hbm>>
    %dma_wait3A_16 = arith.constant 0 : i32
    %dma_wait3A_17 = arith.constant 0 : i32
    %dma_wait3A_18 = tpu.memref_slice %arg4[%dma_wait3A_16, %dma_wait3A_17] : memref<106496x128xf32, #tpu.memory_space<hbm>> -> memref<128x128xf32, #tpu.memory_space<hbm>>
    tpu.wait_dma2 semaphore(%arg11 : memref<!tpu.dma_semaphore, #tpu.memory_space<semaphore_mem>>) src(%arg7 : memref<128x128xf32, #tpu.memory_space<vmem>>) dst(%dma_wait3A_18 : memref<128x128xf32, #tpu.memory_space<hbm>>)
    return
  }
}

#map = affine_map<(d0, d1) -> (0, 0, 0)>
#map1 = affine_map<(d0, d1) -> (0, 0)>
module attributes {stable_mosaic.version = 14 : i64} {
  func.func @_sc_emb_body(%arg0: i32, %arg1: i32, %arg2: memref<32x26x128xi32, #tpu.memory_space<hbm>>, %arg3: memref<104000x128xf32, #tpu.memory_space<hbm>>, %arg4: memref<106496x128xf32, #tpu.memory_space<hbm>>, %arg5: memref<26x128xi32, #tpu.memory_space<vmem>>, %arg6: memref<128x128xf32, #tpu.memory_space<vmem>>, %arg7: memref<128x128xf32, #tpu.memory_space<vmem>>, %arg8: memref<!tpu.dma_semaphore, #tpu.memory_space<semaphore_mem>>, %arg9: memref<!tpu.dma_semaphore, #tpu.memory_space<semaphore_mem>>, %arg10: memref<!tpu.dma_semaphore, #tpu.memory_space<semaphore_mem>>, %arg11: memref<!tpu.dma_semaphore, #tpu.memory_space<semaphore_mem>>) attributes {dimension_semantics = [#tpu.dimension_semantics<core_parallel>, #tpu.dimension_semantics<subcore_parallel>], iteration_bounds = array<i64: 2, 16>, scalar_prefetch = 0 : i64, scratch_operands = 7 : i64, tpu.core_type = #tpu.core_type<sc_vector_subcore>, window_params = [{transform_indices = #map}, {transform_indices = #map1}, {transform_indices = #map1}]} {
    %mul3A = arith.constant 2 : i32
    %mul3A_0 = arith.muli %arg1, %mul3A : i32
    %add3A = arith.addi %mul3A_0, %arg0 : i32
    %mul3A_1 = arith.constant 3328 : i32
    %mul3A_2 = arith.muli %add3A, %mul3A_1 : i32
    "tpu.region"() ({
      %run_scoped3A = tpu.sem_alloc : memref<!tpu.dma_semaphore, #tpu.memory_space<semaphore_mem>>
      %dma_start3A = arith.constant 0 : i32
      %dma_start3A_19 = arith.constant 0 : i32
      %dma_start3A_20 = tpu.memref_slice %arg2[%add3A, %dma_start3A, %dma_start3A_19] : memref<32x26x128xi32, #tpu.memory_space<hbm>> -> memref<1x26x128xi32, #tpu.memory_space<hbm>>
      %dma_start3A_21 = tpu.memref_squeeze %dma_start3A_20 : memref<1x26x128xi32, #tpu.memory_space<hbm>> -> memref<26x128xi32, #tpu.memory_space<hbm>>
      %dma_start3A_22 = arith.constant 0 : i32
      %dma_start3A_23 = arith.constant 0 : i32
      %dma_start3A_24 = tpu.memref_slice %arg2[%add3A, %dma_start3A_22, %dma_start3A_23] : memref<32x26x128xi32, #tpu.memory_space<hbm>> -> memref<1x26x128xi32, #tpu.memory_space<hbm>>
      %dma_start3A_25 = tpu.memref_squeeze %dma_start3A_24 : memref<1x26x128xi32, #tpu.memory_space<hbm>> -> memref<26x128xi32, #tpu.memory_space<hbm>>
      tpu.enqueue_dma source(%dma_start3A_25 : memref<26x128xi32, #tpu.memory_space<hbm>>) target(%arg5 : memref<26x128xi32, #tpu.memory_space<vmem>>) target_semaphore(%run_scoped3A : memref<!tpu.dma_semaphore, #tpu.memory_space<semaphore_mem>>)
      %dma_wait3A_26 = arith.constant 0 : i32
      %dma_wait3A_27 = arith.constant 0 : i32
      %dma_wait3A_28 = tpu.memref_slice %arg2[%add3A, %dma_wait3A_26, %dma_wait3A_27] : memref<32x26x128xi32, #tpu.memory_space<hbm>> -> memref<1x26x128xi32, #tpu.memory_space<hbm>>
      %dma_wait3A_29 = tpu.memref_squeeze %dma_wait3A_28 : memref<1x26x128xi32, #tpu.memory_space<hbm>> -> memref<26x128xi32, #tpu.memory_space<hbm>>
      %dma_wait3A_30 = arith.constant 0 : i32
      %dma_wait3A_31 = arith.constant 0 : i32
      %dma_wait3A_32 = tpu.memref_slice %arg2[%add3A, %dma_wait3A_30, %dma_wait3A_31] : memref<32x26x128xi32, #tpu.memory_space<hbm>> -> memref<1x26x128xi32, #tpu.memory_space<hbm>>
      %dma_wait3A_33 = tpu.memref_squeeze %dma_wait3A_32 : memref<1x26x128xi32, #tpu.memory_space<hbm>> -> memref<26x128xi32, #tpu.memory_space<hbm>>
      tpu.wait_dma2 semaphore(%run_scoped3A : memref<!tpu.dma_semaphore, #tpu.memory_space<semaphore_mem>>) src(%dma_wait3A_33 : memref<26x128xi32, #tpu.memory_space<hbm>>) dst(%arg5 : memref<26x128xi32, #tpu.memory_space<vmem>>)
      tpu.yield
    }) : () -> ()
    %scan3A = arith.constant 0 : i32
    %scan3A_3 = arith.constant 0 : i32
    %scan3A_4 = arith.constant 13 : i32
    %scan3A_5 = arith.addi %scan3A_3, %scan3A_4 : i32
    %scan3A_6 = arith.constant 1 : i32
    scf.for %scan3A_19 = %scan3A_3 to %scan3A_5 step %scan3A_6  : i32 {
      %mul3A_20 = arith.constant 2 : i32
      %mul3A_21 = arith.muli %scan3A_19, %mul3A_20 : i32
      %add3A_22 = arith.constant 1 : i32
      %add3A_23 = arith.addi %mul3A_21, %add3A_22 : i32
      %gt3A = arith.constant 0 : i32
      %gt3A_24 = arith.cmpi sgt, %scan3A_19, %gt3A : i32
      %convert_element_type3A = arith.extui %gt3A_24 : i1 to i32
      %cond3A = arith.constant 0 : i32
      %cond3A_25 = arith.cmpi ne, %convert_element_type3A, %cond3A : i32
      scf.if %cond3A_25 {
        %dma_wait3A_63 = arith.constant 0 : i32
        %dma_wait3A_64 = arith.constant 0 : i32
        %dma_wait3A_65 = tpu.memref_slice %arg4[%dma_wait3A_63, %dma_wait3A_64] : memref<106496x128xf32, #tpu.memory_space<hbm>> -> memref<128x128xf32, #tpu.memory_space<hbm>>
        %dma_wait3A_66 = arith.constant 0 : i32
        %dma_wait3A_67 = arith.constant 0 : i32
        %dma_wait3A_68 = tpu.memref_slice %arg4[%dma_wait3A_66, %dma_wait3A_67] : memref<106496x128xf32, #tpu.memory_space<hbm>> -> memref<128x128xf32, #tpu.memory_space<hbm>>
        tpu.wait_dma2 semaphore(%arg10 : memref<!tpu.dma_semaphore, #tpu.memory_space<semaphore_mem>>) src(%arg6 : memref<128x128xf32, #tpu.memory_space<vmem>>) dst(%dma_wait3A_68 : memref<128x128xf32, #tpu.memory_space<hbm>>)
        %dma_wait3A_69 = arith.constant 0 : i32
        %dma_wait3A_70 = arith.constant 0 : i32
        %dma_wait3A_71 = tpu.memref_slice %arg4[%dma_wait3A_69, %dma_wait3A_70] : memref<106496x128xf32, #tpu.memory_space<hbm>> -> memref<128x128xf32, #tpu.memory_space<hbm>>
        %dma_wait3A_72 = arith.constant 0 : i32
        %dma_wait3A_73 = arith.constant 0 : i32
        %dma_wait3A_74 = tpu.memref_slice %arg4[%dma_wait3A_72, %dma_wait3A_73] : memref<106496x128xf32, #tpu.memory_space<hbm>> -> memref<128x128xf32, #tpu.memory_space<hbm>>
        tpu.wait_dma2 semaphore(%arg11 : memref<!tpu.dma_semaphore, #tpu.memory_space<semaphore_mem>>) src(%arg7 : memref<128x128xf32, #tpu.memory_space<vmem>>) dst(%dma_wait3A_74 : memref<128x128xf32, #tpu.memory_space<hbm>>)
      } else {
      }
      %dma_start3A = arith.constant 0 : i32
      %dma_start3A_26 = tpu.memref_slice %arg5[%mul3A_21, %dma_start3A] : memref<26x128xi32, #tpu.memory_space<vmem>> -> memref<1x128xi32, #tpu.memory_space<vmem>>
      %dma_start3A_27 = tpu.memref_squeeze %dma_start3A_26 : memref<1x128xi32, #tpu.memory_space<vmem>> -> memref<128xi32, #tpu.memory_space<vmem>>
      %dma_start3A_28 = arith.constant 0 : i32
      %dma_start3A_29 = arith.constant 0 : i32
      %dma_start3A_30 = tpu.memref_slice %arg3[%dma_start3A_28, %dma_start3A_29] : memref<104000x128xf32, #tpu.memory_space<hbm>> -> memref<104000x128xf32, #tpu.memory_space<hbm>>
      tpu.enqueue_indirect_dma source(%dma_start3A_30 : memref<104000x128xf32, #tpu.memory_space<hbm>>) target(%arg6 : memref<128x128xf32, #tpu.memory_space<vmem>>) offsets(%dma_start3A_27 : memref<128xi32, #tpu.memory_space<vmem>>) semaphore(%arg8 : memref<!tpu.dma_semaphore, #tpu.memory_space<semaphore_mem>>)
      %dma_start3A_31 = arith.constant 0 : i32
      %dma_start3A_32 = tpu.memref_slice %arg5[%add3A_23, %dma_start3A_31] : memref<26x128xi32, #tpu.memory_space<vmem>> -> memref<1x128xi32, #tpu.memory_space<vmem>>
      %dma_start3A_33 = tpu.memref_squeeze %dma_start3A_32 : memref<1x128xi32, #tpu.memory_space<vmem>> -> memref<128xi32, #tpu.memory_space<vmem>>
      %dma_start3A_34 = arith.constant 0 : i32
      %dma_start3A_35 = arith.constant 0 : i32
      %dma_start3A_36 = tpu.memref_slice %arg3[%dma_start3A_34, %dma_start3A_35] : memref<104000x128xf32, #tpu.memory_space<hbm>> -> memref<104000x128xf32, #tpu.memory_space<hbm>>
      tpu.enqueue_indirect_dma source(%dma_start3A_36 : memref<104000x128xf32, #tpu.memory_space<hbm>>) target(%arg7 : memref<128x128xf32, #tpu.memory_space<vmem>>) offsets(%dma_start3A_33 : memref<128xi32, #tpu.memory_space<vmem>>) semaphore(%arg9 : memref<!tpu.dma_semaphore, #tpu.memory_space<semaphore_mem>>)
      %dma_wait3A_37 = arith.constant 0 : i32
      %dma_wait3A_38 = tpu.memref_slice %arg5[%mul3A_21, %dma_wait3A_37] : memref<26x128xi32, #tpu.memory_space<vmem>> -> memref<1x128xi32, #tpu.memory_space<vmem>>
      %dma_wait3A_39 = tpu.memref_squeeze %dma_wait3A_38 : memref<1x128xi32, #tpu.memory_space<vmem>> -> memref<128xi32, #tpu.memory_space<vmem>>
      %dma_wait3A_40 = arith.constant 0 : i32
      %dma_wait3A_41 = arith.constant 0 : i32
      %dma_wait3A_42 = tpu.memref_slice %arg3[%dma_wait3A_40, %dma_wait3A_41] : memref<104000x128xf32, #tpu.memory_space<hbm>> -> memref<104000x128xf32, #tpu.memory_space<hbm>>
      tpu.wait_indirect_dma semaphore(%arg8 : memref<!tpu.dma_semaphore, #tpu.memory_space<semaphore_mem>>) src(%dma_wait3A_42 : memref<104000x128xf32, #tpu.memory_space<hbm>>) dst(%arg6 : memref<128x128xf32, #tpu.memory_space<vmem>>)
      %mul3A_43 = arith.constant 128 : i32
      %mul3A_44 = arith.muli %mul3A_21, %mul3A_43 : i32
      %add3A_45 = arith.addi %mul3A_2, %mul3A_44 : i32
      %dma_start3A_46 = arith.constant 0 : i32
      %dma_start3A_47 = tpu.memref_slice %arg4[%add3A_45, %dma_start3A_46] : memref<106496x128xf32, #tpu.memory_space<hbm>> -> memref<128x128xf32, #tpu.memory_space<hbm>>
      %dma_start3A_48 = arith.constant 0 : i32
      %dma_start3A_49 = tpu.memref_slice %arg4[%add3A_45, %dma_start3A_48] : memref<106496x128xf32, #tpu.memory_space<hbm>> -> memref<128x128xf32, #tpu.memory_space<hbm>>
      tpu.enqueue_dma source(%arg6 : memref<128x128xf32, #tpu.memory_space<vmem>>) target(%dma_start3A_49 : memref<128x128xf32, #tpu.memory_space<hbm>>) target_semaphore(%arg10 : memref<!tpu.dma_semaphore, #tpu.memory_space<semaphore_mem>>)
      %dma_wait3A_50 = arith.constant 0 : i32
      %dma_wait3A_51 = tpu.memref_slice %arg5[%add3A_23, %dma_wait3A_50] : memref<26x128xi32, #tpu.memory_space<vmem>> -> memref<1x128xi32, #tpu.memory_space<vmem>>
      %dma_wait3A_52 = tpu.memref_squeeze %dma_wait3A_51 : memref<1x128xi32, #tpu.memory_space<vmem>> -> memref<128xi32, #tpu.memory_space<vmem>>
      %dma_wait3A_53 = arith.constant 0 : i32
      %dma_wait3A_54 = arith.constant 0 : i32
      %dma_wait3A_55 = tpu.memref_slice %arg3[%dma_wait3A_53, %dma_wait3A_54] : memref<104000x128xf32, #tpu.memory_space<hbm>> -> memref<104000x128xf32, #tpu.memory_space<hbm>>
      tpu.wait_indirect_dma semaphore(%arg9 : memref<!tpu.dma_semaphore, #tpu.memory_space<semaphore_mem>>) src(%dma_wait3A_55 : memref<104000x128xf32, #tpu.memory_space<hbm>>) dst(%arg7 : memref<128x128xf32, #tpu.memory_space<vmem>>)
      %mul3A_56 = arith.constant 128 : i32
      %mul3A_57 = arith.muli %add3A_23, %mul3A_56 : i32
      %add3A_58 = arith.addi %mul3A_2, %mul3A_57 : i32
      %dma_start3A_59 = arith.constant 0 : i32
      %dma_start3A_60 = tpu.memref_slice %arg4[%add3A_58, %dma_start3A_59] : memref<106496x128xf32, #tpu.memory_space<hbm>> -> memref<128x128xf32, #tpu.memory_space<hbm>>
      %dma_start3A_61 = arith.constant 0 : i32
      %dma_start3A_62 = tpu.memref_slice %arg4[%add3A_58, %dma_start3A_61] : memref<106496x128xf32, #tpu.memory_space<hbm>> -> memref<128x128xf32, #tpu.memory_space<hbm>>
      tpu.enqueue_dma source(%arg7 : memref<128x128xf32, #tpu.memory_space<vmem>>) target(%dma_start3A_62 : memref<128x128xf32, #tpu.memory_space<hbm>>) target_semaphore(%arg11 : memref<!tpu.dma_semaphore, #tpu.memory_space<semaphore_mem>>)
    }
    %scan3A_7 = arith.constant 13 : i32
    %dma_wait3A = arith.constant 0 : i32
    %dma_wait3A_8 = arith.constant 0 : i32
    %dma_wait3A_9 = tpu.memref_slice %arg4[%dma_wait3A, %dma_wait3A_8] : memref<106496x128xf32, #tpu.memory_space<hbm>> -> memref<128x128xf32, #tpu.memory_space<hbm>>
    %dma_wait3A_10 = arith.constant 0 : i32
    %dma_wait3A_11 = arith.constant 0 : i32
    %dma_wait3A_12 = tpu.memref_slice %arg4[%dma_wait3A_10, %dma_wait3A_11] : memref<106496x128xf32, #tpu.memory_space<hbm>> -> memref<128x128xf32, #tpu.memory_space<hbm>>
    tpu.wait_dma2 semaphore(%arg10 : memref<!tpu.dma_semaphore, #tpu.memory_space<semaphore_mem>>) src(%arg6 : memref<128x128xf32, #tpu.memory_space<vmem>>) dst(%dma_wait3A_12 : memref<128x128xf32, #tpu.memory_space<hbm>>)
    %dma_wait3A_13 = arith.constant 0 : i32
    %dma_wait3A_14 = arith.constant 0 : i32
    %dma_wait3A_15 = tpu.memref_slice %arg4[%dma_wait3A_13, %dma_wait3A_14] : memref<106496x128xf32, #tpu.memory_space<hbm>> -> memref<128x128xf32, #tpu.memory_space<hbm>>
    %dma_wait3A_16 = arith.constant 0 : i32
    %dma_wait3A_17 = arith.constant 0 : i32
    %dma_wait3A_18 = tpu.memref_slice %arg4[%dma_wait3A_16, %dma_wait3A_17] : memref<106496x128xf32, #tpu.memory_space<hbm>> -> memref<128x128xf32, #tpu.memory_space<hbm>>
    tpu.wait_dma2 semaphore(%arg11 : memref<!tpu.dma_semaphore, #tpu.memory_space<semaphore_mem>>) src(%arg7 : memref<128x128xf32, #tpu.memory_space<vmem>>) dst(%dma_wait3A_18 : memref<128x128xf32, #tpu.memory_space<hbm>>)
    return
  }
}

#map = affine_map<(d0, d1) -> (0, 0, 0)>
#map1 = affine_map<(d0, d1) -> (0)>
module attributes {stable_mosaic.version = 14 : i64} {
  func.func @_sc_wide_body(%arg0: i32, %arg1: i32, %arg2: memref<32x26x512xi32, #tpu.memory_space<hbm>>, %arg3: memref<104000xf32, #tpu.memory_space<hbm>>, %arg4: memref<16384xf32, #tpu.memory_space<hbm>>, %arg5: memref<26x512xi32, #tpu.memory_space<vmem>>, %arg6: memref<104000xf32, #tpu.memory_space<vmem>>, %arg7: memref<512xf32, #tpu.memory_space<vmem>>, %arg8: memref<!tpu.dma_semaphore, #tpu.memory_space<semaphore_mem>>) attributes {dimension_semantics = [#tpu.dimension_semantics<core_parallel>, #tpu.dimension_semantics<subcore_parallel>], iteration_bounds = array<i64: 2, 16>, scalar_prefetch = 0 : i64, scratch_operands = 4 : i64, tpu.core_type = #tpu.core_type<sc_vector_subcore>, window_params = [{transform_indices = #map}, {transform_indices = #map1}, {transform_indices = #map1}]} {
    %mul3A = arith.constant 2 : i32
    %mul3A_0 = arith.muli %arg1, %mul3A : i32
    %add3A = arith.addi %mul3A_0, %arg0 : i32
    %mul3A_1 = arith.constant 512 : i32
    %mul3A_2 = arith.muli %add3A, %mul3A_1 : i32
    tpu.enqueue_dma source(%arg3 : memref<104000xf32, #tpu.memory_space<hbm>>) target(%arg6 : memref<104000xf32, #tpu.memory_space<vmem>>) target_semaphore(%arg8 : memref<!tpu.dma_semaphore, #tpu.memory_space<semaphore_mem>>)
    "tpu.region"() ({
      %run_scoped3A = tpu.sem_alloc : memref<!tpu.dma_semaphore, #tpu.memory_space<semaphore_mem>>
      %dma_start3A = arith.constant 0 : i32
      %dma_start3A_8 = arith.constant 0 : i32
      %dma_start3A_9 = tpu.memref_slice %arg2[%add3A, %dma_start3A, %dma_start3A_8] : memref<32x26x512xi32, #tpu.memory_space<hbm>> -> memref<1x26x512xi32, #tpu.memory_space<hbm>>
      %dma_start3A_10 = tpu.memref_squeeze %dma_start3A_9 : memref<1x26x512xi32, #tpu.memory_space<hbm>> -> memref<26x512xi32, #tpu.memory_space<hbm>>
      %dma_start3A_11 = arith.constant 0 : i32
      %dma_start3A_12 = arith.constant 0 : i32
      %dma_start3A_13 = tpu.memref_slice %arg2[%add3A, %dma_start3A_11, %dma_start3A_12] : memref<32x26x512xi32, #tpu.memory_space<hbm>> -> memref<1x26x512xi32, #tpu.memory_space<hbm>>
      %dma_start3A_14 = tpu.memref_squeeze %dma_start3A_13 : memref<1x26x512xi32, #tpu.memory_space<hbm>> -> memref<26x512xi32, #tpu.memory_space<hbm>>
      tpu.enqueue_dma source(%dma_start3A_14 : memref<26x512xi32, #tpu.memory_space<hbm>>) target(%arg5 : memref<26x512xi32, #tpu.memory_space<vmem>>) target_semaphore(%run_scoped3A : memref<!tpu.dma_semaphore, #tpu.memory_space<semaphore_mem>>)
      %dma_wait3A = arith.constant 0 : i32
      %dma_wait3A_15 = arith.constant 0 : i32
      %dma_wait3A_16 = tpu.memref_slice %arg2[%add3A, %dma_wait3A, %dma_wait3A_15] : memref<32x26x512xi32, #tpu.memory_space<hbm>> -> memref<1x26x512xi32, #tpu.memory_space<hbm>>
      %dma_wait3A_17 = tpu.memref_squeeze %dma_wait3A_16 : memref<1x26x512xi32, #tpu.memory_space<hbm>> -> memref<26x512xi32, #tpu.memory_space<hbm>>
      %dma_wait3A_18 = arith.constant 0 : i32
      %dma_wait3A_19 = arith.constant 0 : i32
      %dma_wait3A_20 = tpu.memref_slice %arg2[%add3A, %dma_wait3A_18, %dma_wait3A_19] : memref<32x26x512xi32, #tpu.memory_space<hbm>> -> memref<1x26x512xi32, #tpu.memory_space<hbm>>
      %dma_wait3A_21 = tpu.memref_squeeze %dma_wait3A_20 : memref<1x26x512xi32, #tpu.memory_space<hbm>> -> memref<26x512xi32, #tpu.memory_space<hbm>>
      tpu.wait_dma2 semaphore(%run_scoped3A : memref<!tpu.dma_semaphore, #tpu.memory_space<semaphore_mem>>) src(%dma_wait3A_21 : memref<26x512xi32, #tpu.memory_space<hbm>>) dst(%arg5 : memref<26x512xi32, #tpu.memory_space<vmem>>)
      tpu.yield
    }) : () -> ()
    tpu.wait_dma2 semaphore(%arg8 : memref<!tpu.dma_semaphore, #tpu.memory_space<semaphore_mem>>) src(%arg3 : memref<104000xf32, #tpu.memory_space<hbm>>) dst(%arg6 : memref<104000xf32, #tpu.memory_space<vmem>>)
    %scan3A = arith.constant 0 : i32
    %scan3A_3 = arith.constant 0 : i32
    %scan3A_4 = arith.constant 32 : i32
    %scan3A_5 = arith.addi %scan3A_3, %scan3A_4 : i32
    %scan3A_6 = arith.constant 1 : i32
    scf.for %scan3A_8 = %scan3A_3 to %scan3A_5 step %scan3A_6  : i32 {
      %mul3A_9 = arith.constant 16 : i32
      %mul3A_10 = arith.muli %scan3A_8, %mul3A_9 : i32
      %broadcast_in_dim3A = arith.constant 0.000000e+00 : f32
      %broadcast_in_dim3A_11 = vector.broadcast %broadcast_in_dim3A : f32 to vector<16xf32>
      %get3A = arith.constant 0 : i32
      %get3A_12 = arith.index_cast %get3A : i32 to index
      %get3A_13 = arith.index_cast %mul3A_10 : i32 to index
      %get3A_14 = tpu.vector_load %arg5[%get3A_12, %get3A_13] {strides = array<i32>} : memref<26x512xi32, #tpu.memory_space<vmem>>, vector<16xi32>,
      %gather3A = tpu.vector_load_idx %arg6[%get3A_14] : memref<104000xf32, #tpu.memory_space<vmem>>[vector<16xi32>], vector<16xf32>,
      %add3A_15 = arith.addf %broadcast_in_dim3A_11, %gather3A : vector<16xf32>
      %get3A_16 = arith.constant 1 : i32
      %get3A_17 = arith.index_cast %get3A_16 : i32 to index
      %get3A_18 = arith.index_cast %mul3A_10 : i32 to index
      %get3A_19 = tpu.vector_load %arg5[%get3A_17, %get3A_18] {strides = array<i32>} : memref<26x512xi32, #tpu.memory_space<vmem>>, vector<16xi32>,
      %gather3A_20 = tpu.vector_load_idx %arg6[%get3A_19] : memref<104000xf32, #tpu.memory_space<vmem>>[vector<16xi32>], vector<16xf32>,
      %add3A_21 = arith.addf %add3A_15, %gather3A_20 : vector<16xf32>
      %get3A_22 = arith.constant 2 : i32
      %get3A_23 = arith.index_cast %get3A_22 : i32 to index
      %get3A_24 = arith.index_cast %mul3A_10 : i32 to index
      %get3A_25 = tpu.vector_load %arg5[%get3A_23, %get3A_24] {strides = array<i32>} : memref<26x512xi32, #tpu.memory_space<vmem>>, vector<16xi32>,
      %gather3A_26 = tpu.vector_load_idx %arg6[%get3A_25] : memref<104000xf32, #tpu.memory_space<vmem>>[vector<16xi32>], vector<16xf32>,
      %add3A_27 = arith.addf %add3A_21, %gather3A_26 : vector<16xf32>
      %get3A_28 = arith.constant 3 : i32
      %get3A_29 = arith.index_cast %get3A_28 : i32 to index
      %get3A_30 = arith.index_cast %mul3A_10 : i32 to index
      %get3A_31 = tpu.vector_load %arg5[%get3A_29, %get3A_30] {strides = array<i32>} : memref<26x512xi32, #tpu.memory_space<vmem>>, vector<16xi32>,
      %gather3A_32 = tpu.vector_load_idx %arg6[%get3A_31] : memref<104000xf32, #tpu.memory_space<vmem>>[vector<16xi32>], vector<16xf32>,
      %add3A_33 = arith.addf %add3A_27, %gather3A_32 : vector<16xf32>
      %get3A_34 = arith.constant 4 : i32
      %get3A_35 = arith.index_cast %get3A_34 : i32 to index
      %get3A_36 = arith.index_cast %mul3A_10 : i32 to index
      %get3A_37 = tpu.vector_load %arg5[%get3A_35, %get3A_36] {strides = array<i32>} : memref<26x512xi32, #tpu.memory_space<vmem>>, vector<16xi32>,
      %gather3A_38 = tpu.vector_load_idx %arg6[%get3A_37] : memref<104000xf32, #tpu.memory_space<vmem>>[vector<16xi32>], vector<16xf32>,
      %add3A_39 = arith.addf %add3A_33, %gather3A_38 : vector<16xf32>
      %get3A_40 = arith.constant 5 : i32
      %get3A_41 = arith.index_cast %get3A_40 : i32 to index
      %get3A_42 = arith.index_cast %mul3A_10 : i32 to index
      %get3A_43 = tpu.vector_load %arg5[%get3A_41, %get3A_42] {strides = array<i32>} : memref<26x512xi32, #tpu.memory_space<vmem>>, vector<16xi32>,
      %gather3A_44 = tpu.vector_load_idx %arg6[%get3A_43] : memref<104000xf32, #tpu.memory_space<vmem>>[vector<16xi32>], vector<16xf32>,
      %add3A_45 = arith.addf %add3A_39, %gather3A_44 : vector<16xf32>
      %get3A_46 = arith.constant 6 : i32
      %get3A_47 = arith.index_cast %get3A_46 : i32 to index
      %get3A_48 = arith.index_cast %mul3A_10 : i32 to index
      %get3A_49 = tpu.vector_load %arg5[%get3A_47, %get3A_48] {strides = array<i32>} : memref<26x512xi32, #tpu.memory_space<vmem>>, vector<16xi32>,
      %gather3A_50 = tpu.vector_load_idx %arg6[%get3A_49] : memref<104000xf32, #tpu.memory_space<vmem>>[vector<16xi32>], vector<16xf32>,
      %add3A_51 = arith.addf %add3A_45, %gather3A_50 : vector<16xf32>
      %get3A_52 = arith.constant 7 : i32
      %get3A_53 = arith.index_cast %get3A_52 : i32 to index
      %get3A_54 = arith.index_cast %mul3A_10 : i32 to index
      %get3A_55 = tpu.vector_load %arg5[%get3A_53, %get3A_54] {strides = array<i32>} : memref<26x512xi32, #tpu.memory_space<vmem>>, vector<16xi32>,
      %gather3A_56 = tpu.vector_load_idx %arg6[%get3A_55] : memref<104000xf32, #tpu.memory_space<vmem>>[vector<16xi32>], vector<16xf32>,
      %add3A_57 = arith.addf %add3A_51, %gather3A_56 : vector<16xf32>
      %get3A_58 = arith.constant 8 : i32
      %get3A_59 = arith.index_cast %get3A_58 : i32 to index
      %get3A_60 = arith.index_cast %mul3A_10 : i32 to index
      %get3A_61 = tpu.vector_load %arg5[%get3A_59, %get3A_60] {strides = array<i32>} : memref<26x512xi32, #tpu.memory_space<vmem>>, vector<16xi32>,
      %gather3A_62 = tpu.vector_load_idx %arg6[%get3A_61] : memref<104000xf32, #tpu.memory_space<vmem>>[vector<16xi32>], vector<16xf32>,
      %add3A_63 = arith.addf %add3A_57, %gather3A_62 : vector<16xf32>
      %get3A_64 = arith.constant 9 : i32
      %get3A_65 = arith.index_cast %get3A_64 : i32 to index
      %get3A_66 = arith.index_cast %mul3A_10 : i32 to index
      %get3A_67 = tpu.vector_load %arg5[%get3A_65, %get3A_66] {strides = array<i32>} : memref<26x512xi32, #tpu.memory_space<vmem>>, vector<16xi32>,
      %gather3A_68 = tpu.vector_load_idx %arg6[%get3A_67] : memref<104000xf32, #tpu.memory_space<vmem>>[vector<16xi32>], vector<16xf32>,
      %add3A_69 = arith.addf %add3A_63, %gather3A_68 : vector<16xf32>
      %get3A_70 = arith.constant 10 : i32
      %get3A_71 = arith.index_cast %get3A_70 : i32 to index
      %get3A_72 = arith.index_cast %mul3A_10 : i32 to index
      %get3A_73 = tpu.vector_load %arg5[%get3A_71, %get3A_72] {strides = array<i32>} : memref<26x512xi32, #tpu.memory_space<vmem>>, vector<16xi32>,
      %gather3A_74 = tpu.vector_load_idx %arg6[%get3A_73] : memref<104000xf32, #tpu.memory_space<vmem>>[vector<16xi32>], vector<16xf32>,
      %add3A_75 = arith.addf %add3A_69, %gather3A_74 : vector<16xf32>
      %get3A_76 = arith.constant 11 : i32
      %get3A_77 = arith.index_cast %get3A_76 : i32 to index
      %get3A_78 = arith.index_cast %mul3A_10 : i32 to index
      %get3A_79 = tpu.vector_load %arg5[%get3A_77, %get3A_78] {strides = array<i32>} : memref<26x512xi32, #tpu.memory_space<vmem>>, vector<16xi32>,
      %gather3A_80 = tpu.vector_load_idx %arg6[%get3A_79] : memref<104000xf32, #tpu.memory_space<vmem>>[vector<16xi32>], vector<16xf32>,
      %add3A_81 = arith.addf %add3A_75, %gather3A_80 : vector<16xf32>
      %get3A_82 = arith.constant 12 : i32
      %get3A_83 = arith.index_cast %get3A_82 : i32 to index
      %get3A_84 = arith.index_cast %mul3A_10 : i32 to index
      %get3A_85 = tpu.vector_load %arg5[%get3A_83, %get3A_84] {strides = array<i32>} : memref<26x512xi32, #tpu.memory_space<vmem>>, vector<16xi32>,
      %gather3A_86 = tpu.vector_load_idx %arg6[%get3A_85] : memref<104000xf32, #tpu.memory_space<vmem>>[vector<16xi32>], vector<16xf32>,
      %add3A_87 = arith.addf %add3A_81, %gather3A_86 : vector<16xf32>
      %get3A_88 = arith.constant 13 : i32
      %get3A_89 = arith.index_cast %get3A_88 : i32 to index
      %get3A_90 = arith.index_cast %mul3A_10 : i32 to index
      %get3A_91 = tpu.vector_load %arg5[%get3A_89, %get3A_90] {strides = array<i32>} : memref<26x512xi32, #tpu.memory_space<vmem>>, vector<16xi32>,
      %gather3A_92 = tpu.vector_load_idx %arg6[%get3A_91] : memref<104000xf32, #tpu.memory_space<vmem>>[vector<16xi32>], vector<16xf32>,
      %add3A_93 = arith.addf %add3A_87, %gather3A_92 : vector<16xf32>
      %get3A_94 = arith.constant 14 : i32
      %get3A_95 = arith.index_cast %get3A_94 : i32 to index
      %get3A_96 = arith.index_cast %mul3A_10 : i32 to index
      %get3A_97 = tpu.vector_load %arg5[%get3A_95, %get3A_96] {strides = array<i32>} : memref<26x512xi32, #tpu.memory_space<vmem>>, vector<16xi32>,
      %gather3A_98 = tpu.vector_load_idx %arg6[%get3A_97] : memref<104000xf32, #tpu.memory_space<vmem>>[vector<16xi32>], vector<16xf32>,
      %add3A_99 = arith.addf %add3A_93, %gather3A_98 : vector<16xf32>
      %get3A_100 = arith.constant 15 : i32
      %get3A_101 = arith.index_cast %get3A_100 : i32 to index
      %get3A_102 = arith.index_cast %mul3A_10 : i32 to index
      %get3A_103 = tpu.vector_load %arg5[%get3A_101, %get3A_102] {strides = array<i32>} : memref<26x512xi32, #tpu.memory_space<vmem>>, vector<16xi32>,
      %gather3A_104 = tpu.vector_load_idx %arg6[%get3A_103] : memref<104000xf32, #tpu.memory_space<vmem>>[vector<16xi32>], vector<16xf32>,
      %add3A_105 = arith.addf %add3A_99, %gather3A_104 : vector<16xf32>
      %get3A_106 = arith.constant 16 : i32
      %get3A_107 = arith.index_cast %get3A_106 : i32 to index
      %get3A_108 = arith.index_cast %mul3A_10 : i32 to index
      %get3A_109 = tpu.vector_load %arg5[%get3A_107, %get3A_108] {strides = array<i32>} : memref<26x512xi32, #tpu.memory_space<vmem>>, vector<16xi32>,
      %gather3A_110 = tpu.vector_load_idx %arg6[%get3A_109] : memref<104000xf32, #tpu.memory_space<vmem>>[vector<16xi32>], vector<16xf32>,
      %add3A_111 = arith.addf %add3A_105, %gather3A_110 : vector<16xf32>
      %get3A_112 = arith.constant 17 : i32
      %get3A_113 = arith.index_cast %get3A_112 : i32 to index
      %get3A_114 = arith.index_cast %mul3A_10 : i32 to index
      %get3A_115 = tpu.vector_load %arg5[%get3A_113, %get3A_114] {strides = array<i32>} : memref<26x512xi32, #tpu.memory_space<vmem>>, vector<16xi32>,
      %gather3A_116 = tpu.vector_load_idx %arg6[%get3A_115] : memref<104000xf32, #tpu.memory_space<vmem>>[vector<16xi32>], vector<16xf32>,
      %add3A_117 = arith.addf %add3A_111, %gather3A_116 : vector<16xf32>
      %get3A_118 = arith.constant 18 : i32
      %get3A_119 = arith.index_cast %get3A_118 : i32 to index
      %get3A_120 = arith.index_cast %mul3A_10 : i32 to index
      %get3A_121 = tpu.vector_load %arg5[%get3A_119, %get3A_120] {strides = array<i32>} : memref<26x512xi32, #tpu.memory_space<vmem>>, vector<16xi32>,
      %gather3A_122 = tpu.vector_load_idx %arg6[%get3A_121] : memref<104000xf32, #tpu.memory_space<vmem>>[vector<16xi32>], vector<16xf32>,
      %add3A_123 = arith.addf %add3A_117, %gather3A_122 : vector<16xf32>
      %get3A_124 = arith.constant 19 : i32
      %get3A_125 = arith.index_cast %get3A_124 : i32 to index
      %get3A_126 = arith.index_cast %mul3A_10 : i32 to index
      %get3A_127 = tpu.vector_load %arg5[%get3A_125, %get3A_126] {strides = array<i32>} : memref<26x512xi32, #tpu.memory_space<vmem>>, vector<16xi32>,
      %gather3A_128 = tpu.vector_load_idx %arg6[%get3A_127] : memref<104000xf32, #tpu.memory_space<vmem>>[vector<16xi32>], vector<16xf32>,
      %add3A_129 = arith.addf %add3A_123, %gather3A_128 : vector<16xf32>
      %get3A_130 = arith.constant 20 : i32
      %get3A_131 = arith.index_cast %get3A_130 : i32 to index
      %get3A_132 = arith.index_cast %mul3A_10 : i32 to index
      %get3A_133 = tpu.vector_load %arg5[%get3A_131, %get3A_132] {strides = array<i32>} : memref<26x512xi32, #tpu.memory_space<vmem>>, vector<16xi32>,
      %gather3A_134 = tpu.vector_load_idx %arg6[%get3A_133] : memref<104000xf32, #tpu.memory_space<vmem>>[vector<16xi32>], vector<16xf32>,
      %add3A_135 = arith.addf %add3A_129, %gather3A_134 : vector<16xf32>
      %get3A_136 = arith.constant 21 : i32
      %get3A_137 = arith.index_cast %get3A_136 : i32 to index
      %get3A_138 = arith.index_cast %mul3A_10 : i32 to index
      %get3A_139 = tpu.vector_load %arg5[%get3A_137, %get3A_138] {strides = array<i32>} : memref<26x512xi32, #tpu.memory_space<vmem>>, vector<16xi32>,
      %gather3A_140 = tpu.vector_load_idx %arg6[%get3A_139] : memref<104000xf32, #tpu.memory_space<vmem>>[vector<16xi32>], vector<16xf32>,
      %add3A_141 = arith.addf %add3A_135, %gather3A_140 : vector<16xf32>
      %get3A_142 = arith.constant 22 : i32
      %get3A_143 = arith.index_cast %get3A_142 : i32 to index
      %get3A_144 = arith.index_cast %mul3A_10 : i32 to index
      %get3A_145 = tpu.vector_load %arg5[%get3A_143, %get3A_144] {strides = array<i32>} : memref<26x512xi32, #tpu.memory_space<vmem>>, vector<16xi32>,
      %gather3A_146 = tpu.vector_load_idx %arg6[%get3A_145] : memref<104000xf32, #tpu.memory_space<vmem>>[vector<16xi32>], vector<16xf32>,
      %add3A_147 = arith.addf %add3A_141, %gather3A_146 : vector<16xf32>
      %get3A_148 = arith.constant 23 : i32
      %get3A_149 = arith.index_cast %get3A_148 : i32 to index
      %get3A_150 = arith.index_cast %mul3A_10 : i32 to index
      %get3A_151 = tpu.vector_load %arg5[%get3A_149, %get3A_150] {strides = array<i32>} : memref<26x512xi32, #tpu.memory_space<vmem>>, vector<16xi32>,
      %gather3A_152 = tpu.vector_load_idx %arg6[%get3A_151] : memref<104000xf32, #tpu.memory_space<vmem>>[vector<16xi32>], vector<16xf32>,
      %add3A_153 = arith.addf %add3A_147, %gather3A_152 : vector<16xf32>
      %get3A_154 = arith.constant 24 : i32
      %get3A_155 = arith.index_cast %get3A_154 : i32 to index
      %get3A_156 = arith.index_cast %mul3A_10 : i32 to index
      %get3A_157 = tpu.vector_load %arg5[%get3A_155, %get3A_156] {strides = array<i32>} : memref<26x512xi32, #tpu.memory_space<vmem>>, vector<16xi32>,
      %gather3A_158 = tpu.vector_load_idx %arg6[%get3A_157] : memref<104000xf32, #tpu.memory_space<vmem>>[vector<16xi32>], vector<16xf32>,
      %add3A_159 = arith.addf %add3A_153, %gather3A_158 : vector<16xf32>
      %get3A_160 = arith.constant 25 : i32
      %get3A_161 = arith.index_cast %get3A_160 : i32 to index
      %get3A_162 = arith.index_cast %mul3A_10 : i32 to index
      %get3A_163 = tpu.vector_load %arg5[%get3A_161, %get3A_162] {strides = array<i32>} : memref<26x512xi32, #tpu.memory_space<vmem>>, vector<16xi32>,
      %gather3A_164 = tpu.vector_load_idx %arg6[%get3A_163] : memref<104000xf32, #tpu.memory_space<vmem>>[vector<16xi32>], vector<16xf32>,
      %add3A_165 = arith.addf %add3A_159, %gather3A_164 : vector<16xf32>
      %swap3A = arith.index_cast %mul3A_10 : i32 to index
      %swap3A_166 = tpu.vector_load %arg7[%swap3A] {strides = array<i32>} : memref<512xf32, #tpu.memory_space<vmem>>, vector<16xf32>,
      tpu.vector_store %arg7[%swap3A], %add3A_165 {strides = array<i32>} : memref<512xf32, #tpu.memory_space<vmem>>, vector<16xf32>,
    }
    %scan3A_7 = arith.constant 32 : i32
    "tpu.region"() ({
      %run_scoped3A = tpu.sem_alloc : memref<!tpu.dma_semaphore, #tpu.memory_space<semaphore_mem>>
      %dma_start3A = tpu.memref_slice %arg4[%mul3A_2] : memref<16384xf32, #tpu.memory_space<hbm>> -> memref<512xf32, #tpu.memory_space<hbm>>
      %dma_start3A_8 = tpu.memref_slice %arg4[%mul3A_2] : memref<16384xf32, #tpu.memory_space<hbm>> -> memref<512xf32, #tpu.memory_space<hbm>>
      tpu.enqueue_dma source(%arg7 : memref<512xf32, #tpu.memory_space<vmem>>) target(%dma_start3A_8 : memref<512xf32, #tpu.memory_space<hbm>>) target_semaphore(%run_scoped3A : memref<!tpu.dma_semaphore, #tpu.memory_space<semaphore_mem>>)
      %dma_wait3A = tpu.memref_slice %arg4[%mul3A_2] : memref<16384xf32, #tpu.memory_space<hbm>> -> memref<512xf32, #tpu.memory_space<hbm>>
      %dma_wait3A_9 = tpu.memref_slice %arg4[%mul3A_2] : memref<16384xf32, #tpu.memory_space<hbm>> -> memref<512xf32, #tpu.memory_space<hbm>>
      tpu.wait_dma2 semaphore(%run_scoped3A : memref<!tpu.dma_semaphore, #tpu.memory_space<semaphore_mem>>) src(%arg7 : memref<512xf32, #tpu.memory_space<vmem>>) dst(%dma_wait3A_9 : memref<512xf32, #tpu.memory_space<hbm>>)
      tpu.yield
    }) : () -> ()
    return
  }
}

module attributes {stable_mosaic.version = 14 : i64} {
  func.func @_mlp_body(%arg0: i32, %arg1: memref<26x512x128xf32, #tpu.memory_space<vmem>>, %arg2: memref<26x128x1024xbf16, #tpu.memory_space<vmem>>, %arg3: memref<1x1024xf32, #tpu.memory_space<vmem>>, %arg4: memref<1024x512xbf16, #tpu.memory_space<vmem>>, %arg5: memref<1x512xf32, #tpu.memory_space<vmem>>, %arg6: memref<512x256xbf16, #tpu.memory_space<vmem>>, %arg7: memref<1x256xf32, #tpu.memory_space<vmem>>, %arg8: memref<1x256xf32, #tpu.memory_space<vmem>>, %arg9: memref<512xf32, #tpu.memory_space<vmem>>) attributes {dimension_semantics = [#tpu.dimension_semantics<arbitrary>], iteration_bounds = array<i64: 8>, scalar_prefetch = 0 : i64, scratch_operands = 0 : i64, tpu.core_type = #tpu.core_type<tc>, window_params = [{transform_indices = @transform_0, window_bounds = array<i64: 26, 512, 128>}, {pipeline_mode = #tpu.pipeline_mode<synchronous>, transform_indices = @transform_1, window_bounds = array<i64: 26, 128, 1024>}, {pipeline_mode = #tpu.pipeline_mode<synchronous>, transform_indices = @transform_2, window_bounds = array<i64: 1, 1024>}, {pipeline_mode = #tpu.pipeline_mode<synchronous>, transform_indices = @transform_3, window_bounds = array<i64: 1024, 512>}, {pipeline_mode = #tpu.pipeline_mode<synchronous>, transform_indices = @transform_4, window_bounds = array<i64: 1, 512>}, {pipeline_mode = #tpu.pipeline_mode<synchronous>, transform_indices = @transform_5, window_bounds = array<i64: 512, 256>}, {pipeline_mode = #tpu.pipeline_mode<synchronous>, transform_indices = @transform_6, window_bounds = array<i64: 1, 256>}, {pipeline_mode = #tpu.pipeline_mode<synchronous>, transform_indices = @transform_7, window_bounds = array<i64: 1, 256>}, {transform_indices = @transform_8, window_bounds = array<i64: 512>}]} {
    %broadcast_in_dim3A = arith.constant 0.000000e+00 : f32
    %broadcast_in_dim3A_0 = vector.broadcast %broadcast_in_dim3A : f32 to vector<512x1024xf32>
    %get3A = arith.constant 0 : index
    %get3A_1 = arith.constant 0 : index
    %get3A_2 = arith.constant 0 : index
    %get3A_3 = vector.load %arg1[%get3A, %get3A_1, %get3A_2] : memref<26x512x128xf32, #tpu.memory_space<vmem>>, vector<1x512x128xf32>
    %get3A_4 = vector.shape_cast %get3A_3 : vector<1x512x128xf32> to vector<512x128xf32>
    %convert_element_type3A = arith.truncf %get3A_4 : vector<512x128xf32> to vector<512x128xbf16>
    %get3A_5 = arith.constant 1 : index
    %get3A_6 = arith.constant 0 : index
    %get3A_7 = arith.constant 0 : index
    %get3A_8 = vector.load %arg1[%get3A_5, %get3A_6, %get3A_7] : memref<26x512x128xf32, #tpu.memory_space<vmem>>, vector<1x512x128xf32>
    %get3A_9 = vector.shape_cast %get3A_8 : vector<1x512x128xf32> to vector<512x128xf32>
    %convert_element_type3A_10 = arith.truncf %get3A_9 : vector<512x128xf32> to vector<512x128xbf16>
    %concatenate3A = tpu.concatenate %convert_element_type3A, %convert_element_type3A_10 in 1 : vector<512x128xbf16>, vector<512x128xbf16> -> vector<512x256xbf16>
    %get3A_11 = arith.constant 0 : index
    %get3A_12 = arith.constant 0 : index
    %get3A_13 = arith.constant 0 : index
    %get3A_14 = vector.load %arg2[%get3A_11, %get3A_12, %get3A_13] : memref<26x128x1024xbf16, #tpu.memory_space<vmem>>, vector<1x128x1024xbf16>
    %get3A_15 = vector.shape_cast %get3A_14 : vector<1x128x1024xbf16> to vector<128x1024xbf16>
    %get3A_16 = arith.constant 1 : index
    %get3A_17 = arith.constant 0 : index
    %get3A_18 = arith.constant 0 : index
    %get3A_19 = vector.load %arg2[%get3A_16, %get3A_17, %get3A_18] : memref<26x128x1024xbf16, #tpu.memory_space<vmem>>, vector<1x128x1024xbf16>
    %get3A_20 = vector.shape_cast %get3A_19 : vector<1x128x1024xbf16> to vector<128x1024xbf16>
    %concatenate3A_21 = tpu.concatenate %get3A_15, %get3A_20 in 0 : vector<128x1024xbf16>, vector<128x1024xbf16> -> vector<256x1024xbf16>
    %dot_general3A = arith.constant dense<0.000000e+00> : vector<512x1024xf32>
    %dot_general3A_22 = tpu.matmul %concatenate3A, %concatenate3A_21, %dot_general3A {dimension_numbers = #tpu.dot_dimension_numbers<[1], [0], [0], [1], [0, 0, 1, 1], [], []>, transpose_lhs_hint = false} : vector<512x256xbf16>, vector<256x1024xbf16>, vector<512x1024xf32> -> vector<512x1024xf32>
    %add3A = arith.addf %broadcast_in_dim3A_0, %dot_general3A_22 : vector<512x1024xf32>
    %get3A_23 = arith.constant 2 : index
    %get3A_24 = arith.constant 0 : index
    %get3A_25 = arith.constant 0 : index
    %get3A_26 = vector.load %arg1[%get3A_23, %get3A_24, %get3A_25] : memref<26x512x128xf32, #tpu.memory_space<vmem>>, vector<1x512x128xf32>
    %get3A_27 = vector.shape_cast %get3A_26 : vector<1x512x128xf32> to vector<512x128xf32>
    %convert_element_type3A_28 = arith.truncf %get3A_27 : vector<512x128xf32> to vector<512x128xbf16>
    %get3A_29 = arith.constant 3 : index
    %get3A_30 = arith.constant 0 : index
    %get3A_31 = arith.constant 0 : index
    %get3A_32 = vector.load %arg1[%get3A_29, %get3A_30, %get3A_31] : memref<26x512x128xf32, #tpu.memory_space<vmem>>, vector<1x512x128xf32>
    %get3A_33 = vector.shape_cast %get3A_32 : vector<1x512x128xf32> to vector<512x128xf32>
    %convert_element_type3A_34 = arith.truncf %get3A_33 : vector<512x128xf32> to vector<512x128xbf16>
    %concatenate3A_35 = tpu.concatenate %convert_element_type3A_28, %convert_element_type3A_34 in 1 : vector<512x128xbf16>, vector<512x128xbf16> -> vector<512x256xbf16>
    %get3A_36 = arith.constant 2 : index
    %get3A_37 = arith.constant 0 : index
    %get3A_38 = arith.constant 0 : index
    %get3A_39 = vector.load %arg2[%get3A_36, %get3A_37, %get3A_38] : memref<26x128x1024xbf16, #tpu.memory_space<vmem>>, vector<1x128x1024xbf16>
    %get3A_40 = vector.shape_cast %get3A_39 : vector<1x128x1024xbf16> to vector<128x1024xbf16>
    %get3A_41 = arith.constant 3 : index
    %get3A_42 = arith.constant 0 : index
    %get3A_43 = arith.constant 0 : index
    %get3A_44 = vector.load %arg2[%get3A_41, %get3A_42, %get3A_43] : memref<26x128x1024xbf16, #tpu.memory_space<vmem>>, vector<1x128x1024xbf16>
    %get3A_45 = vector.shape_cast %get3A_44 : vector<1x128x1024xbf16> to vector<128x1024xbf16>
    %concatenate3A_46 = tpu.concatenate %get3A_40, %get3A_45 in 0 : vector<128x1024xbf16>, vector<128x1024xbf16> -> vector<256x1024xbf16>
    %dot_general3A_47 = arith.constant dense<0.000000e+00> : vector<512x1024xf32>
    %dot_general3A_48 = tpu.matmul %concatenate3A_35, %concatenate3A_46, %dot_general3A_47 {dimension_numbers = #tpu.dot_dimension_numbers<[1], [0], [0], [1], [0, 0, 1, 1], [], []>, transpose_lhs_hint = false} : vector<512x256xbf16>, vector<256x1024xbf16>, vector<512x1024xf32> -> vector<512x1024xf32>
    %add3A_49 = arith.addf %add3A, %dot_general3A_48 : vector<512x1024xf32>
    %get3A_50 = arith.constant 4 : index
    %get3A_51 = arith.constant 0 : index
    %get3A_52 = arith.constant 0 : index
    %get3A_53 = vector.load %arg1[%get3A_50, %get3A_51, %get3A_52] : memref<26x512x128xf32, #tpu.memory_space<vmem>>, vector<1x512x128xf32>
    %get3A_54 = vector.shape_cast %get3A_53 : vector<1x512x128xf32> to vector<512x128xf32>
    %convert_element_type3A_55 = arith.truncf %get3A_54 : vector<512x128xf32> to vector<512x128xbf16>
    %get3A_56 = arith.constant 5 : index
    %get3A_57 = arith.constant 0 : index
    %get3A_58 = arith.constant 0 : index
    %get3A_59 = vector.load %arg1[%get3A_56, %get3A_57, %get3A_58] : memref<26x512x128xf32, #tpu.memory_space<vmem>>, vector<1x512x128xf32>
    %get3A_60 = vector.shape_cast %get3A_59 : vector<1x512x128xf32> to vector<512x128xf32>
    %convert_element_type3A_61 = arith.truncf %get3A_60 : vector<512x128xf32> to vector<512x128xbf16>
    %concatenate3A_62 = tpu.concatenate %convert_element_type3A_55, %convert_element_type3A_61 in 1 : vector<512x128xbf16>, vector<512x128xbf16> -> vector<512x256xbf16>
    %get3A_63 = arith.constant 4 : index
    %get3A_64 = arith.constant 0 : index
    %get3A_65 = arith.constant 0 : index
    %get3A_66 = vector.load %arg2[%get3A_63, %get3A_64, %get3A_65] : memref<26x128x1024xbf16, #tpu.memory_space<vmem>>, vector<1x128x1024xbf16>
    %get3A_67 = vector.shape_cast %get3A_66 : vector<1x128x1024xbf16> to vector<128x1024xbf16>
    %get3A_68 = arith.constant 5 : index
    %get3A_69 = arith.constant 0 : index
    %get3A_70 = arith.constant 0 : index
    %get3A_71 = vector.load %arg2[%get3A_68, %get3A_69, %get3A_70] : memref<26x128x1024xbf16, #tpu.memory_space<vmem>>, vector<1x128x1024xbf16>
    %get3A_72 = vector.shape_cast %get3A_71 : vector<1x128x1024xbf16> to vector<128x1024xbf16>
    %concatenate3A_73 = tpu.concatenate %get3A_67, %get3A_72 in 0 : vector<128x1024xbf16>, vector<128x1024xbf16> -> vector<256x1024xbf16>
    %dot_general3A_74 = arith.constant dense<0.000000e+00> : vector<512x1024xf32>
    %dot_general3A_75 = tpu.matmul %concatenate3A_62, %concatenate3A_73, %dot_general3A_74 {dimension_numbers = #tpu.dot_dimension_numbers<[1], [0], [0], [1], [0, 0, 1, 1], [], []>, transpose_lhs_hint = false} : vector<512x256xbf16>, vector<256x1024xbf16>, vector<512x1024xf32> -> vector<512x1024xf32>
    %add3A_76 = arith.addf %add3A_49, %dot_general3A_75 : vector<512x1024xf32>
    %get3A_77 = arith.constant 6 : index
    %get3A_78 = arith.constant 0 : index
    %get3A_79 = arith.constant 0 : index
    %get3A_80 = vector.load %arg1[%get3A_77, %get3A_78, %get3A_79] : memref<26x512x128xf32, #tpu.memory_space<vmem>>, vector<1x512x128xf32>
    %get3A_81 = vector.shape_cast %get3A_80 : vector<1x512x128xf32> to vector<512x128xf32>
    %convert_element_type3A_82 = arith.truncf %get3A_81 : vector<512x128xf32> to vector<512x128xbf16>
    %get3A_83 = arith.constant 7 : index
    %get3A_84 = arith.constant 0 : index
    %get3A_85 = arith.constant 0 : index
    %get3A_86 = vector.load %arg1[%get3A_83, %get3A_84, %get3A_85] : memref<26x512x128xf32, #tpu.memory_space<vmem>>, vector<1x512x128xf32>
    %get3A_87 = vector.shape_cast %get3A_86 : vector<1x512x128xf32> to vector<512x128xf32>
    %convert_element_type3A_88 = arith.truncf %get3A_87 : vector<512x128xf32> to vector<512x128xbf16>
    %concatenate3A_89 = tpu.concatenate %convert_element_type3A_82, %convert_element_type3A_88 in 1 : vector<512x128xbf16>, vector<512x128xbf16> -> vector<512x256xbf16>
    %get3A_90 = arith.constant 6 : index
    %get3A_91 = arith.constant 0 : index
    %get3A_92 = arith.constant 0 : index
    %get3A_93 = vector.load %arg2[%get3A_90, %get3A_91, %get3A_92] : memref<26x128x1024xbf16, #tpu.memory_space<vmem>>, vector<1x128x1024xbf16>
    %get3A_94 = vector.shape_cast %get3A_93 : vector<1x128x1024xbf16> to vector<128x1024xbf16>
    %get3A_95 = arith.constant 7 : index
    %get3A_96 = arith.constant 0 : index
    %get3A_97 = arith.constant 0 : index
    %get3A_98 = vector.load %arg2[%get3A_95, %get3A_96, %get3A_97] : memref<26x128x1024xbf16, #tpu.memory_space<vmem>>, vector<1x128x1024xbf16>
    %get3A_99 = vector.shape_cast %get3A_98 : vector<1x128x1024xbf16> to vector<128x1024xbf16>
    %concatenate3A_100 = tpu.concatenate %get3A_94, %get3A_99 in 0 : vector<128x1024xbf16>, vector<128x1024xbf16> -> vector<256x1024xbf16>
    %dot_general3A_101 = arith.constant dense<0.000000e+00> : vector<512x1024xf32>
    %dot_general3A_102 = tpu.matmul %concatenate3A_89, %concatenate3A_100, %dot_general3A_101 {dimension_numbers = #tpu.dot_dimension_numbers<[1], [0], [0], [1], [0, 0, 1, 1], [], []>, transpose_lhs_hint = false} : vector<512x256xbf16>, vector<256x1024xbf16>, vector<512x1024xf32> -> vector<512x1024xf32>
    %add3A_103 = arith.addf %add3A_76, %dot_general3A_102 : vector<512x1024xf32>
    %get3A_104 = arith.constant 8 : index
    %get3A_105 = arith.constant 0 : index
    %get3A_106 = arith.constant 0 : index
    %get3A_107 = vector.load %arg1[%get3A_104, %get3A_105, %get3A_106] : memref<26x512x128xf32, #tpu.memory_space<vmem>>, vector<1x512x128xf32>
    %get3A_108 = vector.shape_cast %get3A_107 : vector<1x512x128xf32> to vector<512x128xf32>
    %convert_element_type3A_109 = arith.truncf %get3A_108 : vector<512x128xf32> to vector<512x128xbf16>
    %get3A_110 = arith.constant 9 : index
    %get3A_111 = arith.constant 0 : index
    %get3A_112 = arith.constant 0 : index
    %get3A_113 = vector.load %arg1[%get3A_110, %get3A_111, %get3A_112] : memref<26x512x128xf32, #tpu.memory_space<vmem>>, vector<1x512x128xf32>
    %get3A_114 = vector.shape_cast %get3A_113 : vector<1x512x128xf32> to vector<512x128xf32>
    %convert_element_type3A_115 = arith.truncf %get3A_114 : vector<512x128xf32> to vector<512x128xbf16>
    %concatenate3A_116 = tpu.concatenate %convert_element_type3A_109, %convert_element_type3A_115 in 1 : vector<512x128xbf16>, vector<512x128xbf16> -> vector<512x256xbf16>
    %get3A_117 = arith.constant 8 : index
    %get3A_118 = arith.constant 0 : index
    %get3A_119 = arith.constant 0 : index
    %get3A_120 = vector.load %arg2[%get3A_117, %get3A_118, %get3A_119] : memref<26x128x1024xbf16, #tpu.memory_space<vmem>>, vector<1x128x1024xbf16>
    %get3A_121 = vector.shape_cast %get3A_120 : vector<1x128x1024xbf16> to vector<128x1024xbf16>
    %get3A_122 = arith.constant 9 : index
    %get3A_123 = arith.constant 0 : index
    %get3A_124 = arith.constant 0 : index
    %get3A_125 = vector.load %arg2[%get3A_122, %get3A_123, %get3A_124] : memref<26x128x1024xbf16, #tpu.memory_space<vmem>>, vector<1x128x1024xbf16>
    %get3A_126 = vector.shape_cast %get3A_125 : vector<1x128x1024xbf16> to vector<128x1024xbf16>
    %concatenate3A_127 = tpu.concatenate %get3A_121, %get3A_126 in 0 : vector<128x1024xbf16>, vector<128x1024xbf16> -> vector<256x1024xbf16>
    %dot_general3A_128 = arith.constant dense<0.000000e+00> : vector<512x1024xf32>
    %dot_general3A_129 = tpu.matmul %concatenate3A_116, %concatenate3A_127, %dot_general3A_128 {dimension_numbers = #tpu.dot_dimension_numbers<[1], [0], [0], [1], [0, 0, 1, 1], [], []>, transpose_lhs_hint = false} : vector<512x256xbf16>, vector<256x1024xbf16>, vector<512x1024xf32> -> vector<512x1024xf32>
    %add3A_130 = arith.addf %add3A_103, %dot_general3A_129 : vector<512x1024xf32>
    %get3A_131 = arith.constant 10 : index
    %get3A_132 = arith.constant 0 : index
    %get3A_133 = arith.constant 0 : index
    %get3A_134 = vector.load %arg1[%get3A_131, %get3A_132, %get3A_133] : memref<26x512x128xf32, #tpu.memory_space<vmem>>, vector<1x512x128xf32>
    %get3A_135 = vector.shape_cast %get3A_134 : vector<1x512x128xf32> to vector<512x128xf32>
    %convert_element_type3A_136 = arith.truncf %get3A_135 : vector<512x128xf32> to vector<512x128xbf16>
    %get3A_137 = arith.constant 11 : index
    %get3A_138 = arith.constant 0 : index
    %get3A_139 = arith.constant 0 : index
    %get3A_140 = vector.load %arg1[%get3A_137, %get3A_138, %get3A_139] : memref<26x512x128xf32, #tpu.memory_space<vmem>>, vector<1x512x128xf32>
    %get3A_141 = vector.shape_cast %get3A_140 : vector<1x512x128xf32> to vector<512x128xf32>
    %convert_element_type3A_142 = arith.truncf %get3A_141 : vector<512x128xf32> to vector<512x128xbf16>
    %concatenate3A_143 = tpu.concatenate %convert_element_type3A_136, %convert_element_type3A_142 in 1 : vector<512x128xbf16>, vector<512x128xbf16> -> vector<512x256xbf16>
    %get3A_144 = arith.constant 10 : index
    %get3A_145 = arith.constant 0 : index
    %get3A_146 = arith.constant 0 : index
    %get3A_147 = vector.load %arg2[%get3A_144, %get3A_145, %get3A_146] : memref<26x128x1024xbf16, #tpu.memory_space<vmem>>, vector<1x128x1024xbf16>
    %get3A_148 = vector.shape_cast %get3A_147 : vector<1x128x1024xbf16> to vector<128x1024xbf16>
    %get3A_149 = arith.constant 11 : index
    %get3A_150 = arith.constant 0 : index
    %get3A_151 = arith.constant 0 : index
    %get3A_152 = vector.load %arg2[%get3A_149, %get3A_150, %get3A_151] : memref<26x128x1024xbf16, #tpu.memory_space<vmem>>, vector<1x128x1024xbf16>
    %get3A_153 = vector.shape_cast %get3A_152 : vector<1x128x1024xbf16> to vector<128x1024xbf16>
    %concatenate3A_154 = tpu.concatenate %get3A_148, %get3A_153 in 0 : vector<128x1024xbf16>, vector<128x1024xbf16> -> vector<256x1024xbf16>
    %dot_general3A_155 = arith.constant dense<0.000000e+00> : vector<512x1024xf32>
    %dot_general3A_156 = tpu.matmul %concatenate3A_143, %concatenate3A_154, %dot_general3A_155 {dimension_numbers = #tpu.dot_dimension_numbers<[1], [0], [0], [1], [0, 0, 1, 1], [], []>, transpose_lhs_hint = false} : vector<512x256xbf16>, vector<256x1024xbf16>, vector<512x1024xf32> -> vector<512x1024xf32>
    %add3A_157 = arith.addf %add3A_130, %dot_general3A_156 : vector<512x1024xf32>
    %get3A_158 = arith.constant 12 : index
    %get3A_159 = arith.constant 0 : index
    %get3A_160 = arith.constant 0 : index
    %get3A_161 = vector.load %arg1[%get3A_158, %get3A_159, %get3A_160] : memref<26x512x128xf32, #tpu.memory_space<vmem>>, vector<1x512x128xf32>
    %get3A_162 = vector.shape_cast %get3A_161 : vector<1x512x128xf32> to vector<512x128xf32>
    %convert_element_type3A_163 = arith.truncf %get3A_162 : vector<512x128xf32> to vector<512x128xbf16>
    %get3A_164 = arith.constant 13 : index
    %get3A_165 = arith.constant 0 : index
    %get3A_166 = arith.constant 0 : index
    %get3A_167 = vector.load %arg1[%get3A_164, %get3A_165, %get3A_166] : memref<26x512x128xf32, #tpu.memory_space<vmem>>, vector<1x512x128xf32>
    %get3A_168 = vector.shape_cast %get3A_167 : vector<1x512x128xf32> to vector<512x128xf32>
    %convert_element_type3A_169 = arith.truncf %get3A_168 : vector<512x128xf32> to vector<512x128xbf16>
    %concatenate3A_170 = tpu.concatenate %convert_element_type3A_163, %convert_element_type3A_169 in 1 : vector<512x128xbf16>, vector<512x128xbf16> -> vector<512x256xbf16>
    %get3A_171 = arith.constant 12 : index
    %get3A_172 = arith.constant 0 : index
    %get3A_173 = arith.constant 0 : index
    %get3A_174 = vector.load %arg2[%get3A_171, %get3A_172, %get3A_173] : memref<26x128x1024xbf16, #tpu.memory_space<vmem>>, vector<1x128x1024xbf16>
    %get3A_175 = vector.shape_cast %get3A_174 : vector<1x128x1024xbf16> to vector<128x1024xbf16>
    %get3A_176 = arith.constant 13 : index
    %get3A_177 = arith.constant 0 : index
    %get3A_178 = arith.constant 0 : index
    %get3A_179 = vector.load %arg2[%get3A_176, %get3A_177, %get3A_178] : memref<26x128x1024xbf16, #tpu.memory_space<vmem>>, vector<1x128x1024xbf16>
    %get3A_180 = vector.shape_cast %get3A_179 : vector<1x128x1024xbf16> to vector<128x1024xbf16>
    %concatenate3A_181 = tpu.concatenate %get3A_175, %get3A_180 in 0 : vector<128x1024xbf16>, vector<128x1024xbf16> -> vector<256x1024xbf16>
    %dot_general3A_182 = arith.constant dense<0.000000e+00> : vector<512x1024xf32>
    %dot_general3A_183 = tpu.matmul %concatenate3A_170, %concatenate3A_181, %dot_general3A_182 {dimension_numbers = #tpu.dot_dimension_numbers<[1], [0], [0], [1], [0, 0, 1, 1], [], []>, transpose_lhs_hint = false} : vector<512x256xbf16>, vector<256x1024xbf16>, vector<512x1024xf32> -> vector<512x1024xf32>
    %add3A_184 = arith.addf %add3A_157, %dot_general3A_183 : vector<512x1024xf32>
    %get3A_185 = arith.constant 14 : index
    %get3A_186 = arith.constant 0 : index
    %get3A_187 = arith.constant 0 : index
    %get3A_188 = vector.load %arg1[%get3A_185, %get3A_186, %get3A_187] : memref<26x512x128xf32, #tpu.memory_space<vmem>>, vector<1x512x128xf32>
    %get3A_189 = vector.shape_cast %get3A_188 : vector<1x512x128xf32> to vector<512x128xf32>
    %convert_element_type3A_190 = arith.truncf %get3A_189 : vector<512x128xf32> to vector<512x128xbf16>
    %get3A_191 = arith.constant 15 : index
    %get3A_192 = arith.constant 0 : index
    %get3A_193 = arith.constant 0 : index
    %get3A_194 = vector.load %arg1[%get3A_191, %get3A_192, %get3A_193] : memref<26x512x128xf32, #tpu.memory_space<vmem>>, vector<1x512x128xf32>
    %get3A_195 = vector.shape_cast %get3A_194 : vector<1x512x128xf32> to vector<512x128xf32>
    %convert_element_type3A_196 = arith.truncf %get3A_195 : vector<512x128xf32> to vector<512x128xbf16>
    %concatenate3A_197 = tpu.concatenate %convert_element_type3A_190, %convert_element_type3A_196 in 1 : vector<512x128xbf16>, vector<512x128xbf16> -> vector<512x256xbf16>
    %get3A_198 = arith.constant 14 : index
    %get3A_199 = arith.constant 0 : index
    %get3A_200 = arith.constant 0 : index
    %get3A_201 = vector.load %arg2[%get3A_198, %get3A_199, %get3A_200] : memref<26x128x1024xbf16, #tpu.memory_space<vmem>>, vector<1x128x1024xbf16>
    %get3A_202 = vector.shape_cast %get3A_201 : vector<1x128x1024xbf16> to vector<128x1024xbf16>
    %get3A_203 = arith.constant 15 : index
    %get3A_204 = arith.constant 0 : index
    %get3A_205 = arith.constant 0 : index
    %get3A_206 = vector.load %arg2[%get3A_203, %get3A_204, %get3A_205] : memref<26x128x1024xbf16, #tpu.memory_space<vmem>>, vector<1x128x1024xbf16>
    %get3A_207 = vector.shape_cast %get3A_206 : vector<1x128x1024xbf16> to vector<128x1024xbf16>
    %concatenate3A_208 = tpu.concatenate %get3A_202, %get3A_207 in 0 : vector<128x1024xbf16>, vector<128x1024xbf16> -> vector<256x1024xbf16>
    %dot_general3A_209 = arith.constant dense<0.000000e+00> : vector<512x1024xf32>
    %dot_general3A_210 = tpu.matmul %concatenate3A_197, %concatenate3A_208, %dot_general3A_209 {dimension_numbers = #tpu.dot_dimension_numbers<[1], [0], [0], [1], [0, 0, 1, 1], [], []>, transpose_lhs_hint = false} : vector<512x256xbf16>, vector<256x1024xbf16>, vector<512x1024xf32> -> vector<512x1024xf32>
    %add3A_211 = arith.addf %add3A_184, %dot_general3A_210 : vector<512x1024xf32>
    %get3A_212 = arith.constant 16 : index
    %get3A_213 = arith.constant 0 : index
    %get3A_214 = arith.constant 0 : index
    %get3A_215 = vector.load %arg1[%get3A_212, %get3A_213, %get3A_214] : memref<26x512x128xf32, #tpu.memory_space<vmem>>, vector<1x512x128xf32>
    %get3A_216 = vector.shape_cast %get3A_215 : vector<1x512x128xf32> to vector<512x128xf32>
    %convert_element_type3A_217 = arith.truncf %get3A_216 : vector<512x128xf32> to vector<512x128xbf16>
    %get3A_218 = arith.constant 17 : index
    %get3A_219 = arith.constant 0 : index
    %get3A_220 = arith.constant 0 : index
    %get3A_221 = vector.load %arg1[%get3A_218, %get3A_219, %get3A_220] : memref<26x512x128xf32, #tpu.memory_space<vmem>>, vector<1x512x128xf32>
    %get3A_222 = vector.shape_cast %get3A_221 : vector<1x512x128xf32> to vector<512x128xf32>
    %convert_element_type3A_223 = arith.truncf %get3A_222 : vector<512x128xf32> to vector<512x128xbf16>
    %concatenate3A_224 = tpu.concatenate %convert_element_type3A_217, %convert_element_type3A_223 in 1 : vector<512x128xbf16>, vector<512x128xbf16> -> vector<512x256xbf16>
    %get3A_225 = arith.constant 16 : index
    %get3A_226 = arith.constant 0 : index
    %get3A_227 = arith.constant 0 : index
    %get3A_228 = vector.load %arg2[%get3A_225, %get3A_226, %get3A_227] : memref<26x128x1024xbf16, #tpu.memory_space<vmem>>, vector<1x128x1024xbf16>
    %get3A_229 = vector.shape_cast %get3A_228 : vector<1x128x1024xbf16> to vector<128x1024xbf16>
    %get3A_230 = arith.constant 17 : index
    %get3A_231 = arith.constant 0 : index
    %get3A_232 = arith.constant 0 : index
    %get3A_233 = vector.load %arg2[%get3A_230, %get3A_231, %get3A_232] : memref<26x128x1024xbf16, #tpu.memory_space<vmem>>, vector<1x128x1024xbf16>
    %get3A_234 = vector.shape_cast %get3A_233 : vector<1x128x1024xbf16> to vector<128x1024xbf16>
    %concatenate3A_235 = tpu.concatenate %get3A_229, %get3A_234 in 0 : vector<128x1024xbf16>, vector<128x1024xbf16> -> vector<256x1024xbf16>
    %dot_general3A_236 = arith.constant dense<0.000000e+00> : vector<512x1024xf32>
    %dot_general3A_237 = tpu.matmul %concatenate3A_224, %concatenate3A_235, %dot_general3A_236 {dimension_numbers = #tpu.dot_dimension_numbers<[1], [0], [0], [1], [0, 0, 1, 1], [], []>, transpose_lhs_hint = false} : vector<512x256xbf16>, vector<256x1024xbf16>, vector<512x1024xf32> -> vector<512x1024xf32>
    %add3A_238 = arith.addf %add3A_211, %dot_general3A_237 : vector<512x1024xf32>
    %get3A_239 = arith.constant 18 : index
    %get3A_240 = arith.constant 0 : index
    %get3A_241 = arith.constant 0 : index
    %get3A_242 = vector.load %arg1[%get3A_239, %get3A_240, %get3A_241] : memref<26x512x128xf32, #tpu.memory_space<vmem>>, vector<1x512x128xf32>
    %get3A_243 = vector.shape_cast %get3A_242 : vector<1x512x128xf32> to vector<512x128xf32>
    %convert_element_type3A_244 = arith.truncf %get3A_243 : vector<512x128xf32> to vector<512x128xbf16>
    %get3A_245 = arith.constant 19 : index
    %get3A_246 = arith.constant 0 : index
    %get3A_247 = arith.constant 0 : index
    %get3A_248 = vector.load %arg1[%get3A_245, %get3A_246, %get3A_247] : memref<26x512x128xf32, #tpu.memory_space<vmem>>, vector<1x512x128xf32>
    %get3A_249 = vector.shape_cast %get3A_248 : vector<1x512x128xf32> to vector<512x128xf32>
    %convert_element_type3A_250 = arith.truncf %get3A_249 : vector<512x128xf32> to vector<512x128xbf16>
    %concatenate3A_251 = tpu.concatenate %convert_element_type3A_244, %convert_element_type3A_250 in 1 : vector<512x128xbf16>, vector<512x128xbf16> -> vector<512x256xbf16>
    %get3A_252 = arith.constant 18 : index
    %get3A_253 = arith.constant 0 : index
    %get3A_254 = arith.constant 0 : index
    %get3A_255 = vector.load %arg2[%get3A_252, %get3A_253, %get3A_254] : memref<26x128x1024xbf16, #tpu.memory_space<vmem>>, vector<1x128x1024xbf16>
    %get3A_256 = vector.shape_cast %get3A_255 : vector<1x128x1024xbf16> to vector<128x1024xbf16>
    %get3A_257 = arith.constant 19 : index
    %get3A_258 = arith.constant 0 : index
    %get3A_259 = arith.constant 0 : index
    %get3A_260 = vector.load %arg2[%get3A_257, %get3A_258, %get3A_259] : memref<26x128x1024xbf16, #tpu.memory_space<vmem>>, vector<1x128x1024xbf16>
    %get3A_261 = vector.shape_cast %get3A_260 : vector<1x128x1024xbf16> to vector<128x1024xbf16>
    %concatenate3A_262 = tpu.concatenate %get3A_256, %get3A_261 in 0 : vector<128x1024xbf16>, vector<128x1024xbf16> -> vector<256x1024xbf16>
    %dot_general3A_263 = arith.constant dense<0.000000e+00> : vector<512x1024xf32>
    %dot_general3A_264 = tpu.matmul %concatenate3A_251, %concatenate3A_262, %dot_general3A_263 {dimension_numbers = #tpu.dot_dimension_numbers<[1], [0], [0], [1], [0, 0, 1, 1], [], []>, transpose_lhs_hint = false} : vector<512x256xbf16>, vector<256x1024xbf16>, vector<512x1024xf32> -> vector<512x1024xf32>
    %add3A_265 = arith.addf %add3A_238, %dot_general3A_264 : vector<512x1024xf32>
    %get3A_266 = arith.constant 20 : index
    %get3A_267 = arith.constant 0 : index
    %get3A_268 = arith.constant 0 : index
    %get3A_269 = vector.load %arg1[%get3A_266, %get3A_267, %get3A_268] : memref<26x512x128xf32, #tpu.memory_space<vmem>>, vector<1x512x128xf32>
    %get3A_270 = vector.shape_cast %get3A_269 : vector<1x512x128xf32> to vector<512x128xf32>
    %convert_element_type3A_271 = arith.truncf %get3A_270 : vector<512x128xf32> to vector<512x128xbf16>
    %get3A_272 = arith.constant 21 : index
    %get3A_273 = arith.constant 0 : index
    %get3A_274 = arith.constant 0 : index
    %get3A_275 = vector.load %arg1[%get3A_272, %get3A_273, %get3A_274] : memref<26x512x128xf32, #tpu.memory_space<vmem>>, vector<1x512x128xf32>
    %get3A_276 = vector.shape_cast %get3A_275 : vector<1x512x128xf32> to vector<512x128xf32>
    %convert_element_type3A_277 = arith.truncf %get3A_276 : vector<512x128xf32> to vector<512x128xbf16>
    %concatenate3A_278 = tpu.concatenate %convert_element_type3A_271, %convert_element_type3A_277 in 1 : vector<512x128xbf16>, vector<512x128xbf16> -> vector<512x256xbf16>
    %get3A_279 = arith.constant 20 : index
    %get3A_280 = arith.constant 0 : index
    %get3A_281 = arith.constant 0 : index
    %get3A_282 = vector.load %arg2[%get3A_279, %get3A_280, %get3A_281] : memref<26x128x1024xbf16, #tpu.memory_space<vmem>>, vector<1x128x1024xbf16>
    %get3A_283 = vector.shape_cast %get3A_282 : vector<1x128x1024xbf16> to vector<128x1024xbf16>
    %get3A_284 = arith.constant 21 : index
    %get3A_285 = arith.constant 0 : index
    %get3A_286 = arith.constant 0 : index
    %get3A_287 = vector.load %arg2[%get3A_284, %get3A_285, %get3A_286] : memref<26x128x1024xbf16, #tpu.memory_space<vmem>>, vector<1x128x1024xbf16>
    %get3A_288 = vector.shape_cast %get3A_287 : vector<1x128x1024xbf16> to vector<128x1024xbf16>
    %concatenate3A_289 = tpu.concatenate %get3A_283, %get3A_288 in 0 : vector<128x1024xbf16>, vector<128x1024xbf16> -> vector<256x1024xbf16>
    %dot_general3A_290 = arith.constant dense<0.000000e+00> : vector<512x1024xf32>
    %dot_general3A_291 = tpu.matmul %concatenate3A_278, %concatenate3A_289, %dot_general3A_290 {dimension_numbers = #tpu.dot_dimension_numbers<[1], [0], [0], [1], [0, 0, 1, 1], [], []>, transpose_lhs_hint = false} : vector<512x256xbf16>, vector<256x1024xbf16>, vector<512x1024xf32> -> vector<512x1024xf32>
    %add3A_292 = arith.addf %add3A_265, %dot_general3A_291 : vector<512x1024xf32>
    %get3A_293 = arith.constant 22 : index
    %get3A_294 = arith.constant 0 : index
    %get3A_295 = arith.constant 0 : index
    %get3A_296 = vector.load %arg1[%get3A_293, %get3A_294, %get3A_295] : memref<26x512x128xf32, #tpu.memory_space<vmem>>, vector<1x512x128xf32>
    %get3A_297 = vector.shape_cast %get3A_296 : vector<1x512x128xf32> to vector<512x128xf32>
    %convert_element_type3A_298 = arith.truncf %get3A_297 : vector<512x128xf32> to vector<512x128xbf16>
    %get3A_299 = arith.constant 23 : index
    %get3A_300 = arith.constant 0 : index
    %get3A_301 = arith.constant 0 : index
    %get3A_302 = vector.load %arg1[%get3A_299, %get3A_300, %get3A_301] : memref<26x512x128xf32, #tpu.memory_space<vmem>>, vector<1x512x128xf32>
    %get3A_303 = vector.shape_cast %get3A_302 : vector<1x512x128xf32> to vector<512x128xf32>
    %convert_element_type3A_304 = arith.truncf %get3A_303 : vector<512x128xf32> to vector<512x128xbf16>
    %concatenate3A_305 = tpu.concatenate %convert_element_type3A_298, %convert_element_type3A_304 in 1 : vector<512x128xbf16>, vector<512x128xbf16> -> vector<512x256xbf16>
    %get3A_306 = arith.constant 22 : index
    %get3A_307 = arith.constant 0 : index
    %get3A_308 = arith.constant 0 : index
    %get3A_309 = vector.load %arg2[%get3A_306, %get3A_307, %get3A_308] : memref<26x128x1024xbf16, #tpu.memory_space<vmem>>, vector<1x128x1024xbf16>
    %get3A_310 = vector.shape_cast %get3A_309 : vector<1x128x1024xbf16> to vector<128x1024xbf16>
    %get3A_311 = arith.constant 23 : index
    %get3A_312 = arith.constant 0 : index
    %get3A_313 = arith.constant 0 : index
    %get3A_314 = vector.load %arg2[%get3A_311, %get3A_312, %get3A_313] : memref<26x128x1024xbf16, #tpu.memory_space<vmem>>, vector<1x128x1024xbf16>
    %get3A_315 = vector.shape_cast %get3A_314 : vector<1x128x1024xbf16> to vector<128x1024xbf16>
    %concatenate3A_316 = tpu.concatenate %get3A_310, %get3A_315 in 0 : vector<128x1024xbf16>, vector<128x1024xbf16> -> vector<256x1024xbf16>
    %dot_general3A_317 = arith.constant dense<0.000000e+00> : vector<512x1024xf32>
    %dot_general3A_318 = tpu.matmul %concatenate3A_305, %concatenate3A_316, %dot_general3A_317 {dimension_numbers = #tpu.dot_dimension_numbers<[1], [0], [0], [1], [0, 0, 1, 1], [], []>, transpose_lhs_hint = false} : vector<512x256xbf16>, vector<256x1024xbf16>, vector<512x1024xf32> -> vector<512x1024xf32>
    %add3A_319 = arith.addf %add3A_292, %dot_general3A_318 : vector<512x1024xf32>
    %get3A_320 = arith.constant 24 : index
    %get3A_321 = arith.constant 0 : index
    %get3A_322 = arith.constant 0 : index
    %get3A_323 = vector.load %arg1[%get3A_320, %get3A_321, %get3A_322] : memref<26x512x128xf32, #tpu.memory_space<vmem>>, vector<1x512x128xf32>
    %get3A_324 = vector.shape_cast %get3A_323 : vector<1x512x128xf32> to vector<512x128xf32>
    %convert_element_type3A_325 = arith.truncf %get3A_324 : vector<512x128xf32> to vector<512x128xbf16>
    %get3A_326 = arith.constant 25 : index
    %get3A_327 = arith.constant 0 : index
    %get3A_328 = arith.constant 0 : index
    %get3A_329 = vector.load %arg1[%get3A_326, %get3A_327, %get3A_328] : memref<26x512x128xf32, #tpu.memory_space<vmem>>, vector<1x512x128xf32>
    %get3A_330 = vector.shape_cast %get3A_329 : vector<1x512x128xf32> to vector<512x128xf32>
    %convert_element_type3A_331 = arith.truncf %get3A_330 : vector<512x128xf32> to vector<512x128xbf16>
    %concatenate3A_332 = tpu.concatenate %convert_element_type3A_325, %convert_element_type3A_331 in 1 : vector<512x128xbf16>, vector<512x128xbf16> -> vector<512x256xbf16>
    %get3A_333 = arith.constant 24 : index
    %get3A_334 = arith.constant 0 : index
    %get3A_335 = arith.constant 0 : index
    %get3A_336 = vector.load %arg2[%get3A_333, %get3A_334, %get3A_335] : memref<26x128x1024xbf16, #tpu.memory_space<vmem>>, vector<1x128x1024xbf16>
    %get3A_337 = vector.shape_cast %get3A_336 : vector<1x128x1024xbf16> to vector<128x1024xbf16>
    %get3A_338 = arith.constant 25 : index
    %get3A_339 = arith.constant 0 : index
    %get3A_340 = arith.constant 0 : index
    %get3A_341 = vector.load %arg2[%get3A_338, %get3A_339, %get3A_340] : memref<26x128x1024xbf16, #tpu.memory_space<vmem>>, vector<1x128x1024xbf16>
    %get3A_342 = vector.shape_cast %get3A_341 : vector<1x128x1024xbf16> to vector<128x1024xbf16>
    %concatenate3A_343 = tpu.concatenate %get3A_337, %get3A_342 in 0 : vector<128x1024xbf16>, vector<128x1024xbf16> -> vector<256x1024xbf16>
    %dot_general3A_344 = arith.constant dense<0.000000e+00> : vector<512x1024xf32>
    %dot_general3A_345 = tpu.matmul %concatenate3A_332, %concatenate3A_343, %dot_general3A_344 {dimension_numbers = #tpu.dot_dimension_numbers<[1], [0], [0], [1], [0, 0, 1, 1], [], []>, transpose_lhs_hint = false} : vector<512x256xbf16>, vector<256x1024xbf16>, vector<512x1024xf32> -> vector<512x1024xf32>
    %add3A_346 = arith.addf %add3A_319, %dot_general3A_345 : vector<512x1024xf32>
    %get3A_347 = arith.constant 0 : index
    %get3A_348 = arith.constant 0 : index
    %get3A_349 = vector.load %arg3[%get3A_347, %get3A_348] : memref<1x1024xf32, #tpu.memory_space<vmem>>, vector<1x1024xf32>
    %add3A_350 = vector.broadcast %get3A_349 : vector<1x1024xf32> to vector<512x1024xf32>
    %add3A_351 = arith.addf %add3A_346, %add3A_350 : vector<512x1024xf32>
    %max3A = arith.constant 0.000000e+00 : f32
    %max3A_352 = vector.broadcast %max3A : f32 to vector<512x1024xf32>
    %max3A_353 = arith.maximumf %add3A_351, %max3A_352 : vector<512x1024xf32>
    %convert_element_type3A_354 = arith.truncf %max3A_353 : vector<512x1024xf32> to vector<512x1024xbf16>
    %get3A_355 = arith.constant 0 : index
    %get3A_356 = arith.constant 0 : index
    %get3A_357 = vector.load %arg4[%get3A_355, %get3A_356] : memref<1024x512xbf16, #tpu.memory_space<vmem>>, vector<1024x512xbf16>
    %dot_general3A_358 = arith.constant dense<0.000000e+00> : vector<512x512xf32>
    %dot_general3A_359 = tpu.matmul %convert_element_type3A_354, %get3A_357, %dot_general3A_358 {dimension_numbers = #tpu.dot_dimension_numbers<[1], [0], [0], [1], [0, 0, 1, 1], [], []>, transpose_lhs_hint = false} : vector<512x1024xbf16>, vector<1024x512xbf16>, vector<512x512xf32> -> vector<512x512xf32>
    %get3A_360 = arith.constant 0 : index
    %get3A_361 = arith.constant 0 : index
    %get3A_362 = vector.load %arg5[%get3A_360, %get3A_361] : memref<1x512xf32, #tpu.memory_space<vmem>>, vector<1x512xf32>
    %add3A_363 = vector.broadcast %get3A_362 : vector<1x512xf32> to vector<512x512xf32>
    %add3A_364 = arith.addf %dot_general3A_359, %add3A_363 : vector<512x512xf32>
    %max3A_365 = arith.constant 0.000000e+00 : f32
    %max3A_366 = vector.broadcast %max3A_365 : f32 to vector<512x512xf32>
    %max3A_367 = arith.maximumf %add3A_364, %max3A_366 : vector<512x512xf32>
    %convert_element_type3A_368 = arith.truncf %max3A_367 : vector<512x512xf32> to vector<512x512xbf16>
    %get3A_369 = arith.constant 0 : index
    %get3A_370 = arith.constant 0 : index
    %get3A_371 = vector.load %arg6[%get3A_369, %get3A_370] : memref<512x256xbf16, #tpu.memory_space<vmem>>, vector<512x256xbf16>
    %dot_general3A_372 = arith.constant dense<0.000000e+00> : vector<512x256xf32>
    %dot_general3A_373 = tpu.matmul %convert_element_type3A_368, %get3A_371, %dot_general3A_372 {dimension_numbers = #tpu.dot_dimension_numbers<[1], [0], [0], [1], [0, 0, 1, 1], [], []>, transpose_lhs_hint = false} : vector<512x512xbf16>, vector<512x256xbf16>, vector<512x256xf32> -> vector<512x256xf32>
    %get3A_374 = arith.constant 0 : index
    %get3A_375 = arith.constant 0 : index
    %get3A_376 = vector.load %arg7[%get3A_374, %get3A_375] : memref<1x256xf32, #tpu.memory_space<vmem>>, vector<1x256xf32>
    %add3A_377 = vector.broadcast %get3A_376 : vector<1x256xf32> to vector<512x256xf32>
    %add3A_378 = arith.addf %dot_general3A_373, %add3A_377 : vector<512x256xf32>
    %max3A_379 = arith.constant 0.000000e+00 : f32
    %max3A_380 = vector.broadcast %max3A_379 : f32 to vector<512x256xf32>
    %max3A_381 = arith.maximumf %add3A_378, %max3A_380 : vector<512x256xf32>
    %get3A_382 = arith.constant 0 : index
    %get3A_383 = arith.constant 0 : index
    %get3A_384 = vector.load %arg8[%get3A_382, %get3A_383] : memref<1x256xf32, #tpu.memory_space<vmem>>, vector<1x256xf32>
    %mul3A = vector.broadcast %get3A_384 : vector<1x256xf32> to vector<512x256xf32>
    %mul3A_385 = arith.mulf %max3A_381, %mul3A : vector<512x256xf32>
    %reduce_sum3A = arith.constant dense<0.000000e+00> : vector<512xf32>
    %reduce_sum3A_386 = vector.multi_reduction <add>, %mul3A_385, %reduce_sum3A [1] : vector<512x256xf32> to vector<512xf32>
    %swap3A = arith.constant 0 : index
    %swap3A_387 = vector.load %arg9[%swap3A] : memref<512xf32, #tpu.memory_space<vmem>>, vector<512xf32>
    tpu.vector_store %arg9[%swap3A], %reduce_sum3A_386 {strides = array<i32>} : memref<512xf32, #tpu.memory_space<vmem>>, vector<512xf32>,
    return
  }
  func.func @transform_0(%arg0: i32) -> (i32, i32, i32) {
    %c0_i32 = arith.constant 0 : i32
    %c0_i32_0 = arith.constant 0 : i32
    %c0_i32_1 = arith.constant 0 : i32
    return %c0_i32, %arg0, %c0_i32_0 : i32, i32, i32
  }
  func.func @transform_1(%arg0: i32) -> (i32, i32, i32) {
    %c0_i32 = arith.constant 0 : i32
    %c0_i32_0 = arith.constant 0 : i32
    %c0_i32_1 = arith.constant 0 : i32
    %c0_i32_2 = arith.constant 0 : i32
    return %c0_i32, %c0_i32_0, %c0_i32_1 : i32, i32, i32
  }
  func.func @transform_2(%arg0: i32) -> (i32, i32) {
    %c0_i32 = arith.constant 0 : i32
    %c0_i32_0 = arith.constant 0 : i32
    %c0_i32_1 = arith.constant 0 : i32
    return %c0_i32, %c0_i32_0 : i32, i32
  }
  func.func @transform_3(%arg0: i32) -> (i32, i32) {
    %c0_i32 = arith.constant 0 : i32
    %c0_i32_0 = arith.constant 0 : i32
    %c0_i32_1 = arith.constant 0 : i32
    return %c0_i32, %c0_i32_0 : i32, i32
  }
  func.func @transform_4(%arg0: i32) -> (i32, i32) {
    %c0_i32 = arith.constant 0 : i32
    %c0_i32_0 = arith.constant 0 : i32
    %c0_i32_1 = arith.constant 0 : i32
    return %c0_i32, %c0_i32_0 : i32, i32
  }
  func.func @transform_5(%arg0: i32) -> (i32, i32) {
    %c0_i32 = arith.constant 0 : i32
    %c0_i32_0 = arith.constant 0 : i32
    %c0_i32_1 = arith.constant 0 : i32
    return %c0_i32, %c0_i32_0 : i32, i32
  }
  func.func @transform_6(%arg0: i32) -> (i32, i32) {
    %c0_i32 = arith.constant 0 : i32
    %c0_i32_0 = arith.constant 0 : i32
    %c0_i32_1 = arith.constant 0 : i32
    return %c0_i32, %c0_i32_0 : i32, i32
  }
  func.func @transform_7(%arg0: i32) -> (i32, i32) {
    %c0_i32 = arith.constant 0 : i32
    %c0_i32_0 = arith.constant 0 : i32
    %c0_i32_1 = arith.constant 0 : i32
    return %c0_i32, %c0_i32_0 : i32, i32
  }
  func.func @transform_8(%arg0: i32) -> i32 {
    %c0_i32 = arith.constant 0 : i32
    return %arg0 : i32
  }
}

</mosaic_0001>

<sc_bundles>
// kernel: kernel.11.cloned.1.call-start
scs
__scs_entry_jumppad:
0x0: {  	(pc) =	sbr.rel $0x88, $3  }
0x1: {  	(tag) =	ssettag $0x0;
	lr =	simm.s32 $0x1  }
0x2: {  	[smem:$0x3F95] =	sst lr;
	_ =	strace $0xD0000000  }
0x3: {  	_ = 	snop  }
0x4: {  	_ = 	snop  }
0x5: {  	_ = 	snop  }
0x6: {  	_ = 	snop  }
0x7: {  	_ = 	snop  }
__scs_overlays_trampoline_lowered:
0x8: {  	[smem:$0x3FA4] =	sst s0  }
0x9: {  	[smem:$0x3FA5] =	sst s1  }
0xa: {  	[smem:$0x3FA6] =	sst s2  }
0xb: {  	[smem:$0x3FA7] =	sst s3  }
0xc: {  	[smem:$0x3FA8] =	sst s4  }
0xd: {  	[smem:$0x3FA9] =	sst s5  }
0xe: {  	[smem:$0x3FAA] =	sst s6  }
0xf: {  	[smem:$0x3FAB] =	sst s7  }
0x10: {  	[smem:$0x3FAC] =	sst s8  }
0x11: {  	[smem:$0x3FAD] =	sst s9;
	s0 =	simm.s32 @!p0 $0x0  }
0x12: {  	s1 =	sld [smem:$0x3F93];
	s0 =	simm.s32 @p0 $0x1  }
0x13: {  	[smem:$0x3FAE] =	sst s0;
	s0 =	simm.s32 @!p1 $0x0  }
0x14: {  	s2 =	sld [smem:$0x3F92];
	s0 =	simm.s32 @p1 $0x1  }
0x15: {  	[smem:$0x3FAF] =	sst s0;
	s0 =	simm.s32 @!p2 $0x0  }
0x16: {  	s3 =	sld [smem:$0x3FDB];
	s0 =	simm.s32 @p2 $0x1  }
0x17: {  	s4 =	simm.s32 $0x1BF5;
	[smem:$0x3FB1] =	sst s0  }
0x18: {  	s0 =	sld [smem:$0x3F94];
	_ =	swait.ge [sflag:s4], $0x0  }
0x19: {  	s7 =	sld [smem:$0x3F95]  }
0x1a: {  	s8 =	sadd.s32 $0xFFFFE003, lr  }
0x1b: {  	s9 =	sadd.s32 $0xFFFFFEF7, lr;
	s5 =	simm.s32 $0xFFFFFFFF;
	p2 =	slt.u32 s8, $0xFFFFF086  }
0x1c: {  	p1 =	slt.u32 s9, $0xF7A;
	s5 =	simm.s32 @!p2 $0x0  }
0x1d: {  	s5 =	simm.s32 @p1 $0x1;
	p0 =	seq.s32 s7, s2  }
0x1e: {  	s7 =	smul.u32 @!p0 $0xF7A, s2;
	p2 =	seq.s32 @!p0 s5, $0x0  }
0x1f: {  	s9 =	smul.u32 $0xF7A, s1;
	s8 =	simm.s32 @!p0 $0x1BF5;
	p2 =	por !p2, p0  }
0x20: {  	[sflag:s8] =	ssyncset.s32 @!p0 $0xFFFFF086;
	s6 =	sadd.s32 @!p0 s3, s7;
	s7 =	simm.s32 @!p0 $0x108  }
0x21: {  	s3 =	sadd.s32 s3, s9;
	s6 =	sadd.s32 @!p0 $0x88, s6;
	s7 =	simm.s32 @p2 $0x1082  }
0x22: {  	[simem:s7], [sflag:s8] =	dma.local @!p0 [hbm:s6], $0xF7A  }
0x23: {  	s9 =	sor.u32 $0xD0000000, s2;
	s6 =	simm.s32 $0x108;
	_ =	swait.ge @!p0 [sflag:s8], $0x0  }
0x24: {  	s3 =	sadd.s32 $0x88, s3;
	s6 =	simm.s32 @!p1 $0x1082;
	[sflag:s4] =	ssyncset.s32 $0xFFFFF086  }
0x25: {  	[simem:s6], [sflag:s4] =	dma.local [hbm:s3], $0xF7A  }
0x26: {  	[smem:$0x3F95] =	sst s1;
	(tag) =	ssettag s2;
	_ =	strace s9  }
0x27: {  	s1 =	sld [smem:$0x3FA5]  }
0x28: {  	s2 =	sld [smem:$0x3FA6]  }
0x29: {  	s4 =	sld [smem:$0x3FA8]  }
0x2a: {  	p0 =	seq.s32 s5, $0x0;
	s5 =	sld [smem:$0x3FA9]  }
0x2b: {  	s6 =	sld [smem:$0x3FAA]  }
0x2c: {  	s7 =	sld [smem:$0x3FAB]  }
0x2d: {  	s3 =	simm.s32 $0x108;
	s8 =	sld [smem:$0x3FAC]  }
0x2e: {  	s3 =	simm.s32 @!p0 $0x1082;
	s9 =	sld [smem:$0x3FAD]  }
0x2f: {  	lr =	sadd.s32 s0, s3;
	s0 =	sld [smem:$0x3FA4]  }
0x30: {  	s3 =	sld [smem:$0x3FA7]  }
0x31: {  	[smem:$0x3FB0] =	sst s10  }
0x32: {  	s10 =	sld [smem:$0x3FAE];
	_ =	sdelay $0x3  }
0x33: {  	p0 =	seq.s32 s10, $0x1;
	s10 =	sld [smem:$0x3FB0];
	_ =	sdelay $0x3  }
0x34: {  	[smem:$0x3FB0] =	sst s10  }
0x35: {  	s10 =	sld [smem:$0x3FAF];
	_ =	sdelay $0x3  }
0x36: {  	p1 =	seq.s32 s10, $0x1;
	s10 =	sld [smem:$0x3FB0];
	_ =	sdelay $0x3  }
0x37: {  	[smem:$0x3FB0] =	sst s10  }
0x38: {  	s10 =	sld [smem:$0x3FB1]  }
0x39: {  	_ = 	snop;
	(pc) =	sbr.ind lr, $3  }
0x3a: {  	_ = 	snop  }
0x3b: {  	_ = 	snop  }
0x3c: {  	p2 =	seq.s32 s10, $0x1;
	s10 =	sld [smem:$0x3FB0]  }
0x3d: {  	_ =	shalt  }
0x3e: {  	_ =	shalt  }
0x3f: {  	_ =	shalt  }
0x40: {  	_ =	shalt  }
0x41: {  	_ =	shalt  }
0x42: {  	_ =	shalt  }
0x43: {  	_ =	shalt  }
0x44: {  	_ =	shalt  }
0x45: {  	_ =	shalt  }
0x46: {  	_ =	shalt  }
0x47: {  	_ =	shalt  }
0x48: {  	_ =	shalt  }
0x49: {  	_ =	shalt  }
0x4a: {  	_ =	shalt  }
0x4b: {  	_ =	shalt  }
0x4c: {  	_ =	shalt  }
0x4d: {  	_ =	shalt  }
0x4e: {  	_ =	shalt  }
0x4f: {  	_ =	shalt  }
0x50: {  	_ =	shalt  }
0x51: {  	_ =	shalt  }
0x52: {  	_ =	shalt  }
0x53: {  	_ =	shalt  }
0x54: {  	_ =	shalt  }
0x55: {  	_ =	shalt  }
0x56: {  	_ =	shalt  }
0x57: {  	_ =	shalt  }
0x58: {  	_ =	shalt  }
0x59: {  	_ =	shalt  }
0x5a: {  	_ =	shalt  }
0x5b: {  	_ =	shalt  }
0x5c: {  	_ =	shalt  }
0x5d: {  	_ =	shalt  }
0x5e: {  	_ =	shalt  }
0x5f: {  	_ =	shalt  }
0x60: {  	_ =	shalt  }
0x61: {  	_ =	shalt  }
0x62: {  	_ =	shalt  }
0x63: {  	_ =	shalt  }
0x64: {  	_ =	shalt  }
0x65: {  	_ =	shalt  }
0x66: {  	_ =	shalt  }
0x67: {  	_ =	shalt  }
0x68: {  	_ =	shalt  }
0x69: {  	_ =	shalt  }
0x6a: {  	_ =	shalt  }
0x6b: {  	_ =	shalt  }
0x6c: {  	_ =	shalt  }
0x6d: {  	_ =	shalt  }
0x6e: {  	_ =	shalt  }
0x6f: {  	_ =	shalt  }
0x70: {  	_ =	shalt  }
0x71: {  	_ =	shalt  }
0x72: {  	_ =	shalt  }
0x73: {  	_ =	shalt  }
0x74: {  	_ =	shalt  }
0x75: {  	_ =	shalt  }
0x76: {  	_ =	shalt  }
0x77: {  	_ =	shalt  }
0x78: {  	_ =	shalt  }
0x79: {  	_ =	shalt  }
0x7a: {  	_ =	shalt  }
0x7b: {  	_ =	shalt  }
0x7c: {  	_ =	shalt  }
0x7d: {  	_ =	shalt  }
0x7e: {  	_ =	shalt  }
0x7f: {  	_ =	shalt  }
0x80: {  	_ =	shalt  }
0x81: {  	_ =	shalt  }
0x82: {  	_ =	shalt  }
0x83: {  	_ =	shalt  }
0x84: {  	_ =	shalt  }
0x85: {  	_ =	shalt  }
0x86: {  	_ =	shalt  }
0x87: {  	_ =	shalt  }
.Lfunc_end0:
.L_simem_size_0:
called_computation_lowered:
.L_overlay_start_0:
0x88: {  	s2 =	sld [smem:$0x3FD9]  }
0x89: {  	s3 =	sld [smem:$0x3FFE];
	_ =	sdelay $0x1  }
0x8a: {  	s1 =	srdreg.scid  }
0x8b: {  	s0 =	sand.u32 $0x1, s1  }
0x8c: {  	s17 =	sshll.u32 s0, $0xA;
	s2 =	sadd.s32 s3, s2  }
0x8d: {  	s2 =	sadd.s32 s2, s17  }
0x8e: {  	[smem:$0x3FBC] =	sst s2  }
0x8f: {  	_ = 	snop  }
0x90: {  	s18 =	sld [smem:$0x3FC6];
	(tm) =	ssettm $0x1  }
0x91: {  	s19 =	sld [smem:$0x3FFB];
	_ =	sdelay $0x3  }
0x92: {  	_ =	strace s19  }
0x93: {  	s2 =	sld [smem:$0x3FFC];
	_ =	sdelay $0x3  }
0x94: {  	_ =	strace s2  }
0x95: {  	s2 =	sld [smem:$0x3FFD];
	_ =	sdelay $0x3  }
0x96: {  	_ =	strace s2  }
0x97: {  	_ =	strace $0x8FFFFFFF  }
0x98: {  	s20 =	sld [smem:$0x3FDB];
	_ =	sdelay $0x1  }
0x99: {  	s4 =	simm.s32 $_scs_section_size  }
0x9a: {  	s5 =	simm.s32 $_size__tile_overlayer_lowered;
	s6 =	simm.s32 $_tile_overlayer_lowered  }
0x9b: {  	s7 =	simm.s32 $0x1BFF;
	s21 =	sshll.u32 s6, $0x1;
	s4 =	sadd.s32 s4, s20  }
0x9c: {  	s22 =	simm.s32 $0x0;
	s5 =	sshll.u32 s5, $0x1;
	s6 =	sadd.s32 s21, s4  }
0x9d: {  	[timem:s22], [sflag:s7] =	dma.local [hbm:s6], s5  }
0x9e: {  	_ =	swait.ge [sflag:s7], s5  }
0x9f: {  	s5 =	ssub.s32 $0x0, s5;
	[sflag:s7] =	ssyncset.done $0x0  }
0xa0: {  	[sflag:s7] =	ssyncadd.s32 s5;
	_ =	sdelay $0x1  }
0xa1: {  	s23 =	simm.s32 $0x1B8B  }
0xa2: {  	_ =	swait.ge [sflag:s23], $0x1  }
0xa3: {  	[sflag:s23] =	ssyncset.done $0x0  }
0xa4: {  	[sflag:s23] =	ssyncadd.s32 $0xFFFFFFFF  }
0xa5: {  	s5 =	sld [smem:$0x0]  }
0xa6: {  	s6 =	sand.u32 $0xFFFFFFFE, s1  }
0xa7: {  	p0 =	sne.s32 s1, s6  }
0xa8: {  	s6 =	sshll.u32 @p0 s6, $0xE  }
0xa9: {  	s6 =	sadd.s32 @p0 $0x11B8D, s6;
	s7 =	sshll.u32 @p0 s5, $0x11  }
0xaa: {  	s6 =	sor.u32 @p0 s7, s6  }
0xab: {  	[sflag:s6] =	ssyncadd.remote.s32 @p0 $0x1;
	_ =	sdelay $0x1  }
0xac: {  	s6 =	simm.s32 @p0 $0x1B8D  }
0xad: {  	_ =	swait.eq @p0 [sflag:s6], $0x1  }
0xae: {  	[sflag:s6] =	ssyncadd.s32 @p0 $0xFFFFFFFF  }
0xaf: {  	s7 =	sshll.u32 @!p0 s1, $0xE  }
0xb0: {  	s7 =	sor.u32 @!p0 $0x4000, s7;
	s6 =	simm.s32 @!p0 $0x1B8D  }
0xb1: {  	s5 =	sshll.u32 @!p0 s5, $0x11;
	s7 =	sadd.s32 @!p0 $0x11B8D, s7;
	_ =	swait.eq @!p0 [sflag:s6], $0x1  }
0xb2: {  	s5 =	sor.u32 @!p0 s5, s7;
	[sflag:s6] =	ssyncadd.s32 @!p0 $0xFFFFFFFF  }
0xb3: {  	s25 =	simm.s32 $0x1B8E;
	s24 =	sld [smem:$0x3FFE];
	[sflag:s5] =	ssyncadd.remote.s32 @!p0 $0x1  }
0xb4: {  	s26 =	simm.s32 $execute0_lowered;
	[smem:$0x3FD2] =	sst s25  }
0xb5: {  	s6 =	sshll.u32 s26, $0x1;
	_ =	strace $0x8000004F;
	[dreg:$0x1] =	wrdreg $0xFFFFFFFF  }
0xb6: {  	s28 =	simm.s32 $_size_execute0_lowered;
	s4 =	sadd.s32 s4, s6;
	[dreg:$0x0] =	wrdreg $0x0  }
0xb7: {  	s6 =	sshll.u32 s28, $0x1;
	[dreg:$0x2] =	wrdreg s4  }
0xb8: {  	[dreg:$0x3] =	wrdreg s6  }
0xb9: {  	[dreg:$0x4] =	wrdreg $0xC0  }
0xba: {  	_ =	task [dreg:s22], $0x5FFFF  }
0xbb: {  	[dreg:$0x1] =	wrdreg $0xFFFFFFFF  }
0xbc: {  	[dreg:$0x0] =	wrdreg $0x60  }
0xbd: {  	[dreg:$0x2] =	wrdreg s24  }
0xbe: {  	[dreg:$0x3] =	wrdreg s18  }
0xbf: {  	[dreg:$0x4] =	wrdreg $0x9  }
0xc0: {  	_ =	task.clear_ibuf [dreg:s22], $0x5FFFF;
	_ =	strace $0x9000004F  }
0xc1: {  	s29 =	simm.s32 $0x9;
	_ =	strace $0x80000051  }
0xc2: {  	_ =	swait.ge [sflag:s29], $0x1  }
0xc3: {  	[sflag:s29] =	ssyncadd.s32 $0xFFFFFFFF  }
0xc4: {  	_ =	strace $0x90000051  }
0xc5: {  	_ =	sfence  }
0xc6: {  	s30 =	sld [smem:$0x0];
	_ =	sdelay $0x2  }
0xc7: {  	s31 =	sshll.u32 s1, $0xD;
	s1 =	sshrl.u32 s1, $0x2  }
0xc8: {  	s4 =	sand.u32 $0x4000, s31;
	s1 =	sadd.s32 s1, s30  }
0xc9: {  	s0 =	sor.u32 s4, s0;
	s1 =	sshll.u32 s1, $0x11  }
0xca: {  	s0 =	sor.u32 s1, s0  }
0xcb: {  	s0 =	sadd.s32 $0x8F2B, s0  }
0xcc: {  	[sflag:s0] =	ssyncadd.remote.s32 $0x1  }
0xcd: {  	_ =	sfence.sel $0xFFFF  }
0xce: {  	[dreg:$0x0] =	wrdreg $0xFFFFFFFF;
	(pc) =	sbr.abs _section_cstart, $3  }
0xcf: {  	[dreg:$0x1] =	wrdreg $0xFFFFFFFF  }
0xd0: {  	_ =	task.clear_ibuf [dreg:s22], $0x2FFFF;
	_ =	strace $0x9FFFFFFF  }
0xd1: {  	(tm) =	ssettm $0x7FFFFFFF  }
tec
execute0_lowered:
.L_overlay_start_1:
0x0: {  	(tag) =	ssettag $0x1  }
0x1: {  	s4 =	rddreg [dreg:$0x0]  }
0x2: {  	s2 =	rddreg [dreg:$0x1]  }
0x3: {  	s0 =	rddreg [dreg:$0x2]  }
0x4: {  	s5 =	srdreg.scid;
	s1 =	stileid.u32;
	s3 =	simm.s32 $0x0  }
0x5: {  	s14 =	simm.s32 $0x5000;
	s15 =	simm.s32 $0x1;
	s16 =	simm.s32 $0x2  }
0x6: {  	s17 =	simm.s32 $0x3;
	s18 =	simm.s32 $0x4;
	s11 =	smul.u32 $0xD0000, s1  }
0x7: {  	s19 =	simm.s32 $0x0;
	s8 =	sand.u32 $0x1, s5;
	s13 =	smul.u32 $0x1A000, s1  }
0x8: {  	s24 =	sshll.u32 s1, $0x1;
	[smem:$0x7FF] =	sst s3;
	s28 =	smul.u32 $0x68000, s8  }
0x9: {  	s5 =	sor.u32 s8, s24;
	_ =	strace $0x80000050;
	s29 =	smul.u32 $0xD000, s8  }
0xa: {  	s9 =	ssub.s32 $0x2, s8;
	s6 =	smul.u32 $0x68000, s5;
	s7 =	sshll.u32 s5, $0x9  }
0xb: {  	s10 =	smul.u32 $0xD000, s5;
	s26 =	sshrl.u32 s9, $0x1;
	s25 =	sadd.s32 s7, s4  }
0xc: {  	s4 =	sadd.s32 $0x502A00, s4;
	s7 =	ssub.s32 s9, s26;
	s9 =	sadd.s32 s28, s11  }
0xd: {  	s11 =	simm.s32 $0x5;
	s5 =	sadd.s32 $0x16A00, s25;
	s12 =	sshrl.u32 s6, $0x3  }
0xe: {  	s6 =	smax.u32 s7, $0x1;
	s30 =	sadd.s32 s10, s4;
	s31 =	sadd.s32 s13, s4  }
0xf: {  	s9 =	sadd.s32 $0x8000, s9;
	s13 =	simm.s32 $0x1000;
	s7 =	sadd.s32 s4, s12  }
0x10: {  	s8 =	sadd.s32 $0x800, s30;
	s10 =	sadd.s32 s29, s31;
	s12 =	simm.s32 $0x80  }
.LBB2_1:
0x11: {  	[tilespmem:s3], [sflag:$0x5] =	stream.linear.gather [hbm4b:s5+s3], $0xD00, $0x38;
	[tilespmem:$0x9000] =	vst v63  }
0x12: {  	_ =	swait.ge [sflag:s11], $0xD00  }
0x13: {  	[sflag:s11] =	ssyncset.done $0x0  }
0x14: {  	[sflag:s11] =	ssyncadd.s32 $0xFFFFF300  }
0x15: {  	[tilespmem:s13], [sflag:$0x1] =	stream.indirect.gather [hbm4b:s2+s12], $0x80, s3, s12, $0xb8;
	[tilespmem:$0x9000] =	vst v63  }
0x16: {  	_ = 	snop  }
0x17: {  	[tilespmem:s14], [sflag:$0x2] =	stream.indirect.gather [hbm4b:s2+s12], $0x80, s12, s12, $0xb8;
	[tilespmem:$0x9000] =	vst v63  }
0x18: {  	_ =	swait.ge [sflag:s15], $0x4000  }
0x19: {  	[sflag:s15] =	ssyncset.done $0x0  }
0x1a: {  	[sflag:s15] =	ssyncadd.s32 $0xFFFFC000  }
0x1b: {  	[hbm4b:s7+s3] =	stream.linear.scatter [tilespmem:s13], [sflag:$0x3], $0x4000, $0x38;
	[tilespmem:$0x9000] =	vst v63  }
0x1c: {  	_ =	swait.ge [sflag:s16], $0x4000  }
0x1d: {  	[sflag:s16] =	ssyncset.done $0x0  }
0x1e: {  	[sflag:s16] =	ssyncadd.s32 $0xFFFFC000  }
0x1f: {  	[hbm4b:s8+s3] =	stream.linear.scatter [tilespmem:s14], [sflag:$0x4], $0x4000, $0x38;
	[tilespmem:$0x9000] =	vst v63  }
0x20: {  	_ =	swait.ge [sflag:s17], $0x4000  }
0x21: {  	[sflag:s17] =	ssyncset.done $0x0  }
0x22: {  	[sflag:s17] =	ssyncadd.s32 $0xFFFFC000  }
0x23: {  	_ =	swait.ge [sflag:s18], $0x4000  }
0x24: {  	[sflag:s18] =	ssyncset.done $0x0  }
0x25: {  	s20 =	simm.s32 $0x100;
	[sflag:s18] =	ssyncadd.s32 $0xFFFFC000  }
0x26: {  	[tilespmem:s13], [sflag:$0x1] =	stream.indirect.gather [hbm4b:s2+s12], $0x80, s20, s12, $0xb8;
	[tilespmem:$0x9000] =	vst v63  }
0x27: {  	s30 =	simm.s32 $0x180  }
0x28: {  	[tilespmem:s14], [sflag:$0x2] =	stream.indirect.gather [hbm4b:s2+s12], $0x80, s30, s12, $0xb8;
	[tilespmem:$0x9000] =	vst v63  }
0x29: {  	_ =	swait.ge [sflag:s15], $0x4000  }
0x2a: {  	s31 =	sshrl.u32 s9, $0x3;
	[sflag:s15] =	ssyncset.done $0x0  }
0x2b: {  	s20 =	sadd.s32 s4, s31;
	[sflag:s15] =	ssyncadd.s32 $0xFFFFC000  }
0x2c: {  	[hbm4b:s20+s3] =	stream.linear.scatter [tilespmem:s13], [sflag:$0x3], $0x4000, $0x38;
	[tilespmem:$0x9000] =	vst v63  }
0x2d: {  	_ =	swait.ge [sflag:s16], $0x4000  }
0x2e: {  	s21 =	simm.s32 $0x200;
	s23 =	sadd.s32 $0x1800, s10;
	[sflag:s16] =	ssyncset.done $0x0  }
0x2f: {  	s22 =	sadd.s32 $0x8000, s9;
	s20 =	simm.s32 $0x2800;
	[sflag:s16] =	ssyncadd.s32 $0xFFFFC000  }
.LBB2_2:
0x30: {  	[hbm4b:s23+s3] =	stream.linear.scatter [tilespmem:s14], [sflag:$0x4], $0x4000, $0x38;
	[tilespmem:$0x9000] =	vst v63  }
0x31: {  	s23 =	smov.u32 s20  }
0x32: {  	p0 =	sne.s32 s20, $0xC800;
	s20 =	sadd.s32 $0x1000, s20;
	_ =	swait.ge [sflag:s17], $0x4000  }
0x33: {  	[sflag:s17] =	ssyncset.done $0x0  }
0x34: {  	[sflag:s17] =	ssyncadd.s32 $0xFFFFC000  }
0x35: {  	_ =	swait.ge [sflag:s18], $0x4000  }
0x36: {  	[sflag:s18] =	ssyncset.done $0x0  }
0x37: {  	[sflag:s18] =	ssyncadd.s32 $0xFFFFC000  }
0x38: {  	[tilespmem:s13], [sflag:$0x1] =	stream.indirect.gather [hbm4b:s2+s12], $0x80, s21, s12, $0xb8;
	[tilespmem:$0x9000] =	vst v63  }
0x39: {  	s24 =	sadd.s32 $0x80, s21  }
0x3a: {  	[tilespmem:s14], [sflag:$0x2] =	stream.indirect.gather [hbm4b:s2+s12], $0x80, s24, s12, $0xb8;
	[tilespmem:$0x9000] =	vst v63  }
0x3b: {  	_ =	swait.ge [sflag:s15], $0x4000  }
0x3c: {  	s24 =	sshrl.u32 s22, $0x3;
	[sflag:s15] =	ssyncset.done $0x0  }
.Ltmp0:
0x3d: {  	s24 =	sadd.s32 s4, s24;
	[sflag:s15] =	ssyncadd.s32 $0xFFFFC000;
	(pc) =	sbr.rel @p0 .LBB2_2-.Ltmp0, $4  }
0x3e: {  	[hbm4b:s24+s3] =	stream.linear.scatter [tilespmem:s13], [sflag:$0x3], $0x4000, $0x38;
	[tilespmem:$0x9000] =	vst v63  }
0x3f: {  	_ =	swait.ge [sflag:s16], $0x4000  }
0x40: {  	s21 =	sadd.s32 $0x100, s21;
	[sflag:s16] =	ssyncset.done $0x0  }
0x41: {  	s23 =	sadd.s32 s23, s10;
	s22 =	sadd.s32 $0x8000, s22;
	[sflag:s16] =	ssyncadd.s32 $0xFFFFC000  }
0x42: {  	[hbm4b:s23+s3] =	stream.linear.scatter [tilespmem:s14], [sflag:$0x4], $0x4000, $0x38;
	[tilespmem:$0x9000] =	vst v63  }
0x43: {  	s19 =	sadd.s32 $0x1, s19  }
0x44: {  	_ =	swait.ge [sflag:s17], $0x4000;
	p0 =	sne.s32 s19, s6  }
.Ltmp1:
0x45: {  	[sflag:s17] =	ssyncset.done $0x0;
	(pc) =	sbr.rel @p0 .LBB2_1-.Ltmp1, $4  }
0x46: {  	[sflag:s17] =	ssyncadd.s32 $0xFFFFC000  }
0x47: {  	_ =	swait.ge [sflag:s18], $0x4000  }
0x48: {  	[sflag:s18] =	ssyncset.done $0x0  }
0x49: {  	[sflag:s18] =	ssyncadd.s32 $0xFFFFC000  }
0x4a: {  	_ =	sfence.sel $0x180000  }
0x4b: {  	[bflag:$0x0] =	sbarrier.arrive $0xFFFF  }
0x4c: {  	p0 =	sne.s32 s1, $0x0;
	_ =	strace $0x90000050  }
0x4d: {  	s0 =	sadd.s32 @!p0 $0x100000, s0;
	[bflag:$0x2] =	sbarrier.arrive $0xFFFF  }
0x4e: {  	[sflag:s0] =	ssyncadd.tile.s32 @!p0 $0x1;
	_ =	shalt  }
.Lfunc_end2:
_tile_overlayer_lowered:
.L_overlay_start_2:
0x4f: {  	(tag) =	ssettag $0x2  }
0x50: {  	s0 =	rddreg [dreg:$0x0];
	s2 =	stileid.u32  }
0x51: {  	s1 =	rddreg [dreg:$0x1];
	p0 =	sne.s32 s2, $0x0  }
0x52: {  	s3 =	rddreg [dreg:$0x2];
	[bflag:$0x3] =	sbarrier.arrive $0xFFFF;
	s2 =	simm.s32 @!p0 $0x1C05  }
0x53: {  	[timem:s3], [sflag:s2] =	dma.local @!p0 [hbm:s0], s1  }
0x54: {  	s0 =	simm.s32 @!p0 $0x5  }
0x55: {  	_ =	swait.ge @!p0 [sflag:s0], s1  }
0x56: {  	s1 =	ssub.s32 @!p0 $0x0, s1;
	[sflag:s0] =	ssyncset.done @!p0 $0x0  }
0x57: {  	[sflag:s0] =	ssyncadd.s32 @!p0 s1  }
0x58: {  	[bflag:$0x3] =	sbarrier.arrive $0xFFFF  }
0x59: {  	_ =	shalt  }

// kernel: kernel.14.cloned.1.call-start
scs
__scs_entry_jumppad:
0x0: {  	(pc) =	sbr.rel $0x88, $3  }
0x1: {  	(tag) =	ssettag $0x0;
	lr =	simm.s32 $0x1  }
0x2: {  	[smem:$0x3F95] =	sst lr;
	_ =	strace $0xD0000000  }
0x3: {  	_ = 	snop  }
0x4: {  	_ = 	snop  }
0x5: {  	_ = 	snop  }
0x6: {  	_ = 	snop  }
0x7: {  	_ = 	snop  }
__scs_overlays_trampoline_lowered:
0x8: {  	[smem:$0x3FA4] =	sst s0  }
0x9: {  	[smem:$0x3FA5] =	sst s1  }
0xa: {  	[smem:$0x3FA6] =	sst s2  }
0xb: {  	[smem:$0x3FA7] =	sst s3  }
0xc: {  	[smem:$0x3FA8] =	sst s4  }
0xd: {  	[smem:$0x3FA9] =	sst s5  }
0xe: {  	[smem:$0x3FAA] =	sst s6  }
0xf: {  	[smem:$0x3FAB] =	sst s7  }
0x10: {  	[smem:$0x3FAC] =	sst s8  }
0x11: {  	[smem:$0x3FAD] =	sst s9;
	s0 =	simm.s32 @!p0 $0x0  }
0x12: {  	s1 =	sld [smem:$0x3F93];
	s0 =	simm.s32 @p0 $0x1  }
0x13: {  	[smem:$0x3FAE] =	sst s0;
	s0 =	simm.s32 @!p1 $0x0  }
0x14: {  	s2 =	sld [smem:$0x3F92];
	s0 =	simm.s32 @p1 $0x1  }
0x15: {  	[smem:$0x3FAF] =	sst s0;
	s0 =	simm.s32 @!p2 $0x0  }
0x16: {  	s3 =	sld [smem:$0x3FDB];
	s0 =	simm.s32 @p2 $0x1  }
0x17: {  	s4 =	simm.s32 $0x1BF5;
	[smem:$0x3FB1] =	sst s0  }
0x18: {  	s0 =	sld [smem:$0x3F94];
	_ =	swait.ge [sflag:s4], $0x0  }
0x19: {  	s7 =	sld [smem:$0x3F95]  }
0x1a: {  	s8 =	sadd.s32 $0xFFFFE003, lr  }
0x1b: {  	s9 =	sadd.s32 $0xFFFFFEF7, lr;
	s5 =	simm.s32 $0xFFFFFFFF;
	p2 =	slt.u32 s8, $0xFFFFF086  }
0x1c: {  	p1 =	slt.u32 s9, $0xF7A;
	s5 =	simm.s32 @!p2 $0x0  }
0x1d: {  	s5 =	simm.s32 @p1 $0x1;
	p0 =	seq.s32 s7, s2  }
0x1e: {  	s7 =	smul.u32 @!p0 $0xF7A, s2;
	p2 =	seq.s32 @!p0 s5, $0x0  }
0x1f: {  	s9 =	smul.u32 $0xF7A, s1;
	s8 =	simm.s32 @!p0 $0x1BF5;
	p2 =	por !p2, p0  }
0x20: {  	[sflag:s8] =	ssyncset.s32 @!p0 $0xFFFFF086;
	s6 =	sadd.s32 @!p0 s3, s7;
	s7 =	simm.s32 @!p0 $0x108  }
0x21: {  	s3 =	sadd.s32 s3, s9;
	s6 =	sadd.s32 @!p0 $0x88, s6;
	s7 =	simm.s32 @p2 $0x1082  }
0x22: {  	[simem:s7], [sflag:s8] =	dma.local @!p0 [hbm:s6], $0xF7A  }
0x23: {  	s9 =	sor.u32 $0xD0000000, s2;
	s6 =	simm.s32 $0x108;
	_ =	swait.ge @!p0 [sflag:s8], $0x0  }
0x24: {  	s3 =	sadd.s32 $0x88, s3;
	s6 =	simm.s32 @!p1 $0x1082;
	[sflag:s4] =	ssyncset.s32 $0xFFFFF086  }
0x25: {  	[simem:s6], [sflag:s4] =	dma.local [hbm:s3], $0xF7A  }
0x26: {  	[smem:$0x3F95] =	sst s1;
	(tag) =	ssettag s2;
	_ =	strace s9  }
0x27: {  	s1 =	sld [smem:$0x3FA5]  }
0x28: {  	s2 =	sld [smem:$0x3FA6]  }
0x29: {  	s4 =	sld [smem:$0x3FA8]  }
0x2a: {  	p0 =	seq.s32 s5, $0x0;
	s5 =	sld [smem:$0x3FA9]  }
0x2b: {  	s6 =	sld [smem:$0x3FAA]  }
0x2c: {  	s7 =	sld [smem:$0x3FAB]  }
0x2d: {  	s3 =	simm.s32 $0x108;
	s8 =	sld [smem:$0x3FAC]  }
0x2e: {  	s3 =	simm.s32 @!p0 $0x1082;
	s9 =	sld [smem:$0x3FAD]  }
0x2f: {  	lr =	sadd.s32 s0, s3;
	s0 =	sld [smem:$0x3FA4]  }
0x30: {  	s3 =	sld [smem:$0x3FA7]  }
0x31: {  	[smem:$0x3FB0] =	sst s10  }
0x32: {  	s10 =	sld [smem:$0x3FAE];
	_ =	sdelay $0x3  }
0x33: {  	p0 =	seq.s32 s10, $0x1;
	s10 =	sld [smem:$0x3FB0];
	_ =	sdelay $0x3  }
0x34: {  	[smem:$0x3FB0] =	sst s10  }
0x35: {  	s10 =	sld [smem:$0x3FAF];
	_ =	sdelay $0x3  }
0x36: {  	p1 =	seq.s32 s10, $0x1;
	s10 =	sld [smem:$0x3FB0];
	_ =	sdelay $0x3  }
0x37: {  	[smem:$0x3FB0] =	sst s10  }
0x38: {  	s10 =	sld [smem:$0x3FB1]  }
0x39: {  	_ = 	snop;
	(pc) =	sbr.ind lr, $3  }
0x3a: {  	_ = 	snop  }
0x3b: {  	_ = 	snop  }
0x3c: {  	p2 =	seq.s32 s10, $0x1;
	s10 =	sld [smem:$0x3FB0]  }
0x3d: {  	_ =	shalt  }
0x3e: {  	_ =	shalt  }
0x3f: {  	_ =	shalt  }
0x40: {  	_ =	shalt  }
0x41: {  	_ =	shalt  }
0x42: {  	_ =	shalt  }
0x43: {  	_ =	shalt  }
0x44: {  	_ =	shalt  }
0x45: {  	_ =	shalt  }
0x46: {  	_ =	shalt  }
0x47: {  	_ =	shalt  }
0x48: {  	_ =	shalt  }
0x49: {  	_ =	shalt  }
0x4a: {  	_ =	shalt  }
0x4b: {  	_ =	shalt  }
0x4c: {  	_ =	shalt  }
0x4d: {  	_ =	shalt  }
0x4e: {  	_ =	shalt  }
0x4f: {  	_ =	shalt  }
0x50: {  	_ =	shalt  }
0x51: {  	_ =	shalt  }
0x52: {  	_ =	shalt  }
0x53: {  	_ =	shalt  }
0x54: {  	_ =	shalt  }
0x55: {  	_ =	shalt  }
0x56: {  	_ =	shalt  }
0x57: {  	_ =	shalt  }
0x58: {  	_ =	shalt  }
0x59: {  	_ =	shalt  }
0x5a: {  	_ =	shalt  }
0x5b: {  	_ =	shalt  }
0x5c: {  	_ =	shalt  }
0x5d: {  	_ =	shalt  }
0x5e: {  	_ =	shalt  }
0x5f: {  	_ =	shalt  }
0x60: {  	_ =	shalt  }
0x61: {  	_ =	shalt  }
0x62: {  	_ =	shalt  }
0x63: {  	_ =	shalt  }
0x64: {  	_ =	shalt  }
0x65: {  	_ =	shalt  }
0x66: {  	_ =	shalt  }
0x67: {  	_ =	shalt  }
0x68: {  	_ =	shalt  }
0x69: {  	_ =	shalt  }
0x6a: {  	_ =	shalt  }
0x6b: {  	_ =	shalt  }
0x6c: {  	_ =	shalt  }
0x6d: {  	_ =	shalt  }
0x6e: {  	_ =	shalt  }
0x6f: {  	_ =	shalt  }
0x70: {  	_ =	shalt  }
0x71: {  	_ =	shalt  }
0x72: {  	_ =	shalt  }
0x73: {  	_ =	shalt  }
0x74: {  	_ =	shalt  }
0x75: {  	_ =	shalt  }
0x76: {  	_ =	shalt  }
0x77: {  	_ =	shalt  }
0x78: {  	_ =	shalt  }
0x79: {  	_ =	shalt  }
0x7a: {  	_ =	shalt  }
0x7b: {  	_ =	shalt  }
0x7c: {  	_ =	shalt  }
0x7d: {  	_ =	shalt  }
0x7e: {  	_ =	shalt  }
0x7f: {  	_ =	shalt  }
0x80: {  	_ =	shalt  }
0x81: {  	_ =	shalt  }
0x82: {  	_ =	shalt  }
0x83: {  	_ =	shalt  }
0x84: {  	_ =	shalt  }
0x85: {  	_ =	shalt  }
0x86: {  	_ =	shalt  }
0x87: {  	_ =	shalt  }
.Lfunc_end0:
.L_simem_size_0:
called_computation.1_lowered:
.L_overlay_start_0:
0x88: {  	s2 =	sld [smem:$0x3FD9]  }
0x89: {  	s3 =	sld [smem:$0x3FFE];
	_ =	sdelay $0x1  }
0x8a: {  	s1 =	srdreg.scid  }
0x8b: {  	s0 =	sand.u32 $0x1, s1  }
0x8c: {  	s17 =	sshll.u32 s0, $0xA;
	s2 =	sadd.s32 s3, s2  }
0x8d: {  	s2 =	sadd.s32 s2, s17  }
0x8e: {  	[smem:$0x3FBC] =	sst s2  }
0x8f: {  	_ = 	snop  }
0x90: {  	s18 =	sld [smem:$0x3FC6];
	(tm) =	ssettm $0x1  }
0x91: {  	s19 =	sld [smem:$0x3FFB];
	_ =	sdelay $0x3  }
0x92: {  	_ =	strace s19  }
0x93: {  	s2 =	sld [smem:$0x3FFC];
	_ =	sdelay $0x3  }
0x94: {  	_ =	strace s2  }
0x95: {  	s2 =	sld [smem:$0x3FFD];
	_ =	sdelay $0x3  }
0x96: {  	_ =	strace s2  }
0x97: {  	_ =	strace $0x8FFFFFFF  }
0x98: {  	s20 =	sld [smem:$0x3FDB];
	_ =	sdelay $0x1  }
0x99: {  	s4 =	simm.s32 $_scs_section_size  }
0x9a: {  	s5 =	simm.s32 $_size__tile_overlayer_lowered;
	s6 =	simm.s32 $_tile_overlayer_lowered  }
0x9b: {  	s7 =	simm.s32 $0x1BFF;
	s21 =	sshll.u32 s6, $0x1;
	s4 =	sadd.s32 s4, s20  }
0x9c: {  	s22 =	simm.s32 $0x0;
	s5 =	sshll.u32 s5, $0x1;
	s6 =	sadd.s32 s21, s4  }
0x9d: {  	[timem:s22], [sflag:s7] =	dma.local [hbm:s6], s5  }
0x9e: {  	_ =	swait.ge [sflag:s7], s5  }
0x9f: {  	s5 =	ssub.s32 $0x0, s5;
	[sflag:s7] =	ssyncset.done $0x0  }
0xa0: {  	[sflag:s7] =	ssyncadd.s32 s5;
	_ =	sdelay $0x1  }
0xa1: {  	s23 =	simm.s32 $0x1B8B  }
0xa2: {  	_ =	swait.ge [sflag:s23], $0x1  }
0xa3: {  	[sflag:s23] =	ssyncset.done $0x0  }
0xa4: {  	[sflag:s23] =	ssyncadd.s32 $0xFFFFFFFF  }
0xa5: {  	s5 =	sld [smem:$0x0]  }
0xa6: {  	s6 =	sand.u32 $0xFFFFFFFE, s1  }
0xa7: {  	p0 =	sne.s32 s1, s6  }
0xa8: {  	s6 =	sshll.u32 @p0 s6, $0xE  }
0xa9: {  	s6 =	sadd.s32 @p0 $0x11B8D, s6;
	s7 =	sshll.u32 @p0 s5, $0x11  }
0xaa: {  	s6 =	sor.u32 @p0 s7, s6  }
0xab: {  	[sflag:s6] =	ssyncadd.remote.s32 @p0 $0x1;
	_ =	sdelay $0x1  }
0xac: {  	s6 =	simm.s32 @p0 $0x1B8D  }
0xad: {  	_ =	swait.eq @p0 [sflag:s6], $0x1  }
0xae: {  	[sflag:s6] =	ssyncadd.s32 @p0 $0xFFFFFFFF  }
0xaf: {  	s7 =	sshll.u32 @!p0 s1, $0xE  }
0xb0: {  	s7 =	sor.u32 @!p0 $0x4000, s7;
	s6 =	simm.s32 @!p0 $0x1B8D  }
0xb1: {  	s5 =	sshll.u32 @!p0 s5, $0x11;
	s7 =	sadd.s32 @!p0 $0x11B8D, s7;
	_ =	swait.eq @!p0 [sflag:s6], $0x1  }
0xb2: {  	s5 =	sor.u32 @!p0 s5, s7;
	[sflag:s6] =	ssyncadd.s32 @!p0 $0xFFFFFFFF  }
0xb3: {  	s25 =	simm.s32 $0x1B8E;
	s24 =	sld [smem:$0x3FFE];
	[sflag:s5] =	ssyncadd.remote.s32 @!p0 $0x1  }
0xb4: {  	s26 =	simm.s32 $execute0_lowered;
	[smem:$0x3FD2] =	sst s25  }
0xb5: {  	s6 =	sshll.u32 s26, $0x1;
	_ =	strace $0x8000004C;
	[dreg:$0x1] =	wrdreg $0xFFFFFFFF  }
0xb6: {  	s28 =	simm.s32 $_size_execute0_lowered;
	s4 =	sadd.s32 s4, s6;
	[dreg:$0x0] =	wrdreg $0x0  }
0xb7: {  	s6 =	sshll.u32 s28, $0x1;
	[dreg:$0x2] =	wrdreg s4  }
0xb8: {  	[dreg:$0x3] =	wrdreg s6  }
0xb9: {  	[dreg:$0x4] =	wrdreg $0xC0  }
0xba: {  	_ =	task [dreg:s22], $0x5FFFF  }
0xbb: {  	[dreg:$0x1] =	wrdreg $0xFFFFFFFF  }
0xbc: {  	[dreg:$0x0] =	wrdreg $0x60  }
0xbd: {  	[dreg:$0x2] =	wrdreg s24  }
0xbe: {  	[dreg:$0x3] =	wrdreg s18  }
0xbf: {  	[dreg:$0x4] =	wrdreg $0xA  }
0xc0: {  	_ =	task.clear_ibuf [dreg:s22], $0x5FFFF;
	_ =	strace $0x9000004C  }
0xc1: {  	s29 =	simm.s32 $0xA;
	_ =	strace $0x8000004E  }
0xc2: {  	_ =	swait.ge [sflag:s29], $0x1  }
0xc3: {  	[sflag:s29] =	ssyncadd.s32 $0xFFFFFFFF  }
0xc4: {  	_ =	strace $0x9000004E  }
0xc5: {  	_ =	sfence  }
0xc6: {  	s30 =	sld [smem:$0x0];
	_ =	sdelay $0x2  }
0xc7: {  	s31 =	sshll.u32 s1, $0xD;
	s1 =	sshrl.u32 s1, $0x2  }
0xc8: {  	s4 =	sand.u32 $0x4000, s31;
	s1 =	sadd.s32 s1, s30  }
0xc9: {  	s0 =	sor.u32 s4, s0;
	s1 =	sshll.u32 s1, $0x11  }
0xca: {  	s0 =	sor.u32 s1, s0  }
0xcb: {  	s0 =	sadd.s32 $0x8F2B, s0  }
0xcc: {  	[sflag:s0] =	ssyncadd.remote.s32 $0x1  }
0xcd: {  	_ =	sfence.sel $0xFFFF  }
0xce: {  	[dreg:$0x0] =	wrdreg $0xFFFFFFFF;
	(pc) =	sbr.abs _section_cstart, $3  }
0xcf: {  	[dreg:$0x1] =	wrdreg $0xFFFFFFFF  }
0xd0: {  	_ =	task.clear_ibuf [dreg:s22], $0x2FFFF;
	_ =	strace $0x9FFFFFFF  }
0xd1: {  	(tm) =	ssettm $0x7FFFFFFF  }
tec
execute0_lowered:
.L_overlay_start_1:
0x0: {  	(tag) =	ssettag $0x1  }
0x1: {  	s4 =	rddreg [dreg:$0x0]  }
0x2: {  	s2 =	rddreg [dreg:$0x1]  }
0x3: {  	s0 =	rddreg [dreg:$0x2]  }
0x4: {  	s5 =	srdreg.scid;
	s1 =	stileid.u32;
	s3 =	simm.s32 $0x0  }
0x5: {  	s14 =	simm.s32 $0x5000;
	s15 =	simm.s32 $0x1;
	s16 =	simm.s32 $0x2  }
0x6: {  	s17 =	simm.s32 $0x3;
	s18 =	simm.s32 $0x4;
	s11 =	smul.u32 $0xD0000, s1  }
0x7: {  	s19 =	simm.s32 $0x0;
	s8 =	sand.u32 $0x1, s5;
	s13 =	smul.u32 $0x1A000, s1  }
0x8: {  	s24 =	sshll.u32 s1, $0x1;
	[smem:$0x7FF] =	sst s3;
	s28 =	smul.u32 $0x68000, s8  }
0x9: {  	s5 =	sor.u32 s8, s24;
	_ =	strace $0x8000004D;
	s29 =	smul.u32 $0xD000, s8  }
0xa: {  	s9 =	ssub.s32 $0x2, s8;
	s6 =	smul.u32 $0x68000, s5;
	s7 =	sshll.u32 s5, $0x9  }
0xb: {  	s10 =	smul.u32 $0xD000, s5;
	s26 =	sshrl.u32 s9, $0x1;
	s25 =	sadd.s32 s7, s4  }
0xc: {  	s4 =	sadd.s32 $0x362A00, s4;
	s7 =	ssub.s32 s9, s26;
	s9 =	sadd.s32 s28, s11  }
0xd: {  	s11 =	simm.s32 $0x5;
	s5 =	sadd.s32 $0x12A00, s25;
	s12 =	sshrl.u32 s6, $0x3  }
0xe: {  	s6 =	smax.u32 s7, $0x1;
	s30 =	sadd.s32 s10, s4;
	s31 =	sadd.s32 s13, s4  }
0xf: {  	s9 =	sadd.s32 $0x8000, s9;
	s13 =	simm.s32 $0x1000;
	s7 =	sadd.s32 s4, s12  }
0x10: {  	s8 =	sadd.s32 $0x800, s30;
	s10 =	sadd.s32 s29, s31;
	s12 =	simm.s32 $0x80  }
.LBB2_1:
0x11: {  	[tilespmem:s3], [sflag:$0x5] =	stream.linear.gather [hbm4b:s5+s3], $0xD00, $0x38;
	[tilespmem:$0x9000] =	vst v63  }
0x12: {  	_ =	swait.ge [sflag:s11], $0xD00  }
0x13: {  	[sflag:s11] =	ssyncset.done $0x0  }
0x14: {  	[sflag:s11] =	ssyncadd.s32 $0xFFFFF300  }
0x15: {  	[tilespmem:s13], [sflag:$0x1] =	stream.indirect.gather [hbm4b:s2+s12], $0x80, s3, s12, $0xb8;
	[tilespmem:$0x9000] =	vst v63  }
0x16: {  	_ = 	snop  }
0x17: {  	[tilespmem:s14], [sflag:$0x2] =	stream.indirect.gather [hbm4b:s2+s12], $0x80, s12, s12, $0xb8;
	[tilespmem:$0x9000] =	vst v63  }
0x18: {  	_ =	swait.ge [sflag:s15], $0x4000  }
0x19: {  	[sflag:s15] =	ssyncset.done $0x0  }
0x1a: {  	[sflag:s15] =	ssyncadd.s32 $0xFFFFC000  }
0x1b: {  	[hbm4b:s7+s3] =	stream.linear.scatter [tilespmem:s13], [sflag:$0x3], $0x4000, $0x38;
	[tilespmem:$0x9000] =	vst v63  }
0x1c: {  	_ =	swait.ge [sflag:s16], $0x4000  }
0x1d: {  	[sflag:s16] =	ssyncset.done $0x0  }
0x1e: {  	[sflag:s16] =	ssyncadd.s32 $0xFFFFC000  }
0x1f: {  	[hbm4b:s8+s3] =	stream.linear.scatter [tilespmem:s14], [sflag:$0x4], $0x4000, $0x38;
	[tilespmem:$0x9000] =	vst v63  }
0x20: {  	_ =	swait.ge [sflag:s17], $0x4000  }
0x21: {  	[sflag:s17] =	ssyncset.done $0x0  }
0x22: {  	[sflag:s17] =	ssyncadd.s32 $0xFFFFC000  }
0x23: {  	_ =	swait.ge [sflag:s18], $0x4000  }
0x24: {  	[sflag:s18] =	ssyncset.done $0x0  }
0x25: {  	s20 =	simm.s32 $0x100;
	[sflag:s18] =	ssyncadd.s32 $0xFFFFC000  }
0x26: {  	[tilespmem:s13], [sflag:$0x1] =	stream.indirect.gather [hbm4b:s2+s12], $0x80, s20, s12, $0xb8;
	[tilespmem:$0x9000] =	vst v63  }
0x27: {  	s30 =	simm.s32 $0x180  }
0x28: {  	[tilespmem:s14], [sflag:$0x2] =	stream.indirect.gather [hbm4b:s2+s12], $0x80, s30, s12, $0xb8;
	[tilespmem:$0x9000] =	vst v63  }
0x29: {  	_ =	swait.ge [sflag:s15], $0x4000  }
0x2a: {  	s31 =	sshrl.u32 s9, $0x3;
	[sflag:s15] =	ssyncset.done $0x0  }
0x2b: {  	s20 =	sadd.s32 s4, s31;
	[sflag:s15] =	ssyncadd.s32 $0xFFFFC000  }
0x2c: {  	[hbm4b:s20+s3] =	stream.linear.scatter [tilespmem:s13], [sflag:$0x3], $0x4000, $0x38;
	[tilespmem:$0x9000] =	vst v63  }
0x2d: {  	_ =	swait.ge [sflag:s16], $0x4000  }
0x2e: {  	s21 =	simm.s32 $0x200;
	s23 =	sadd.s32 $0x1800, s10;
	[sflag:s16] =	ssyncset.done $0x0  }
0x2f: {  	s22 =	sadd.s32 $0x8000, s9;
	s20 =	simm.s32 $0x2800;
	[sflag:s16] =	ssyncadd.s32 $0xFFFFC000  }
.LBB2_2:
0x30: {  	[hbm4b:s23+s3] =	stream.linear.scatter [tilespmem:s14], [sflag:$0x4], $0x4000, $0x38;
	[tilespmem:$0x9000] =	vst v63  }
0x31: {  	s23 =	smov.u32 s20  }
0x32: {  	p0 =	sne.s32 s20, $0xC800;
	s20 =	sadd.s32 $0x1000, s20;
	_ =	swait.ge [sflag:s17], $0x4000  }
0x33: {  	[sflag:s17] =	ssyncset.done $0x0  }
0x34: {  	[sflag:s17] =	ssyncadd.s32 $0xFFFFC000  }
0x35: {  	_ =	swait.ge [sflag:s18], $0x4000  }
0x36: {  	[sflag:s18] =	ssyncset.done $0x0  }
0x37: {  	[sflag:s18] =	ssyncadd.s32 $0xFFFFC000  }
0x38: {  	[tilespmem:s13], [sflag:$0x1] =	stream.indirect.gather [hbm4b:s2+s12], $0x80, s21, s12, $0xb8;
	[tilespmem:$0x9000] =	vst v63  }
0x39: {  	s24 =	sadd.s32 $0x80, s21  }
0x3a: {  	[tilespmem:s14], [sflag:$0x2] =	stream.indirect.gather [hbm4b:s2+s12], $0x80, s24, s12, $0xb8;
	[tilespmem:$0x9000] =	vst v63  }
0x3b: {  	_ =	swait.ge [sflag:s15], $0x4000  }
0x3c: {  	s24 =	sshrl.u32 s22, $0x3;
	[sflag:s15] =	ssyncset.done $0x0  }
.Ltmp0:
0x3d: {  	s24 =	sadd.s32 s4, s24;
	[sflag:s15] =	ssyncadd.s32 $0xFFFFC000;
	(pc) =	sbr.rel @p0 .LBB2_2-.Ltmp0, $4  }
0x3e: {  	[hbm4b:s24+s3] =	stream.linear.scatter [tilespmem:s13], [sflag:$0x3], $0x4000, $0x38;
	[tilespmem:$0x9000] =	vst v63  }
0x3f: {  	_ =	swait.ge [sflag:s16], $0x4000  }
0x40: {  	s21 =	sadd.s32 $0x100, s21;
	[sflag:s16] =	ssyncset.done $0x0  }
0x41: {  	s23 =	sadd.s32 s23, s10;
	s22 =	sadd.s32 $0x8000, s22;
	[sflag:s16] =	ssyncadd.s32 $0xFFFFC000  }
0x42: {  	[hbm4b:s23+s3] =	stream.linear.scatter [tilespmem:s14], [sflag:$0x4], $0x4000, $0x38;
	[tilespmem:$0x9000] =	vst v63  }
0x43: {  	s19 =	sadd.s32 $0x1, s19  }
0x44: {  	_ =	swait.ge [sflag:s17], $0x4000;
	p0 =	sne.s32 s19, s6  }
.Ltmp1:
0x45: {  	[sflag:s17] =	ssyncset.done $0x0;
	(pc) =	sbr.rel @p0 .LBB2_1-.Ltmp1, $4  }
0x46: {  	[sflag:s17] =	ssyncadd.s32 $0xFFFFC000  }
0x47: {  	_ =	swait.ge [sflag:s18], $0x4000  }
0x48: {  	[sflag:s18] =	ssyncset.done $0x0  }
0x49: {  	[sflag:s18] =	ssyncadd.s32 $0xFFFFC000  }
0x4a: {  	_ =	sfence.sel $0x180000  }
0x4b: {  	[bflag:$0x0] =	sbarrier.arrive $0xFFFF  }
0x4c: {  	p0 =	sne.s32 s1, $0x0;
	_ =	strace $0x9000004D  }
0x4d: {  	s0 =	sadd.s32 @!p0 $0x100000, s0;
	[bflag:$0x2] =	sbarrier.arrive $0xFFFF  }
0x4e: {  	[sflag:s0] =	ssyncadd.tile.s32 @!p0 $0x1;
	_ =	shalt  }
.Lfunc_end2:
_tile_overlayer_lowered:
.L_overlay_start_2:
0x4f: {  	(tag) =	ssettag $0x2  }
0x50: {  	s0 =	rddreg [dreg:$0x0];
	s2 =	stileid.u32  }
0x51: {  	s1 =	rddreg [dreg:$0x1];
	p0 =	sne.s32 s2, $0x0  }
0x52: {  	s3 =	rddreg [dreg:$0x2];
	[bflag:$0x3] =	sbarrier.arrive $0xFFFF;
	s2 =	simm.s32 @!p0 $0x1C05  }
0x53: {  	[timem:s3], [sflag:s2] =	dma.local @!p0 [hbm:s0], s1  }
0x54: {  	s0 =	simm.s32 @!p0 $0x5  }
0x55: {  	_ =	swait.ge @!p0 [sflag:s0], s1  }
0x56: {  	s1 =	ssub.s32 @!p0 $0x0, s1;
	[sflag:s0] =	ssyncset.done @!p0 $0x0  }
0x57: {  	[sflag:s0] =	ssyncadd.s32 @!p0 s1  }
0x58: {  	[bflag:$0x3] =	sbarrier.arrive $0xFFFF  }
0x59: {  	_ =	shalt  }

// kernel: kernel.17.cloned.1.call-start
scs
__scs_entry_jumppad:
0x0: {  	(pc) =	sbr.rel $0x88, $3  }
0x1: {  	(tag) =	ssettag $0x0;
	lr =	simm.s32 $0x1  }
0x2: {  	[smem:$0x3F95] =	sst lr;
	_ =	strace $0xD0000000  }
0x3: {  	_ = 	snop  }
0x4: {  	_ = 	snop  }
0x5: {  	_ = 	snop  }
0x6: {  	_ = 	snop  }
0x7: {  	_ = 	snop  }
__scs_overlays_trampoline_lowered:
0x8: {  	[smem:$0x3FA4] =	sst s0  }
0x9: {  	[smem:$0x3FA5] =	sst s1  }
0xa: {  	[smem:$0x3FA6] =	sst s2  }
0xb: {  	[smem:$0x3FA7] =	sst s3  }
0xc: {  	[smem:$0x3FA8] =	sst s4  }
0xd: {  	[smem:$0x3FA9] =	sst s5  }
0xe: {  	[smem:$0x3FAA] =	sst s6  }
0xf: {  	[smem:$0x3FAB] =	sst s7  }
0x10: {  	[smem:$0x3FAC] =	sst s8  }
0x11: {  	[smem:$0x3FAD] =	sst s9;
	s0 =	simm.s32 @!p0 $0x0  }
0x12: {  	s1 =	sld [smem:$0x3F93];
	s0 =	simm.s32 @p0 $0x1  }
0x13: {  	[smem:$0x3FAE] =	sst s0;
	s0 =	simm.s32 @!p1 $0x0  }
0x14: {  	s2 =	sld [smem:$0x3F92];
	s0 =	simm.s32 @p1 $0x1  }
0x15: {  	[smem:$0x3FAF] =	sst s0;
	s0 =	simm.s32 @!p2 $0x0  }
0x16: {  	s3 =	sld [smem:$0x3FDB];
	s0 =	simm.s32 @p2 $0x1  }
0x17: {  	s4 =	simm.s32 $0x1BF5;
	[smem:$0x3FB1] =	sst s0  }
0x18: {  	s0 =	sld [smem:$0x3F94];
	_ =	swait.ge [sflag:s4], $0x0  }
0x19: {  	s7 =	sld [smem:$0x3F95]  }
0x1a: {  	s8 =	sadd.s32 $0xFFFFE003, lr  }
0x1b: {  	s9 =	sadd.s32 $0xFFFFFEF7, lr;
	s5 =	simm.s32 $0xFFFFFFFF;
	p2 =	slt.u32 s8, $0xFFFFF086  }
0x1c: {  	p1 =	slt.u32 s9, $0xF7A;
	s5 =	simm.s32 @!p2 $0x0  }
0x1d: {  	s5 =	simm.s32 @p1 $0x1;
	p0 =	seq.s32 s7, s2  }
0x1e: {  	s7 =	smul.u32 @!p0 $0xF7A, s2;
	p2 =	seq.s32 @!p0 s5, $0x0  }
0x1f: {  	s9 =	smul.u32 $0xF7A, s1;
	s8 =	simm.s32 @!p0 $0x1BF5;
	p2 =	por !p2, p0  }
0x20: {  	[sflag:s8] =	ssyncset.s32 @!p0 $0xFFFFF086;
	s6 =	sadd.s32 @!p0 s3, s7;
	s7 =	simm.s32 @!p0 $0x108  }
0x21: {  	s3 =	sadd.s32 s3, s9;
	s6 =	sadd.s32 @!p0 $0x88, s6;
	s7 =	simm.s32 @p2 $0x1082  }
0x22: {  	[simem:s7], [sflag:s8] =	dma.local @!p0 [hbm:s6], $0xF7A  }
0x23: {  	s9 =	sor.u32 $0xD0000000, s2;
	s6 =	simm.s32 $0x108;
	_ =	swait.ge @!p0 [sflag:s8], $0x0  }
0x24: {  	s3 =	sadd.s32 $0x88, s3;
	s6 =	simm.s32 @!p1 $0x1082;
	[sflag:s4] =	ssyncset.s32 $0xFFFFF086  }
0x25: {  	[simem:s6], [sflag:s4] =	dma.local [hbm:s3], $0xF7A  }
0x26: {  	[smem:$0x3F95] =	sst s1;
	(tag) =	ssettag s2;
	_ =	strace s9  }
0x27: {  	s1 =	sld [smem:$0x3FA5]  }
0x28: {  	s2 =	sld [smem:$0x3FA6]  }
0x29: {  	s4 =	sld [smem:$0x3FA8]  }
0x2a: {  	p0 =	seq.s32 s5, $0x0;
	s5 =	sld [smem:$0x3FA9]  }
0x2b: {  	s6 =	sld [smem:$0x3FAA]  }
0x2c: {  	s7 =	sld [smem:$0x3FAB]  }
0x2d: {  	s3 =	simm.s32 $0x108;
	s8 =	sld [smem:$0x3FAC]  }
0x2e: {  	s3 =	simm.s32 @!p0 $0x1082;
	s9 =	sld [smem:$0x3FAD]  }
0x2f: {  	lr =	sadd.s32 s0, s3;
	s0 =	sld [smem:$0x3FA4]  }
0x30: {  	s3 =	sld [smem:$0x3FA7]  }
0x31: {  	[smem:$0x3FB0] =	sst s10  }
0x32: {  	s10 =	sld [smem:$0x3FAE];
	_ =	sdelay $0x3  }
0x33: {  	p0 =	seq.s32 s10, $0x1;
	s10 =	sld [smem:$0x3FB0];
	_ =	sdelay $0x3  }
0x34: {  	[smem:$0x3FB0] =	sst s10  }
0x35: {  	s10 =	sld [smem:$0x3FAF];
	_ =	sdelay $0x3  }
0x36: {  	p1 =	seq.s32 s10, $0x1;
	s10 =	sld [smem:$0x3FB0];
	_ =	sdelay $0x3  }
0x37: {  	[smem:$0x3FB0] =	sst s10  }
0x38: {  	s10 =	sld [smem:$0x3FB1]  }
0x39: {  	_ = 	snop;
	(pc) =	sbr.ind lr, $3  }
0x3a: {  	_ = 	snop  }
0x3b: {  	_ = 	snop  }
0x3c: {  	p2 =	seq.s32 s10, $0x1;
	s10 =	sld [smem:$0x3FB0]  }
0x3d: {  	_ =	shalt  }
0x3e: {  	_ =	shalt  }
0x3f: {  	_ =	shalt  }
0x40: {  	_ =	shalt  }
0x41: {  	_ =	shalt  }
0x42: {  	_ =	shalt  }
0x43: {  	_ =	shalt  }
0x44: {  	_ =	shalt  }
0x45: {  	_ =	shalt  }
0x46: {  	_ =	shalt  }
0x47: {  	_ =	shalt  }
0x48: {  	_ =	shalt  }
0x49: {  	_ =	shalt  }
0x4a: {  	_ =	shalt  }
0x4b: {  	_ =	shalt  }
0x4c: {  	_ =	shalt  }
0x4d: {  	_ =	shalt  }
0x4e: {  	_ =	shalt  }
0x4f: {  	_ =	shalt  }
0x50: {  	_ =	shalt  }
0x51: {  	_ =	shalt  }
0x52: {  	_ =	shalt  }
0x53: {  	_ =	shalt  }
0x54: {  	_ =	shalt  }
0x55: {  	_ =	shalt  }
0x56: {  	_ =	shalt  }
0x57: {  	_ =	shalt  }
0x58: {  	_ =	shalt  }
0x59: {  	_ =	shalt  }
0x5a: {  	_ =	shalt  }
0x5b: {  	_ =	shalt  }
0x5c: {  	_ =	shalt  }
0x5d: {  	_ =	shalt  }
0x5e: {  	_ =	shalt  }
0x5f: {  	_ =	shalt  }
0x60: {  	_ =	shalt  }
0x61: {  	_ =	shalt  }
0x62: {  	_ =	shalt  }
0x63: {  	_ =	shalt  }
0x64: {  	_ =	shalt  }
0x65: {  	_ =	shalt  }
0x66: {  	_ =	shalt  }
0x67: {  	_ =	shalt  }
0x68: {  	_ =	shalt  }
0x69: {  	_ =	shalt  }
0x6a: {  	_ =	shalt  }
0x6b: {  	_ =	shalt  }
0x6c: {  	_ =	shalt  }
0x6d: {  	_ =	shalt  }
0x6e: {  	_ =	shalt  }
0x6f: {  	_ =	shalt  }
0x70: {  	_ =	shalt  }
0x71: {  	_ =	shalt  }
0x72: {  	_ =	shalt  }
0x73: {  	_ =	shalt  }
0x74: {  	_ =	shalt  }
0x75: {  	_ =	shalt  }
0x76: {  	_ =	shalt  }
0x77: {  	_ =	shalt  }
0x78: {  	_ =	shalt  }
0x79: {  	_ =	shalt  }
0x7a: {  	_ =	shalt  }
0x7b: {  	_ =	shalt  }
0x7c: {  	_ =	shalt  }
0x7d: {  	_ =	shalt  }
0x7e: {  	_ =	shalt  }
0x7f: {  	_ =	shalt  }
0x80: {  	_ =	shalt  }
0x81: {  	_ =	shalt  }
0x82: {  	_ =	shalt  }
0x83: {  	_ =	shalt  }
0x84: {  	_ =	shalt  }
0x85: {  	_ =	shalt  }
0x86: {  	_ =	shalt  }
0x87: {  	_ =	shalt  }
.Lfunc_end0:
.L_simem_size_0:
called_computation.2_lowered:
.L_overlay_start_0:
0x88: {  	s2 =	sld [smem:$0x3FD9]  }
0x89: {  	s3 =	sld [smem:$0x3FFE];
	_ =	sdelay $0x1  }
0x8a: {  	s1 =	srdreg.scid  }
0x8b: {  	s0 =	sand.u32 $0x1, s1  }
0x8c: {  	s17 =	sshll.u32 s0, $0xA;
	s2 =	sadd.s32 s3, s2  }
0x8d: {  	s2 =	sadd.s32 s2, s17  }
0x8e: {  	[smem:$0x3FBC] =	sst s2  }
0x8f: {  	_ = 	snop  }
0x90: {  	s18 =	sld [smem:$0x3FC6];
	(tm) =	ssettm $0x1  }
0x91: {  	s19 =	sld [smem:$0x3FFB];
	_ =	sdelay $0x3  }
0x92: {  	_ =	strace s19  }
0x93: {  	s2 =	sld [smem:$0x3FFC];
	_ =	sdelay $0x3  }
0x94: {  	_ =	strace s2  }
0x95: {  	s2 =	sld [smem:$0x3FFD];
	_ =	sdelay $0x3  }
0x96: {  	_ =	strace s2  }
0x97: {  	_ =	strace $0x8FFFFFFF  }
0x98: {  	s20 =	sld [smem:$0x3FDB];
	_ =	sdelay $0x1  }
0x99: {  	s4 =	simm.s32 $_scs_section_size  }
0x9a: {  	s5 =	simm.s32 $_size__tile_overlayer_lowered;
	s6 =	simm.s32 $_tile_overlayer_lowered  }
0x9b: {  	s7 =	simm.s32 $0x1BFF;
	s21 =	sshll.u32 s6, $0x1;
	s4 =	sadd.s32 s4, s20  }
0x9c: {  	s22 =	simm.s32 $0x0;
	s5 =	sshll.u32 s5, $0x1;
	s6 =	sadd.s32 s21, s4  }
0x9d: {  	[timem:s22], [sflag:s7] =	dma.local [hbm:s6], s5  }
0x9e: {  	_ =	swait.ge [sflag:s7], s5  }
0x9f: {  	s5 =	ssub.s32 $0x0, s5;
	[sflag:s7] =	ssyncset.done $0x0  }
0xa0: {  	[sflag:s7] =	ssyncadd.s32 s5;
	_ =	sdelay $0x1  }
0xa1: {  	s23 =	simm.s32 $0x1B8B  }
0xa2: {  	_ =	swait.ge [sflag:s23], $0x1  }
0xa3: {  	[sflag:s23] =	ssyncset.done $0x0  }
0xa4: {  	[sflag:s23] =	ssyncadd.s32 $0xFFFFFFFF  }
0xa5: {  	s5 =	sld [smem:$0x0]  }
0xa6: {  	s6 =	sand.u32 $0xFFFFFFFE, s1  }
0xa7: {  	p0 =	sne.s32 s1, s6  }
0xa8: {  	s6 =	sshll.u32 @p0 s6, $0xE  }
0xa9: {  	s6 =	sadd.s32 @p0 $0x11B8D, s6;
	s7 =	sshll.u32 @p0 s5, $0x11  }
0xaa: {  	s6 =	sor.u32 @p0 s7, s6  }
0xab: {  	[sflag:s6] =	ssyncadd.remote.s32 @p0 $0x1;
	_ =	sdelay $0x1  }
0xac: {  	s6 =	simm.s32 @p0 $0x1B8D  }
0xad: {  	_ =	swait.eq @p0 [sflag:s6], $0x1  }
0xae: {  	[sflag:s6] =	ssyncadd.s32 @p0 $0xFFFFFFFF  }
0xaf: {  	s7 =	sshll.u32 @!p0 s1, $0xE  }
0xb0: {  	s7 =	sor.u32 @!p0 $0x4000, s7;
	s6 =	simm.s32 @!p0 $0x1B8D  }
0xb1: {  	s5 =	sshll.u32 @!p0 s5, $0x11;
	s7 =	sadd.s32 @!p0 $0x11B8D, s7;
	_ =	swait.eq @!p0 [sflag:s6], $0x1  }
0xb2: {  	s5 =	sor.u32 @!p0 s5, s7;
	[sflag:s6] =	ssyncadd.s32 @!p0 $0xFFFFFFFF  }
0xb3: {  	s25 =	simm.s32 $0x1B8E;
	s24 =	sld [smem:$0x3FFE];
	[sflag:s5] =	ssyncadd.remote.s32 @!p0 $0x1  }
0xb4: {  	s26 =	simm.s32 $execute0_lowered;
	[smem:$0x3FD2] =	sst s25  }
0xb5: {  	s6 =	sshll.u32 s26, $0x1;
	_ =	strace $0x80000049;
	[dreg:$0x1] =	wrdreg $0xFFFFFFFF  }
0xb6: {  	s28 =	simm.s32 $_size_execute0_lowered;
	s4 =	sadd.s32 s4, s6;
	[dreg:$0x0] =	wrdreg $0x0  }
0xb7: {  	s6 =	sshll.u32 s28, $0x1;
	[dreg:$0x2] =	wrdreg s4  }
0xb8: {  	[dreg:$0x3] =	wrdreg s6  }
0xb9: {  	[dreg:$0x4] =	wrdreg $0xC0  }
0xba: {  	_ =	task [dreg:s22], $0x5FFFF  }
0xbb: {  	[dreg:$0x1] =	wrdreg $0xFFFFFFFF  }
0xbc: {  	[dreg:$0x0] =	wrdreg $0x60  }
0xbd: {  	[dreg:$0x2] =	wrdreg s24  }
0xbe: {  	[dreg:$0x3] =	wrdreg s18  }
0xbf: {  	[dreg:$0x4] =	wrdreg $0xB  }
0xc0: {  	_ =	task.clear_ibuf [dreg:s22], $0x5FFFF;
	_ =	strace $0x90000049  }
0xc1: {  	s29 =	simm.s32 $0xB;
	_ =	strace $0x8000004B  }
0xc2: {  	_ =	swait.ge [sflag:s29], $0x1  }
0xc3: {  	[sflag:s29] =	ssyncadd.s32 $0xFFFFFFFF  }
0xc4: {  	_ =	strace $0x9000004B  }
0xc5: {  	_ =	sfence  }
0xc6: {  	s30 =	sld [smem:$0x0];
	_ =	sdelay $0x2  }
0xc7: {  	s31 =	sshll.u32 s1, $0xD;
	s1 =	sshrl.u32 s1, $0x2  }
0xc8: {  	s4 =	sand.u32 $0x4000, s31;
	s1 =	sadd.s32 s1, s30  }
0xc9: {  	s0 =	sor.u32 s4, s0;
	s1 =	sshll.u32 s1, $0x11  }
0xca: {  	s0 =	sor.u32 s1, s0  }
0xcb: {  	s0 =	sadd.s32 $0x8F2B, s0  }
0xcc: {  	[sflag:s0] =	ssyncadd.remote.s32 $0x1  }
0xcd: {  	_ =	sfence.sel $0xFFFF  }
0xce: {  	[dreg:$0x0] =	wrdreg $0xFFFFFFFF;
	(pc) =	sbr.abs _section_cstart, $3  }
0xcf: {  	[dreg:$0x1] =	wrdreg $0xFFFFFFFF  }
0xd0: {  	_ =	task.clear_ibuf [dreg:s22], $0x2FFFF;
	_ =	strace $0x9FFFFFFF  }
0xd1: {  	(tm) =	ssettm $0x7FFFFFFF  }
tec
execute0_lowered:
.L_overlay_start_1:
0x0: {  	(tag) =	ssettag $0x1  }
0x1: {  	s4 =	rddreg [dreg:$0x0]  }
0x2: {  	s2 =	rddreg [dreg:$0x1]  }
0x3: {  	s0 =	rddreg [dreg:$0x2]  }
0x4: {  	s5 =	srdreg.scid;
	s1 =	stileid.u32;
	s3 =	simm.s32 $0x0  }
0x5: {  	s14 =	simm.s32 $0x5000;
	s15 =	simm.s32 $0x1;
	s16 =	simm.s32 $0x2  }
0x6: {  	s17 =	simm.s32 $0x3;
	s18 =	simm.s32 $0x4;
	s11 =	smul.u32 $0xD0000, s1  }
0x7: {  	s19 =	simm.s32 $0x0;
	s8 =	sand.u32 $0x1, s5;
	s13 =	smul.u32 $0x1A000, s1  }
0x8: {  	s24 =	sshll.u32 s1, $0x1;
	[smem:$0x7FF] =	sst s3;
	s28 =	smul.u32 $0x68000, s8  }
0x9: {  	s5 =	sor.u32 s8, s24;
	_ =	strace $0x8000004A;
	s29 =	smul.u32 $0xD000, s8  }
0xa: {  	s9 =	ssub.s32 $0x2, s8;
	s6 =	smul.u32 $0x68000, s5;
	s7 =	sshll.u32 s5, $0x9  }
0xb: {  	s10 =	smul.u32 $0xD000, s5;
	s26 =	sshrl.u32 s9, $0x1;
	s25 =	sadd.s32 s7, s4  }
0xc: {  	s4 =	sadd.s32 $0x1C2A00, s4;
	s7 =	ssub.s32 s9, s26;
	s9 =	sadd.s32 s28, s11  }
0xd: {  	s11 =	simm.s32 $0x5;
	s5 =	sadd.s32 $0x1BEA00, s25;
	s12 =	sshrl.u32 s6, $0x3  }
0xe: {  	s6 =	smax.u32 s7, $0x1;
	s30 =	sadd.s32 s10, s4;
	s31 =	sadd.s32 s13, s4  }
0xf: {  	s9 =	sadd.s32 $0x8000, s9;
	s13 =	simm.s32 $0x1000;
	s7 =	sadd.s32 s4, s12  }
0x10: {  	s8 =	sadd.s32 $0x800, s30;
	s10 =	sadd.s32 s29, s31;
	s12 =	simm.s32 $0x80  }
.LBB2_1:
0x11: {  	[tilespmem:s3], [sflag:$0x5] =	stream.linear.gather [hbm4b:s5+s3], $0xD00, $0x38;
	[tilespmem:$0x9000] =	vst v63  }
0x12: {  	_ =	swait.ge [sflag:s11], $0xD00  }
0x13: {  	[sflag:s11] =	ssyncset.done $0x0  }
0x14: {  	[sflag:s11] =	ssyncadd.s32 $0xFFFFF300  }
0x15: {  	[tilespmem:s13], [sflag:$0x1] =	stream.indirect.gather [hbm4b:s2+s12], $0x80, s3, s12, $0xb8;
	[tilespmem:$0x9000] =	vst v63  }
0x16: {  	_ = 	snop  }
0x17: {  	[tilespmem:s14], [sflag:$0x2] =	stream.indirect.gather [hbm4b:s2+s12], $0x80, s12, s12, $0xb8;
	[tilespmem:$0x9000] =	vst v63  }
0x18: {  	_ =	swait.ge [sflag:s15], $0x4000  }
0x19: {  	[sflag:s15] =	ssyncset.done $0x0  }
0x1a: {  	[sflag:s15] =	ssyncadd.s32 $0xFFFFC000  }
0x1b: {  	[hbm4b:s7+s3] =	stream.linear.scatter [tilespmem:s13], [sflag:$0x3], $0x4000, $0x38;
	[tilespmem:$0x9000] =	vst v63  }
0x1c: {  	_ =	swait.ge [sflag:s16], $0x4000  }
0x1d: {  	[sflag:s16] =	ssyncset.done $0x0  }
0x1e: {  	[sflag:s16] =	ssyncadd.s32 $0xFFFFC000  }
0x1f: {  	[hbm4b:s8+s3] =	stream.linear.scatter [tilespmem:s14], [sflag:$0x4], $0x4000, $0x38;
	[tilespmem:$0x9000] =	vst v63  }
0x20: {  	_ =	swait.ge [sflag:s17], $0x4000  }
0x21: {  	[sflag:s17] =	ssyncset.done $0x0  }
0x22: {  	[sflag:s17] =	ssyncadd.s32 $0xFFFFC000  }
0x23: {  	_ =	swait.ge [sflag:s18], $0x4000  }
0x24: {  	[sflag:s18] =	ssyncset.done $0x0  }
0x25: {  	s20 =	simm.s32 $0x100;
	[sflag:s18] =	ssyncadd.s32 $0xFFFFC000  }
0x26: {  	[tilespmem:s13], [sflag:$0x1] =	stream.indirect.gather [hbm4b:s2+s12], $0x80, s20, s12, $0xb8;
	[tilespmem:$0x9000] =	vst v63  }
0x27: {  	s30 =	simm.s32 $0x180  }
0x28: {  	[tilespmem:s14], [sflag:$0x2] =	stream.indirect.gather [hbm4b:s2+s12], $0x80, s30, s12, $0xb8;
	[tilespmem:$0x9000] =	vst v63  }
0x29: {  	_ =	swait.ge [sflag:s15], $0x4000  }
0x2a: {  	s31 =	sshrl.u32 s9, $0x3;
	[sflag:s15] =	ssyncset.done $0x0  }
0x2b: {  	s20 =	sadd.s32 s4, s31;
	[sflag:s15] =	ssyncadd.s32 $0xFFFFC000  }
0x2c: {  	[hbm4b:s20+s3] =	stream.linear.scatter [tilespmem:s13], [sflag:$0x3], $0x4000, $0x38;
	[tilespmem:$0x9000] =	vst v63  }
0x2d: {  	_ =	swait.ge [sflag:s16], $0x4000  }
0x2e: {  	s21 =	simm.s32 $0x200;
	s23 =	sadd.s32 $0x1800, s10;
	[sflag:s16] =	ssyncset.done $0x0  }
0x2f: {  	s22 =	sadd.s32 $0x8000, s9;
	s20 =	simm.s32 $0x2800;
	[sflag:s16] =	ssyncadd.s32 $0xFFFFC000  }
.LBB2_2:
0x30: {  	[hbm4b:s23+s3] =	stream.linear.scatter [tilespmem:s14], [sflag:$0x4], $0x4000, $0x38;
	[tilespmem:$0x9000] =	vst v63  }
0x31: {  	s23 =	smov.u32 s20  }
0x32: {  	p0 =	sne.s32 s20, $0xC800;
	s20 =	sadd.s32 $0x1000, s20;
	_ =	swait.ge [sflag:s17], $0x4000  }
0x33: {  	[sflag:s17] =	ssyncset.done $0x0  }
0x34: {  	[sflag:s17] =	ssyncadd.s32 $0xFFFFC000  }
0x35: {  	_ =	swait.ge [sflag:s18], $0x4000  }
0x36: {  	[sflag:s18] =	ssyncset.done $0x0  }
0x37: {  	[sflag:s18] =	ssyncadd.s32 $0xFFFFC000  }
0x38: {  	[tilespmem:s13], [sflag:$0x1] =	stream.indirect.gather [hbm4b:s2+s12], $0x80, s21, s12, $0xb8;
	[tilespmem:$0x9000] =	vst v63  }
0x39: {  	s24 =	sadd.s32 $0x80, s21  }
0x3a: {  	[tilespmem:s14], [sflag:$0x2] =	stream.indirect.gather [hbm4b:s2+s12], $0x80, s24, s12, $0xb8;
	[tilespmem:$0x9000] =	vst v63  }
0x3b: {  	_ =	swait.ge [sflag:s15], $0x4000  }
0x3c: {  	s24 =	sshrl.u32 s22, $0x3;
	[sflag:s15] =	ssyncset.done $0x0  }
.Ltmp0:
0x3d: {  	s24 =	sadd.s32 s4, s24;
	[sflag:s15] =	ssyncadd.s32 $0xFFFFC000;
	(pc) =	sbr.rel @p0 .LBB2_2-.Ltmp0, $4  }
0x3e: {  	[hbm4b:s24+s3] =	stream.linear.scatter [tilespmem:s13], [sflag:$0x3], $0x4000, $0x38;
	[tilespmem:$0x9000] =	vst v63  }
0x3f: {  	_ =	swait.ge [sflag:s16], $0x4000  }
0x40: {  	s21 =	sadd.s32 $0x100, s21;
	[sflag:s16] =	ssyncset.done $0x0  }
0x41: {  	s23 =	sadd.s32 s23, s10;
	s22 =	sadd.s32 $0x8000, s22;
	[sflag:s16] =	ssyncadd.s32 $0xFFFFC000  }
0x42: {  	[hbm4b:s23+s3] =	stream.linear.scatter [tilespmem:s14], [sflag:$0x4], $0x4000, $0x38;
	[tilespmem:$0x9000] =	vst v63  }
0x43: {  	s19 =	sadd.s32 $0x1, s19  }
0x44: {  	_ =	swait.ge [sflag:s17], $0x4000;
	p0 =	sne.s32 s19, s6  }
.Ltmp1:
0x45: {  	[sflag:s17] =	ssyncset.done $0x0;
	(pc) =	sbr.rel @p0 .LBB2_1-.Ltmp1, $4  }
0x46: {  	[sflag:s17] =	ssyncadd.s32 $0xFFFFC000  }
0x47: {  	_ =	swait.ge [sflag:s18], $0x4000  }
0x48: {  	[sflag:s18] =	ssyncset.done $0x0  }
0x49: {  	[sflag:s18] =	ssyncadd.s32 $0xFFFFC000  }
0x4a: {  	_ =	sfence.sel $0x180000  }
0x4b: {  	[bflag:$0x0] =	sbarrier.arrive $0xFFFF  }
0x4c: {  	p0 =	sne.s32 s1, $0x0;
	_ =	strace $0x9000004A  }
0x4d: {  	s0 =	sadd.s32 @!p0 $0x100000, s0;
	[bflag:$0x2] =	sbarrier.arrive $0xFFFF  }
0x4e: {  	[sflag:s0] =	ssyncadd.tile.s32 @!p0 $0x1;
	_ =	shalt  }
.Lfunc_end2:
_tile_overlayer_lowered:
.L_overlay_start_2:
0x4f: {  	(tag) =	ssettag $0x2  }
0x50: {  	s0 =	rddreg [dreg:$0x0];
	s2 =	stileid.u32  }
0x51: {  	s1 =	rddreg [dreg:$0x1];
	p0 =	sne.s32 s2, $0x0  }
0x52: {  	s3 =	rddreg [dreg:$0x2];
	[bflag:$0x3] =	sbarrier.arrive $0xFFFF;
	s2 =	simm.s32 @!p0 $0x1C05  }
0x53: {  	[timem:s3], [sflag:s2] =	dma.local @!p0 [hbm:s0], s1  }
0x54: {  	s0 =	simm.s32 @!p0 $0x5  }
0x55: {  	_ =	swait.ge @!p0 [sflag:s0], s1  }
0x56: {  	s1 =	ssub.s32 @!p0 $0x0, s1;
	[sflag:s0] =	ssyncset.done @!p0 $0x0  }
0x57: {  	[sflag:s0] =	ssyncadd.s32 @!p0 s1  }
0x58: {  	[bflag:$0x3] =	sbarrier.arrive $0xFFFF  }
0x59: {  	_ =	shalt  }

// kernel: kernel.20.cloned.1.call-start
scs
__scs_entry_jumppad:
0x0: {  	(pc) =	sbr.rel $0x88, $3  }
0x1: {  	(tag) =	ssettag $0x0;
	lr =	simm.s32 $0x1  }
0x2: {  	[smem:$0x3F95] =	sst lr;
	_ =	strace $0xD0000000  }
0x3: {  	_ = 	snop  }
0x4: {  	_ = 	snop  }
0x5: {  	_ = 	snop  }
0x6: {  	_ = 	snop  }
0x7: {  	_ = 	snop  }
__scs_overlays_trampoline_lowered:
0x8: {  	[smem:$0x3FA4] =	sst s0  }
0x9: {  	[smem:$0x3FA5] =	sst s1  }
0xa: {  	[smem:$0x3FA6] =	sst s2  }
0xb: {  	[smem:$0x3FA7] =	sst s3  }
0xc: {  	[smem:$0x3FA8] =	sst s4  }
0xd: {  	[smem:$0x3FA9] =	sst s5  }
0xe: {  	[smem:$0x3FAA] =	sst s6  }
0xf: {  	[smem:$0x3FAB] =	sst s7  }
0x10: {  	[smem:$0x3FAC] =	sst s8  }
0x11: {  	[smem:$0x3FAD] =	sst s9;
	s0 =	simm.s32 @!p0 $0x0  }
0x12: {  	s1 =	sld [smem:$0x3F93];
	s0 =	simm.s32 @p0 $0x1  }
0x13: {  	[smem:$0x3FAE] =	sst s0;
	s0 =	simm.s32 @!p1 $0x0  }
0x14: {  	s2 =	sld [smem:$0x3F92];
	s0 =	simm.s32 @p1 $0x1  }
0x15: {  	[smem:$0x3FAF] =	sst s0;
	s0 =	simm.s32 @!p2 $0x0  }
0x16: {  	s3 =	sld [smem:$0x3FDB];
	s0 =	simm.s32 @p2 $0x1  }
0x17: {  	s4 =	simm.s32 $0x1BF5;
	[smem:$0x3FB1] =	sst s0  }
0x18: {  	s0 =	sld [smem:$0x3F94];
	_ =	swait.ge [sflag:s4], $0x0  }
0x19: {  	s7 =	sld [smem:$0x3F95]  }
0x1a: {  	s8 =	sadd.s32 $0xFFFFE003, lr  }
0x1b: {  	s9 =	sadd.s32 $0xFFFFFEF7, lr;
	s5 =	simm.s32 $0xFFFFFFFF;
	p2 =	slt.u32 s8, $0xFFFFF086  }
0x1c: {  	p1 =	slt.u32 s9, $0xF7A;
	s5 =	simm.s32 @!p2 $0x0  }
0x1d: {  	s5 =	simm.s32 @p1 $0x1;
	p0 =	seq.s32 s7, s2  }
0x1e: {  	s7 =	smul.u32 @!p0 $0xF7A, s2;
	p2 =	seq.s32 @!p0 s5, $0x0  }
0x1f: {  	s9 =	smul.u32 $0xF7A, s1;
	s8 =	simm.s32 @!p0 $0x1BF5;
	p2 =	por !p2, p0  }
0x20: {  	[sflag:s8] =	ssyncset.s32 @!p0 $0xFFFFF086;
	s6 =	sadd.s32 @!p0 s3, s7;
	s7 =	simm.s32 @!p0 $0x108  }
0x21: {  	s3 =	sadd.s32 s3, s9;
	s6 =	sadd.s32 @!p0 $0x88, s6;
	s7 =	simm.s32 @p2 $0x1082  }
0x22: {  	[simem:s7], [sflag:s8] =	dma.local @!p0 [hbm:s6], $0xF7A  }
0x23: {  	s9 =	sor.u32 $0xD0000000, s2;
	s6 =	simm.s32 $0x108;
	_ =	swait.ge @!p0 [sflag:s8], $0x0  }
0x24: {  	s3 =	sadd.s32 $0x88, s3;
	s6 =	simm.s32 @!p1 $0x1082;
	[sflag:s4] =	ssyncset.s32 $0xFFFFF086  }
0x25: {  	[simem:s6], [sflag:s4] =	dma.local [hbm:s3], $0xF7A  }
0x26: {  	[smem:$0x3F95] =	sst s1;
	(tag) =	ssettag s2;
	_ =	strace s9  }
0x27: {  	s1 =	sld [smem:$0x3FA5]  }
0x28: {  	s2 =	sld [smem:$0x3FA6]  }
0x29: {  	s4 =	sld [smem:$0x3FA8]  }
0x2a: {  	p0 =	seq.s32 s5, $0x0;
	s5 =	sld [smem:$0x3FA9]  }
0x2b: {  	s6 =	sld [smem:$0x3FAA]  }
0x2c: {  	s7 =	sld [smem:$0x3FAB]  }
0x2d: {  	s3 =	simm.s32 $0x108;
	s8 =	sld [smem:$0x3FAC]  }
0x2e: {  	s3 =	simm.s32 @!p0 $0x1082;
	s9 =	sld [smem:$0x3FAD]  }
0x2f: {  	lr =	sadd.s32 s0, s3;
	s0 =	sld [smem:$0x3FA4]  }
0x30: {  	s3 =	sld [smem:$0x3FA7]  }
0x31: {  	[smem:$0x3FB0] =	sst s10  }
0x32: {  	s10 =	sld [smem:$0x3FAE];
	_ =	sdelay $0x3  }
0x33: {  	p0 =	seq.s32 s10, $0x1;
	s10 =	sld [smem:$0x3FB0];
	_ =	sdelay $0x3  }
0x34: {  	[smem:$0x3FB0] =	sst s10  }
0x35: {  	s10 =	sld [smem:$0x3FAF];
	_ =	sdelay $0x3  }
0x36: {  	p1 =	seq.s32 s10, $0x1;
	s10 =	sld [smem:$0x3FB0];
	_ =	sdelay $0x3  }
0x37: {  	[smem:$0x3FB0] =	sst s10  }
0x38: {  	s10 =	sld [smem:$0x3FB1]  }
0x39: {  	_ = 	snop;
	(pc) =	sbr.ind lr, $3  }
0x3a: {  	_ = 	snop  }
0x3b: {  	_ = 	snop  }
0x3c: {  	p2 =	seq.s32 s10, $0x1;
	s10 =	sld [smem:$0x3FB0]  }
0x3d: {  	_ =	shalt  }
0x3e: {  	_ =	shalt  }
0x3f: {  	_ =	shalt  }
0x40: {  	_ =	shalt  }
0x41: {  	_ =	shalt  }
0x42: {  	_ =	shalt  }
0x43: {  	_ =	shalt  }
0x44: {  	_ =	shalt  }
0x45: {  	_ =	shalt  }
0x46: {  	_ =	shalt  }
0x47: {  	_ =	shalt  }
0x48: {  	_ =	shalt  }
0x49: {  	_ =	shalt  }
0x4a: {  	_ =	shalt  }
0x4b: {  	_ =	shalt  }
0x4c: {  	_ =	shalt  }
0x4d: {  	_ =	shalt  }
0x4e: {  	_ =	shalt  }
0x4f: {  	_ =	shalt  }
0x50: {  	_ =	shalt  }
0x51: {  	_ =	shalt  }
0x52: {  	_ =	shalt  }
0x53: {  	_ =	shalt  }
0x54: {  	_ =	shalt  }
0x55: {  	_ =	shalt  }
0x56: {  	_ =	shalt  }
0x57: {  	_ =	shalt  }
0x58: {  	_ =	shalt  }
0x59: {  	_ =	shalt  }
0x5a: {  	_ =	shalt  }
0x5b: {  	_ =	shalt  }
0x5c: {  	_ =	shalt  }
0x5d: {  	_ =	shalt  }
0x5e: {  	_ =	shalt  }
0x5f: {  	_ =	shalt  }
0x60: {  	_ =	shalt  }
0x61: {  	_ =	shalt  }
0x62: {  	_ =	shalt  }
0x63: {  	_ =	shalt  }
0x64: {  	_ =	shalt  }
0x65: {  	_ =	shalt  }
0x66: {  	_ =	shalt  }
0x67: {  	_ =	shalt  }
0x68: {  	_ =	shalt  }
0x69: {  	_ =	shalt  }
0x6a: {  	_ =	shalt  }
0x6b: {  	_ =	shalt  }
0x6c: {  	_ =	shalt  }
0x6d: {  	_ =	shalt  }
0x6e: {  	_ =	shalt  }
0x6f: {  	_ =	shalt  }
0x70: {  	_ =	shalt  }
0x71: {  	_ =	shalt  }
0x72: {  	_ =	shalt  }
0x73: {  	_ =	shalt  }
0x74: {  	_ =	shalt  }
0x75: {  	_ =	shalt  }
0x76: {  	_ =	shalt  }
0x77: {  	_ =	shalt  }
0x78: {  	_ =	shalt  }
0x79: {  	_ =	shalt  }
0x7a: {  	_ =	shalt  }
0x7b: {  	_ =	shalt  }
0x7c: {  	_ =	shalt  }
0x7d: {  	_ =	shalt  }
0x7e: {  	_ =	shalt  }
0x7f: {  	_ =	shalt  }
0x80: {  	_ =	shalt  }
0x81: {  	_ =	shalt  }
0x82: {  	_ =	shalt  }
0x83: {  	_ =	shalt  }
0x84: {  	_ =	shalt  }
0x85: {  	_ =	shalt  }
0x86: {  	_ =	shalt  }
0x87: {  	_ =	shalt  }
.Lfunc_end0:
.L_simem_size_0:
called_computation.3_lowered:
.L_overlay_start_0:
0x88: {  	s2 =	sld [smem:$0x3FD9]  }
0x89: {  	s3 =	sld [smem:$0x3FFE];
	_ =	sdelay $0x1  }
0x8a: {  	s1 =	srdreg.scid  }
0x8b: {  	s0 =	sand.u32 $0x1, s1  }
0x8c: {  	s17 =	sshll.u32 s0, $0xA;
	s2 =	sadd.s32 s3, s2  }
0x8d: {  	s2 =	sadd.s32 s2, s17  }
0x8e: {  	[smem:$0x3FBC] =	sst s2  }
0x8f: {  	_ = 	snop  }
0x90: {  	s2 =	sld [smem:$0x3FC6];
	(tm) =	ssettm $0x1  }
0x91: {  	s18 =	sld [smem:$0x3FFB];
	_ =	sdelay $0x3  }
0x92: {  	_ =	strace s18  }
0x93: {  	s3 =	sld [smem:$0x3FFC];
	_ =	sdelay $0x3  }
0x94: {  	_ =	strace s3  }
0x95: {  	s3 =	sld [smem:$0x3FFD];
	_ =	sdelay $0x3  }
0x96: {  	_ =	strace s3  }
0x97: {  	_ =	strace $0x8FFFFFFF  }
0x98: {  	s19 =	sld [smem:$0x3FDB];
	_ =	sdelay $0x1  }
0x99: {  	s4 =	simm.s32 $_scs_section_size  }
0x9a: {  	s5 =	simm.s32 $_size__tile_overlayer_lowered;
	s6 =	simm.s32 $_tile_overlayer_lowered  }
0x9b: {  	s22 =	simm.s32 $0x1BFF;
	s21 =	sshll.u32 s6, $0x1;
	s3 =	sadd.s32 s4, s19  }
0x9c: {  	s7 =	simm.s32 $0x0;
	s20 =	sshll.u32 s5, $0x1;
	s5 =	sadd.s32 s21, s3  }
0x9d: {  	[timem:s7], [sflag:s22] =	dma.local [hbm:s5], s20  }
0x9e: {  	_ =	swait.ge [sflag:s22], s20  }
0x9f: {  	s4 =	ssub.s32 $0x0, s20;
	[sflag:s22] =	ssyncset.done $0x0  }
0xa0: {  	[sflag:s22] =	ssyncadd.s32 s4;
	_ =	sdelay $0x1  }
0xa1: {  	s23 =	simm.s32 $0x1B8B  }
0xa2: {  	_ =	swait.ge [sflag:s23], $0x1  }
0xa3: {  	[sflag:s23] =	ssyncset.done $0x0  }
0xa4: {  	s25 =	simm.s32 $0x1B8E;
	s24 =	sld [smem:$0x3FFE];
	[sflag:s23] =	ssyncadd.s32 $0xFFFFFFFF  }
0xa5: {  	s26 =	simm.s32 $execute0_lowered;
	[smem:$0x3FD2] =	sst s25  }
0xa6: {  	s5 =	sshll.u32 s26, $0x1;
	_ =	strace $0x80000046;
	[dreg:$0x1] =	wrdreg $0xFFFFFFFF  }
0xa7: {  	s28 =	simm.s32 $_size_execute0_lowered;
	s3 =	sadd.s32 s3, s5;
	[dreg:$0x0] =	wrdreg $0x0  }
0xa8: {  	s5 =	sshll.u32 s28, $0x1;
	[dreg:$0x2] =	wrdreg s3  }
0xa9: {  	[dreg:$0x3] =	wrdreg s5  }
0xaa: {  	[dreg:$0x4] =	wrdreg $0xC0  }
0xab: {  	_ =	task [dreg:s7], $0x5FFFF  }
0xac: {  	[dreg:$0x1] =	wrdreg $0xFFFFFFFF  }
0xad: {  	[dreg:$0x0] =	wrdreg $0x60  }
0xae: {  	[dreg:$0x2] =	wrdreg s24  }
0xaf: {  	[dreg:$0x3] =	wrdreg s2  }
0xb0: {  	[dreg:$0x4] =	wrdreg $0xC  }
0xb1: {  	_ =	task.clear_ibuf [dreg:s7], $0x5FFFF;
	_ =	strace $0x90000046  }
0xb2: {  	s29 =	simm.s32 $0xC;
	_ =	strace $0x80000048  }
0xb3: {  	_ =	swait.ge [sflag:s29], $0x1  }
0xb4: {  	[sflag:s29] =	ssyncadd.s32 $0xFFFFFFFF  }
0xb5: {  	_ =	strace $0x90000048  }
0xb6: {  	_ =	sfence  }
0xb7: {  	s30 =	sld [smem:$0x0];
	_ =	sdelay $0x2  }
0xb8: {  	s31 =	sshll.u32 s1, $0xD;
	s1 =	sshrl.u32 s1, $0x2  }
0xb9: {  	s3 =	sand.u32 $0x4000, s31;
	s1 =	sadd.s32 s1, s30  }
0xba: {  	s0 =	sor.u32 s3, s0;
	s1 =	sshll.u32 s1, $0x11  }
0xbb: {  	s0 =	sor.u32 s1, s0  }
0xbc: {  	s0 =	sadd.s32 $0x8F2B, s0  }
0xbd: {  	[sflag:s0] =	ssyncadd.remote.s32 $0x1  }
0xbe: {  	_ =	sfence.sel $0xFFFF  }
0xbf: {  	[dreg:$0x0] =	wrdreg $0xFFFFFFFF;
	(pc) =	sbr.abs _section_cstart, $3  }
0xc0: {  	[dreg:$0x1] =	wrdreg $0xFFFFFFFF  }
0xc1: {  	_ =	task.clear_ibuf [dreg:s7], $0x2FFFF;
	_ =	strace $0x9FFFFFFF  }
0xc2: {  	(tm) =	ssettm $0x7FFFFFFF  }
0xc3: {  	_ =	shalt  }
tec
execute0_lowered:
.L_overlay_start_1:
0x0: {  	(tag) =	ssettag $0x1  }
0x1: {  	s4 =	rddreg [dreg:$0x0]  }
0x2: {  	s2 =	rddreg [dreg:$0x1]  }
0x3: {  	s0 =	rddreg [dreg:$0x2]  }
0x4: {  	s5 =	srdreg.scid;
	s1 =	stileid.u32;
	s3 =	simm.s32 $0x0  }
0x5: {  	s14 =	simm.s32 $0x5000;
	s15 =	simm.s32 $0x1;
	s16 =	simm.s32 $0x2  }
0x6: {  	s17 =	simm.s32 $0x3;
	s18 =	simm.s32 $0x4;
	s11 =	smul.u32 $0xD0000, s1  }
0x7: {  	s19 =	simm.s32 $0x0;
	s8 =	sand.u32 $0x1, s5;
	s13 =	smul.u32 $0x1A000, s1  }
0x8: {  	s24 =	sshll.u32 s1, $0x1;
	[smem:$0x7FF] =	sst s3;
	s28 =	smul.u32 $0x68000, s8  }
0x9: {  	s5 =	sor.u32 s8, s24;
	_ =	strace $0x80000047;
	s29 =	smul.u32 $0xD000, s8  }
0xa: {  	s9 =	ssub.s32 $0x2, s8;
	s6 =	smul.u32 $0x68000, s5;
	s7 =	sshll.u32 s5, $0x9  }
0xb: {  	s10 =	smul.u32 $0xD000, s5;
	s26 =	sshrl.u32 s9, $0x1;
	s25 =	sadd.s32 s7, s4  }
0xc: {  	s4 =	sadd.s32 $0x1EA00, s4;
	s7 =	ssub.s32 s9, s26;
	s9 =	sadd.s32 s28, s11  }
0xd: {  	s11 =	simm.s32 $0x5;
	s5 =	sadd.s32 $0x1AA00, s25;
	s12 =	sshrl.u32 s6, $0x3  }
0xe: {  	s6 =	smax.u32 s7, $0x1;
	s30 =	sadd.s32 s10, s4;
	s31 =	sadd.s32 s13, s4  }
0xf: {  	s9 =	sadd.s32 $0x8000, s9;
	s13 =	simm.s32 $0x1000;
	s7 =	sadd.s32 s4, s12  }
0x10: {  	s8 =	sadd.s32 $0x800, s30;
	s10 =	sadd.s32 s29, s31;
	s12 =	simm.s32 $0x80  }
.LBB2_1:
0x11: {  	[tilespmem:s3], [sflag:$0x5] =	stream.linear.gather [hbm4b:s5+s3], $0xD00, $0x38;
	[tilespmem:$0x9000] =	vst v63  }
0x12: {  	_ =	swait.ge [sflag:s11], $0xD00  }
0x13: {  	[sflag:s11] =	ssyncset.done $0x0  }
0x14: {  	[sflag:s11] =	ssyncadd.s32 $0xFFFFF300  }
0x15: {  	[tilespmem:s13], [sflag:$0x1] =	stream.indirect.gather [hbm4b:s2+s12], $0x80, s3, s12, $0xb8;
	[tilespmem:$0x9000] =	vst v63  }
0x16: {  	_ = 	snop  }
0x17: {  	[tilespmem:s14], [sflag:$0x2] =	stream.indirect.gather [hbm4b:s2+s12], $0x80, s12, s12, $0xb8;
	[tilespmem:$0x9000] =	vst v63  }
0x18: {  	_ =	swait.ge [sflag:s15], $0x4000  }
0x19: {  	[sflag:s15] =	ssyncset.done $0x0  }
0x1a: {  	[sflag:s15] =	ssyncadd.s32 $0xFFFFC000  }
0x1b: {  	[hbm4b:s7+s3] =	stream.linear.scatter [tilespmem:s13], [sflag:$0x3], $0x4000, $0x38;
	[tilespmem:$0x9000] =	vst v63  }
0x1c: {  	_ =	swait.ge [sflag:s16], $0x4000  }
0x1d: {  	[sflag:s16] =	ssyncset.done $0x0  }
0x1e: {  	[sflag:s16] =	ssyncadd.s32 $0xFFFFC000  }
0x1f: {  	[hbm4b:s8+s3] =	stream.linear.scatter [tilespmem:s14], [sflag:$0x4], $0x4000, $0x38;
	[tilespmem:$0x9000] =	vst v63  }
0x20: {  	_ =	swait.ge [sflag:s17], $0x4000  }
0x21: {  	[sflag:s17] =	ssyncset.done $0x0  }
0x22: {  	[sflag:s17] =	ssyncadd.s32 $0xFFFFC000  }
0x23: {  	_ =	swait.ge [sflag:s18], $0x4000  }
0x24: {  	[sflag:s18] =	ssyncset.done $0x0  }
0x25: {  	s20 =	simm.s32 $0x100;
	[sflag:s18] =	ssyncadd.s32 $0xFFFFC000  }
0x26: {  	[tilespmem:s13], [sflag:$0x1] =	stream.indirect.gather [hbm4b:s2+s12], $0x80, s20, s12, $0xb8;
	[tilespmem:$0x9000] =	vst v63  }
0x27: {  	s30 =	simm.s32 $0x180  }
0x28: {  	[tilespmem:s14], [sflag:$0x2] =	stream.indirect.gather [hbm4b:s2+s12], $0x80, s30, s12, $0xb8;
	[tilespmem:$0x9000] =	vst v63  }
0x29: {  	_ =	swait.ge [sflag:s15], $0x4000  }
0x2a: {  	s31 =	sshrl.u32 s9, $0x3;
	[sflag:s15] =	ssyncset.done $0x0  }
0x2b: {  	s20 =	sadd.s32 s4, s31;
	[sflag:s15] =	ssyncadd.s32 $0xFFFFC000  }
0x2c: {  	[hbm4b:s20+s3] =	stream.linear.scatter [tilespmem:s13], [sflag:$0x3], $0x4000, $0x38;
	[tilespmem:$0x9000] =	vst v63  }
0x2d: {  	_ =	swait.ge [sflag:s16], $0x4000  }
0x2e: {  	s21 =	simm.s32 $0x200;
	s23 =	sadd.s32 $0x1800, s10;
	[sflag:s16] =	ssyncset.done $0x0  }
0x2f: {  	s22 =	sadd.s32 $0x8000, s9;
	s20 =	simm.s32 $0x2800;
	[sflag:s16] =	ssyncadd.s32 $0xFFFFC000  }
.LBB2_2:
0x30: {  	[hbm4b:s23+s3] =	stream.linear.scatter [tilespmem:s14], [sflag:$0x4], $0x4000, $0x38;
	[tilespmem:$0x9000] =	vst v63  }
0x31: {  	s23 =	smov.u32 s20  }
0x32: {  	p0 =	sne.s32 s20, $0xC800;
	s20 =	sadd.s32 $0x1000, s20;
	_ =	swait.ge [sflag:s17], $0x4000  }
0x33: {  	[sflag:s17] =	ssyncset.done $0x0  }
0x34: {  	[sflag:s17] =	ssyncadd.s32 $0xFFFFC000  }
0x35: {  	_ =	swait.ge [sflag:s18], $0x4000  }
0x36: {  	[sflag:s18] =	ssyncset.done $0x0  }
0x37: {  	[sflag:s18] =	ssyncadd.s32 $0xFFFFC000  }
0x38: {  	[tilespmem:s13], [sflag:$0x1] =	stream.indirect.gather [hbm4b:s2+s12], $0x80, s21, s12, $0xb8;
	[tilespmem:$0x9000] =	vst v63  }
0x39: {  	s24 =	sadd.s32 $0x80, s21  }
0x3a: {  	[tilespmem:s14], [sflag:$0x2] =	stream.indirect.gather [hbm4b:s2+s12], $0x80, s24, s12, $0xb8;
	[tilespmem:$0x9000] =	vst v63  }
0x3b: {  	_ =	swait.ge [sflag:s15], $0x4000  }
0x3c: {  	s24 =	sshrl.u32 s22, $0x3;
	[sflag:s15] =	ssyncset.done $0x0  }
.Ltmp0:
0x3d: {  	s24 =	sadd.s32 s4, s24;
	[sflag:s15] =	ssyncadd.s32 $0xFFFFC000;
	(pc) =	sbr.rel @p0 .LBB2_2-.Ltmp0, $4  }
0x3e: {  	[hbm4b:s24+s3] =	stream.linear.scatter [tilespmem:s13], [sflag:$0x3], $0x4000, $0x38;
	[tilespmem:$0x9000] =	vst v63  }
0x3f: {  	_ =	swait.ge [sflag:s16], $0x4000  }
0x40: {  	s21 =	sadd.s32 $0x100, s21;
	[sflag:s16] =	ssyncset.done $0x0  }
0x41: {  	s23 =	sadd.s32 s23, s10;
	s22 =	sadd.s32 $0x8000, s22;
	[sflag:s16] =	ssyncadd.s32 $0xFFFFC000  }
0x42: {  	[hbm4b:s23+s3] =	stream.linear.scatter [tilespmem:s14], [sflag:$0x4], $0x4000, $0x38;
	[tilespmem:$0x9000] =	vst v63  }
0x43: {  	s19 =	sadd.s32 $0x1, s19  }
0x44: {  	_ =	swait.ge [sflag:s17], $0x4000;
	p0 =	sne.s32 s19, s6  }
.Ltmp1:
0x45: {  	[sflag:s17] =	ssyncset.done $0x0;
	(pc) =	sbr.rel @p0 .LBB2_1-.Ltmp1, $4  }
0x46: {  	[sflag:s17] =	ssyncadd.s32 $0xFFFFC000  }
0x47: {  	_ =	swait.ge [sflag:s18], $0x4000  }
0x48: {  	[sflag:s18] =	ssyncset.done $0x0  }
0x49: {  	[sflag:s18] =	ssyncadd.s32 $0xFFFFC000  }
0x4a: {  	_ =	sfence.sel $0x180000  }
0x4b: {  	[bflag:$0x0] =	sbarrier.arrive $0xFFFF  }
0x4c: {  	p0 =	sne.s32 s1, $0x0;
	_ =	strace $0x90000047  }
0x4d: {  	s0 =	sadd.s32 @!p0 $0x100000, s0;
	[bflag:$0x2] =	sbarrier.arrive $0xFFFF  }
0x4e: {  	[sflag:s0] =	ssyncadd.tile.s32 @!p0 $0x1;
	_ =	shalt  }
.Lfunc_end2:
_tile_overlayer_lowered:
.L_overlay_start_2:
0x4f: {  	(tag) =	ssettag $0x2  }
0x50: {  	s0 =	rddreg [dreg:$0x0];
	s2 =	stileid.u32  }
0x51: {  	s1 =	rddreg [dreg:$0x1];
	p0 =	sne.s32 s2, $0x0  }
0x52: {  	s3 =	rddreg [dreg:$0x2];
	[bflag:$0x3] =	sbarrier.arrive $0xFFFF;
	s2 =	simm.s32 @!p0 $0x1C05  }
0x53: {  	[timem:s3], [sflag:s2] =	dma.local @!p0 [hbm:s0], s1  }
0x54: {  	s0 =	simm.s32 @!p0 $0x5  }
0x55: {  	_ =	swait.ge @!p0 [sflag:s0], s1  }
0x56: {  	s1 =	ssub.s32 @!p0 $0x0, s1;
	[sflag:s0] =	ssyncset.done @!p0 $0x0  }
0x57: {  	[sflag:s0] =	ssyncadd.s32 @!p0 s1  }
0x58: {  	[bflag:$0x3] =	sbarrier.arrive $0xFFFF  }
0x59: {  	_ =	shalt  }

// kernel: kernel.23.cloned.1.call-start
scs
__scs_entry_jumppad:
0x0: {  	(pc) =	sbr.rel $0x88, $3  }
0x1: {  	(tag) =	ssettag $0x0;
	lr =	simm.s32 $0x1  }
0x2: {  	[smem:$0x3F95] =	sst lr;
	_ =	strace $0xD0000000  }
0x3: {  	_ = 	snop  }
0x4: {  	_ = 	snop  }
0x5: {  	_ = 	snop  }
0x6: {  	_ = 	snop  }
0x7: {  	_ = 	snop  }
__scs_overlays_trampoline_lowered:
0x8: {  	[smem:$0x3FA4] =	sst s0  }
0x9: {  	[smem:$0x3FA5] =	sst s1  }
0xa: {  	[smem:$0x3FA6] =	sst s2  }
0xb: {  	[smem:$0x3FA7] =	sst s3  }
0xc: {  	[smem:$0x3FA8] =	sst s4  }
0xd: {  	[smem:$0x3FA9] =	sst s5  }
0xe: {  	[smem:$0x3FAA] =	sst s6  }
0xf: {  	[smem:$0x3FAB] =	sst s7  }
0x10: {  	[smem:$0x3FAC] =	sst s8  }
0x11: {  	[smem:$0x3FAD] =	sst s9;
	s0 =	simm.s32 @!p0 $0x0  }
0x12: {  	s1 =	sld [smem:$0x3F93];
	s0 =	simm.s32 @p0 $0x1  }
0x13: {  	[smem:$0x3FAE] =	sst s0;
	s0 =	simm.s32 @!p1 $0x0  }
0x14: {  	s2 =	sld [smem:$0x3F92];
	s0 =	simm.s32 @p1 $0x1  }
0x15: {  	[smem:$0x3FAF] =	sst s0;
	s0 =	simm.s32 @!p2 $0x0  }
0x16: {  	s3 =	sld [smem:$0x3FDB];
	s0 =	simm.s32 @p2 $0x1  }
0x17: {  	s4 =	simm.s32 $0x1BF5;
	[smem:$0x3FB1] =	sst s0  }
0x18: {  	s0 =	sld [smem:$0x3F94];
	_ =	swait.ge [sflag:s4], $0x0  }
0x19: {  	s7 =	sld [smem:$0x3F95]  }
0x1a: {  	s8 =	sadd.s32 $0xFFFFE003, lr  }
0x1b: {  	s9 =	sadd.s32 $0xFFFFFEF7, lr;
	s5 =	simm.s32 $0xFFFFFFFF;
	p2 =	slt.u32 s8, $0xFFFFF086  }
0x1c: {  	p1 =	slt.u32 s9, $0xF7A;
	s5 =	simm.s32 @!p2 $0x0  }
0x1d: {  	s5 =	simm.s32 @p1 $0x1;
	p0 =	seq.s32 s7, s2  }
0x1e: {  	s7 =	smul.u32 @!p0 $0xF7A, s2;
	p2 =	seq.s32 @!p0 s5, $0x0  }
0x1f: {  	s9 =	smul.u32 $0xF7A, s1;
	s8 =	simm.s32 @!p0 $0x1BF5;
	p2 =	por !p2, p0  }
0x20: {  	[sflag:s8] =	ssyncset.s32 @!p0 $0xFFFFF086;
	s6 =	sadd.s32 @!p0 s3, s7;
	s7 =	simm.s32 @!p0 $0x108  }
0x21: {  	s3 =	sadd.s32 s3, s9;
	s6 =	sadd.s32 @!p0 $0x88, s6;
	s7 =	simm.s32 @p2 $0x1082  }
0x22: {  	[simem:s7], [sflag:s8] =	dma.local @!p0 [hbm:s6], $0xF7A  }
0x23: {  	s9 =	sor.u32 $0xD0000000, s2;
	s6 =	simm.s32 $0x108;
	_ =	swait.ge @!p0 [sflag:s8], $0x0  }
0x24: {  	s3 =	sadd.s32 $0x88, s3;
	s6 =	simm.s32 @!p1 $0x1082;
	[sflag:s4] =	ssyncset.s32 $0xFFFFF086  }
0x25: {  	[simem:s6], [sflag:s4] =	dma.local [hbm:s3], $0xF7A  }
0x26: {  	[smem:$0x3F95] =	sst s1;
	(tag) =	ssettag s2;
	_ =	strace s9  }
0x27: {  	s1 =	sld [smem:$0x3FA5]  }
0x28: {  	s2 =	sld [smem:$0x3FA6]  }
0x29: {  	s4 =	sld [smem:$0x3FA8]  }
0x2a: {  	p0 =	seq.s32 s5, $0x0;
	s5 =	sld [smem:$0x3FA9]  }
0x2b: {  	s6 =	sld [smem:$0x3FAA]  }
0x2c: {  	s7 =	sld [smem:$0x3FAB]  }
0x2d: {  	s3 =	simm.s32 $0x108;
	s8 =	sld [smem:$0x3FAC]  }
0x2e: {  	s3 =	simm.s32 @!p0 $0x1082;
	s9 =	sld [smem:$0x3FAD]  }
0x2f: {  	lr =	sadd.s32 s0, s3;
	s0 =	sld [smem:$0x3FA4]  }
0x30: {  	s3 =	sld [smem:$0x3FA7]  }
0x31: {  	[smem:$0x3FB0] =	sst s10  }
0x32: {  	s10 =	sld [smem:$0x3FAE];
	_ =	sdelay $0x3  }
0x33: {  	p0 =	seq.s32 s10, $0x1;
	s10 =	sld [smem:$0x3FB0];
	_ =	sdelay $0x3  }
0x34: {  	[smem:$0x3FB0] =	sst s10  }
0x35: {  	s10 =	sld [smem:$0x3FAF];
	_ =	sdelay $0x3  }
0x36: {  	p1 =	seq.s32 s10, $0x1;
	s10 =	sld [smem:$0x3FB0];
	_ =	sdelay $0x3  }
0x37: {  	[smem:$0x3FB0] =	sst s10  }
0x38: {  	s10 =	sld [smem:$0x3FB1]  }
0x39: {  	_ = 	snop;
	(pc) =	sbr.ind lr, $3  }
0x3a: {  	_ = 	snop  }
0x3b: {  	_ = 	snop  }
0x3c: {  	p2 =	seq.s32 s10, $0x1;
	s10 =	sld [smem:$0x3FB0]  }
0x3d: {  	_ =	shalt  }
0x3e: {  	_ =	shalt  }
0x3f: {  	_ =	shalt  }
0x40: {  	_ =	shalt  }
0x41: {  	_ =	shalt  }
0x42: {  	_ =	shalt  }
0x43: {  	_ =	shalt  }
0x44: {  	_ =	shalt  }
0x45: {  	_ =	shalt  }
0x46: {  	_ =	shalt  }
0x47: {  	_ =	shalt  }
0x48: {  	_ =	shalt  }
0x49: {  	_ =	shalt  }
0x4a: {  	_ =	shalt  }
0x4b: {  	_ =	shalt  }
0x4c: {  	_ =	shalt  }
0x4d: {  	_ =	shalt  }
0x4e: {  	_ =	shalt  }
0x4f: {  	_ =	shalt  }
0x50: {  	_ =	shalt  }
0x51: {  	_ =	shalt  }
0x52: {  	_ =	shalt  }
0x53: {  	_ =	shalt  }
0x54: {  	_ =	shalt  }
0x55: {  	_ =	shalt  }
0x56: {  	_ =	shalt  }
0x57: {  	_ =	shalt  }
0x58: {  	_ =	shalt  }
0x59: {  	_ =	shalt  }
0x5a: {  	_ =	shalt  }
0x5b: {  	_ =	shalt  }
0x5c: {  	_ =	shalt  }
0x5d: {  	_ =	shalt  }
0x5e: {  	_ =	shalt  }
0x5f: {  	_ =	shalt  }
0x60: {  	_ =	shalt  }
0x61: {  	_ =	shalt  }
0x62: {  	_ =	shalt  }
0x63: {  	_ =	shalt  }
0x64: {  	_ =	shalt  }
0x65: {  	_ =	shalt  }
0x66: {  	_ =	shalt  }
0x67: {  	_ =	shalt  }
0x68: {  	_ =	shalt  }
0x69: {  	_ =	shalt  }
0x6a: {  	_ =	shalt  }
0x6b: {  	_ =	shalt  }
0x6c: {  	_ =	shalt  }
0x6d: {  	_ =	shalt  }
0x6e: {  	_ =	shalt  }
0x6f: {  	_ =	shalt  }
0x70: {  	_ =	shalt  }
0x71: {  	_ =	shalt  }
0x72: {  	_ =	shalt  }
0x73: {  	_ =	shalt  }
0x74: {  	_ =	shalt  }
0x75: {  	_ =	shalt  }
0x76: {  	_ =	shalt  }
0x77: {  	_ =	shalt  }
0x78: {  	_ =	shalt  }
0x79: {  	_ =	shalt  }
0x7a: {  	_ =	shalt  }
0x7b: {  	_ =	shalt  }
0x7c: {  	_ =	shalt  }
0x7d: {  	_ =	shalt  }
0x7e: {  	_ =	shalt  }
0x7f: {  	_ =	shalt  }
0x80: {  	_ =	shalt  }
0x81: {  	_ =	shalt  }
0x82: {  	_ =	shalt  }
0x83: {  	_ =	shalt  }
0x84: {  	_ =	shalt  }
0x85: {  	_ =	shalt  }
0x86: {  	_ =	shalt  }
0x87: {  	_ =	shalt  }
.Lfunc_end0:
.L_simem_size_0:
called_computation.4_lowered:
.L_overlay_start_0:
0x88: {  	s2 =	sld [smem:$0x3FD9]  }
0x89: {  	s3 =	sld [smem:$0x3FFE];
	_ =	sdelay $0x1  }
0x8a: {  	s1 =	srdreg.scid  }
0x8b: {  	s0 =	sand.u32 $0x1, s1  }
0x8c: {  	s17 =	sshll.u32 s0, $0xA;
	s2 =	sadd.s32 s3, s2  }
0x8d: {  	s2 =	sadd.s32 s2, s17  }
0x8e: {  	[smem:$0x3FBC] =	sst s2  }
0x8f: {  	_ = 	snop  }
0x90: {  	s18 =	sld [smem:$0x3FD0];
	(tm) =	ssettm $0x1  }
0x91: {  	s19 =	sld [smem:$0x3FFB];
	_ =	sdelay $0x3  }
0x92: {  	_ =	strace s19  }
0x93: {  	s2 =	sld [smem:$0x3FFC];
	_ =	sdelay $0x3  }
0x94: {  	_ =	strace s2  }
0x95: {  	s2 =	sld [smem:$0x3FFD];
	_ =	sdelay $0x3  }
0x96: {  	_ =	strace s2  }
0x97: {  	_ =	strace $0x8FFFFFFF  }
0x98: {  	s20 =	sld [smem:$0x3FDB];
	_ =	sdelay $0x1  }
0x99: {  	s4 =	simm.s32 $_scs_section_size  }
0x9a: {  	s5 =	simm.s32 $_size__tile_overlayer_lowered;
	s6 =	simm.s32 $_tile_overlayer_lowered  }
0x9b: {  	s7 =	simm.s32 $0x1BFF;
	s21 =	sshll.u32 s6, $0x1;
	s4 =	sadd.s32 s4, s20  }
0x9c: {  	s22 =	simm.s32 $0x0;
	s5 =	sshll.u32 s5, $0x1;
	s6 =	sadd.s32 s21, s4  }
0x9d: {  	[timem:s22], [sflag:s7] =	dma.local [hbm:s6], s5  }
0x9e: {  	_ =	swait.ge [sflag:s7], s5  }
0x9f: {  	s5 =	ssub.s32 $0x0, s5;
	[sflag:s7] =	ssyncset.done $0x0  }
0xa0: {  	[sflag:s7] =	ssyncadd.s32 s5;
	_ =	sdelay $0x1  }
0xa1: {  	s23 =	simm.s32 $0x1B8B  }
0xa2: {  	_ =	swait.ge [sflag:s23], $0x1  }
0xa3: {  	[sflag:s23] =	ssyncset.done $0x0  }
0xa4: {  	[sflag:s23] =	ssyncadd.s32 $0xFFFFFFFF  }
0xa5: {  	s5 =	sld [smem:$0x0]  }
0xa6: {  	s6 =	sand.u32 $0xFFFFFFFE, s1  }
0xa7: {  	p0 =	sne.s32 s1, s6  }
0xa8: {  	s6 =	sshll.u32 @p0 s6, $0xE  }
0xa9: {  	s6 =	sadd.s32 @p0 $0x11B8D, s6;
	s7 =	sshll.u32 @p0 s5, $0x11  }
0xaa: {  	s6 =	sor.u32 @p0 s7, s6  }
0xab: {  	[sflag:s6] =	ssyncadd.remote.s32 @p0 $0x1;
	_ =	sdelay $0x1  }
0xac: {  	s6 =	simm.s32 @p0 $0x1B8D  }
0xad: {  	_ =	swait.eq @p0 [sflag:s6], $0x1  }
0xae: {  	[sflag:s6] =	ssyncadd.s32 @p0 $0xFFFFFFFF  }
0xaf: {  	s7 =	sshll.u32 @!p0 s1, $0xE  }
0xb0: {  	s7 =	sor.u32 @!p0 $0x4000, s7;
	s6 =	simm.s32 @!p0 $0x1B8D  }
0xb1: {  	s5 =	sshll.u32 @!p0 s5, $0x11;
	s7 =	sadd.s32 @!p0 $0x11B8D, s7;
	_ =	swait.eq @!p0 [sflag:s6], $0x1  }
0xb2: {  	s5 =	sor.u32 @!p0 s5, s7;
	[sflag:s6] =	ssyncadd.s32 @!p0 $0xFFFFFFFF  }
0xb3: {  	s25 =	simm.s32 $0x1B8E;
	s24 =	sld [smem:$0x3FFE];
	[sflag:s5] =	ssyncadd.remote.s32 @!p0 $0x1  }
0xb4: {  	s26 =	simm.s32 $execute0_lowered;
	[smem:$0x3FD2] =	sst s25  }
0xb5: {  	s6 =	sshll.u32 s26, $0x1;
	_ =	strace $0x80000052;
	[dreg:$0x1] =	wrdreg $0xFFFFFFFF  }
0xb6: {  	s28 =	simm.s32 $_size_execute0_lowered;
	s4 =	sadd.s32 s4, s6;
	[dreg:$0x0] =	wrdreg $0x0  }
0xb7: {  	s6 =	sshll.u32 s28, $0x1;
	[dreg:$0x2] =	wrdreg s4  }
0xb8: {  	[dreg:$0x3] =	wrdreg s6  }
0xb9: {  	[dreg:$0x4] =	wrdreg $0xC0  }
0xba: {  	_ =	task [dreg:s22], $0x5FFFF  }
0xbb: {  	[dreg:$0x1] =	wrdreg $0xFFFFFFFF  }
0xbc: {  	[dreg:$0x0] =	wrdreg $0x60  }
0xbd: {  	[dreg:$0x2] =	wrdreg s24  }
0xbe: {  	[dreg:$0x3] =	wrdreg s18  }
0xbf: {  	[dreg:$0x4] =	wrdreg $0xD  }
0xc0: {  	_ =	task.clear_ibuf [dreg:s22], $0x5FFFF;
	_ =	strace $0x90000052  }
0xc1: {  	s29 =	simm.s32 $0xD;
	_ =	strace $0x80000054  }
0xc2: {  	_ =	swait.ge [sflag:s29], $0x1  }
0xc3: {  	[sflag:s29] =	ssyncadd.s32 $0xFFFFFFFF  }
0xc4: {  	_ =	strace $0x90000054  }
0xc5: {  	_ =	sfence  }
0xc6: {  	s30 =	sld [smem:$0x0];
	_ =	sdelay $0x2  }
0xc7: {  	s31 =	sshll.u32 s1, $0xD;
	s1 =	sshrl.u32 s1, $0x2  }
0xc8: {  	s4 =	sand.u32 $0x4000, s31;
	s1 =	sadd.s32 s1, s30  }
0xc9: {  	s0 =	sor.u32 s4, s0;
	s1 =	sshll.u32 s1, $0x11  }
0xca: {  	s0 =	sor.u32 s1, s0  }
0xcb: {  	s0 =	sadd.s32 $0x8F2B, s0  }
0xcc: {  	[sflag:s0] =	ssyncadd.remote.s32 $0x1  }
0xcd: {  	_ =	sfence.sel $0xFFFF  }
0xce: {  	[dreg:$0x0] =	wrdreg $0xFFFFFFFF;
	(pc) =	sbr.abs _section_cstart, $3  }
0xcf: {  	[dreg:$0x1] =	wrdreg $0xFFFFFFFF  }
0xd0: {  	_ =	task.clear_ibuf [dreg:s22], $0x2FFFF;
	_ =	strace $0x9FFFFFFF  }
0xd1: {  	(tm) =	ssettm $0x7FFFFFFF  }
tec
execute0_lowered:
.L_overlay_start_1:
0x0: {  	(tag) =	ssettag $0x1  }
0x1: {  	s3 =	rddreg [dreg:$0x0];
	s1 =	srdreg.scid  }
0x2: {  	s0 =	stileid.u32;
	s5 =	rddreg [dreg:$0x1];
	s2 =	simm.s32 $0x0  }
0x3: {  	s9 =	simm.s32 $0x1;
	s10 =	simm.s32 $0x1D680;
	s11 =	simm.s32 $0x0  }
0x4: {  	s4 =	sand.u32 $0x1, s1;
	s6 =	sshll.u32 s0, $0x1;
	s1 =	rddreg [dreg:$0x2]  }
0x5: {  	[smem:$0x7FF] =	sst s2;
	s6 =	sor.u32 s4, s6;
	s4 =	ssub.s32 $0x2, s4  }
0x6: {  	_ =	strace $0x80000053;
	s7 =	sshll.u32 s6, $0xB;
	s8 =	sshrl.u32 s4, $0x1  }
0x7: {  	s6 =	sshll.u32 s6, $0x6;
	s7 =	sadd.s32 s7, s3;
	s3 =	sadd.s32 $0x6A2A00, s3  }
0x8: {  	s8 =	ssub.s32 s4, s8;
	s5 =	sadd.s32 s5, s6;
	s4 =	sadd.s32 $0x2A00, s7  }
0x9: {  	s6 =	smax.u32 s8, $0x1;
	s7 =	simm.s32 $0x4000;
	s8 =	simm.s32 $0x2  }
.LBB2_1:
0xa: {  	[tilespmem:s7], [sflag:$0x1] =	stream.linear.gather [hbm4b:s3+s2], $0x19680, $0x38;
	[tilespmem:$0x1D880] =	vst v63  }
0xb: {  	_ = 	snop  }
0xc: {  	[tilespmem:s2], [sflag:$0x2] =	stream.linear.gather [hbm4b:s4+s2], $0x4000, $0x38;
	[tilespmem:$0x1D880] =	vst v63  }
0xd: {  	_ =	swait.ge [sflag:s8], $0x4000  }
0xe: {  	[sflag:s8] =	ssyncset.done $0x0  }
0xf: {  	[sflag:s8] =	ssyncadd.s32 $0xFFFFC000  }
0x10: {  	_ =	swait.ge [sflag:s9], $0x19680  }
0x11: {  	s12 =	sand.u32 $0x70, s2;
	s13 =	sand.u32 $0xC00, s2;
	[sflag:s9] =	ssyncset.done $0x0  }
0x12: {  	s12 =	sor.u32 s12, s13;
	[sflag:s9] =	ssyncadd.s32 $0xFFFE6980  }
0x13: {  	v0 =	vld [tilespmem:s12+$0x0];
	_ =	sdelay $0x1  }
0x14: {  	v1 =	vld [tilespmem:s12+$0x80];
	_ =	sdelay $0x1  }
0x15: {  	v2 =	vld [tilespmem:s12+$0x100];
	_ =	sdelay $0x1  }
0x16: {  	v3 =	vld [tilespmem:s12+$0x180]  }
0x17: {  	v4 =	vld [tilespmem:s12+$0x200]  }
0x18: {  	v0 =	vld.idx.msk [tilespmem:v0+s7+$0x0], $0xffff  }
0x19: {  	v5 =	vld [tilespmem:s12+$0x280]  }
0x1a: {  	v1 =	vld.idx.msk [tilespmem:v1+s7+$0x0], $0xffff  }
0x1b: {  	v6 =	vld [tilespmem:s12+$0x300]  }
0x1c: {  	v2 =	vld.idx.msk [tilespmem:v2+s7+$0x0], $0xffff  }
0x1d: {  	v7 =	vld [tilespmem:s12+$0x380];
	v0 =	vadd.f32 $0.0e+00, v0  }
0x1e: {  	v3 =	vld.idx.msk [tilespmem:v3+s7+$0x0], $0xffff  }
0x1f: {  	v8 =	vld [tilespmem:s12+$0x1000];
	v0 =	vadd.f32 v1, v0  }
0x20: {  	v1 =	vld.idx.msk [tilespmem:v4+s7+$0x0], $0xffff  }
0x21: {  	v47 =	vld [tilespmem:s12+$0x1080];
	v0 =	vadd.f32 v2, v0  }
0x22: {  	v2 =	vld.idx.msk [tilespmem:v5+s7+$0x0], $0xffff  }
0x23: {  	v48 =	vld [tilespmem:s12+$0x1100];
	v0 =	vadd.f32 v3, v0  }
0x24: {  	v3 =	vld.idx.msk [tilespmem:v6+s7+$0x0], $0xffff  }
0x25: {  	v49 =	vld [tilespmem:s12+$0x1180];
	v0 =	vadd.f32 v1, v0  }
0x26: {  	v1 =	vld.idx.msk [tilespmem:v7+s7+$0x0], $0xffff  }
0x27: {  	v50 =	vld [tilespmem:s12+$0x1200];
	v0 =	vadd.f32 v2, v0  }
0x28: {  	v2 =	vld.idx.msk [tilespmem:v8+s7+$0x0], $0xffff  }
0x29: {  	v51 =	vld [tilespmem:s12+$0x1280];
	v0 =	vadd.f32 v3, v0  }
0x2a: {  	v3 =	vld.idx.msk [tilespmem:v47+s7+$0x0], $0xffff  }
0x2b: {  	v52 =	vld [tilespmem:s12+$0x1300];
	v0 =	vadd.f32 v1, v0  }
0x2c: {  	v1 =	vld.idx.msk [tilespmem:v48+s7+$0x0], $0xffff  }
0x2d: {  	v53 =	vld [tilespmem:s12+$0x1380];
	v0 =	vadd.f32 v2, v0  }
0x2e: {  	v2 =	vld.idx.msk [tilespmem:v49+s7+$0x0], $0xffff  }
0x2f: {  	v54 =	vld [tilespmem:s12+$0x2000];
	v0 =	vadd.f32 v3, v0  }
0x30: {  	v3 =	vld.idx.msk [tilespmem:v50+s7+$0x0], $0xffff  }
0x31: {  	v55 =	vld [tilespmem:s12+$0x2080];
	v0 =	vadd.f32 v1, v0  }
0x32: {  	v1 =	vld.idx.msk [tilespmem:v51+s7+$0x0], $0xffff  }
0x33: {  	v56 =	vld [tilespmem:s12+$0x2100];
	v0 =	vadd.f32 v2, v0  }
0x34: {  	v2 =	vld.idx.msk [tilespmem:v52+s7+$0x0], $0xffff  }
0x35: {  	v57 =	vld [tilespmem:s12+$0x2180];
	v0 =	vadd.f32 v3, v0  }
0x36: {  	v3 =	vld.idx.msk [tilespmem:v53+s7+$0x0], $0xffff  }
0x37: {  	v58 =	vld [tilespmem:s12+$0x2200];
	v0 =	vadd.f32 v1, v0  }
0x38: {  	v1 =	vld.idx.msk [tilespmem:v54+s7+$0x0], $0xffff  }
0x39: {  	v59 =	vld [tilespmem:s12+$0x2280];
	v0 =	vadd.f32 v2, v0  }
0x3a: {  	v2 =	vld.idx.msk [tilespmem:v55+s7+$0x0], $0xffff  }
0x3b: {  	v60 =	vld [tilespmem:s12+$0x2300];
	v0 =	vadd.f32 v3, v0  }
0x3c: {  	v3 =	vld.idx.msk [tilespmem:v56+s7+$0x0], $0xffff  }
0x3d: {  	v61 =	vld [tilespmem:s12+$0x2380];
	v0 =	vadd.f32 v1, v0  }
0x3e: {  	v1 =	vld.idx.msk [tilespmem:v57+s7+$0x0], $0xffff  }
0x3f: {  	v62 =	vld [tilespmem:s12+$0x3000];
	v0 =	vadd.f32 v2, v0  }
0x40: {  	v2 =	vld.idx.msk [tilespmem:v58+s7+$0x0], $0xffff  }
0x41: {  	v63 =	vld [tilespmem:s12+$0x3080];
	v0 =	vadd.f32 v3, v0  }
0x42: {  	v3 =	vld.idx.msk [tilespmem:v59+s7+$0x0], $0xffff  }
0x43: {  	v0 =	vadd.f32 v1, v0  }
0x44: {  	v1 =	vld.idx.msk [tilespmem:v60+s7+$0x0], $0xffff  }
0x45: {  	v0 =	vadd.f32 v2, v0  }
0x46: {  	v2 =	vld.idx.msk [tilespmem:v61+s7+$0x0], $0xffff  }
0x47: {  	v0 =	vadd.f32 v3, v0  }
0x48: {  	v3 =	vld.idx.msk [tilespmem:v62+s7+$0x0], $0xffff  }
0x49: {  	v0 =	vadd.f32 v1, v0  }
0x4a: {  	v1 =	vld.idx.msk [tilespmem:v63+s7+$0x0], $0xffff  }
0x4b: {  	v0 =	vadd.f32 v2, v0;
	_ =	sdelay $0x1  }
0x4c: {  	v0 =	vadd.f32 v3, v0;
	_ =	sdelay $0x1  }
0x4d: {  	s31 =	simm.s32 $0x10;
	s14 =	simm.s32 $0x20;
	s13 =	simm.s32 $0x80;
	v0 =	vadd.f32 v1, v0  }
0x4e: {  	s15 =	sand.u32 $0x70, s31;
	s16 =	sand.u32 $0xC00, s13;
	s12 =	simm.s32 $0x1D680  }
.LBB2_2:
0x4f: {  	p0 =	sne.s32 s14, $0x1F0;
	s15 =	sor.u32 s15, s16;
	[tilespmem:s12+$0x0] =	vst v0  }
0x50: {  	v0 =	vld [tilespmem:s15+$0x0];
	_ =	sdelay $0x1  }
0x51: {  	v1 =	vld [tilespmem:s15+$0x80];
	_ =	sdelay $0x1  }
0x52: {  	v2 =	vld [tilespmem:s15+$0x100];
	_ =	sdelay $0x1  }
0x53: {  	v3 =	vld [tilespmem:s15+$0x180]  }
0x54: {  	v4 =	vld [tilespmem:s15+$0x200]  }
0x55: {  	v0 =	vld.idx.msk [tilespmem:v0+s7+$0x0], $0xffff  }
0x56: {  	v5 =	vld [tilespmem:s15+$0x280]  }
0x57: {  	v1 =	vld.idx.msk [tilespmem:v1+s7+$0x0], $0xffff  }
0x58: {  	v6 =	vld [tilespmem:s15+$0x300]  }
0x59: {  	v2 =	vld.idx.msk [tilespmem:v2+s7+$0x0], $0xffff  }
0x5a: {  	v7 =	vld [tilespmem:s15+$0x380]  }
0x5b: {  	v0 =	vadd.f32 $0.0e+00, v0;
	v3 =	vld.idx.msk [tilespmem:v3+s7+$0x0], $0xffff  }
0x5c: {  	v8 =	vld [tilespmem:s15+$0x1000]  }
0x5d: {  	v0 =	vadd.f32 v1, v0;
	v1 =	vld.idx.msk [tilespmem:v4+s7+$0x0], $0xffff  }
0x5e: {  	v4 =	vld [tilespmem:s15+$0x1080]  }
0x5f: {  	v0 =	vadd.f32 v2, v0;
	v2 =	vld.idx.msk [tilespmem:v5+s7+$0x0], $0xffff  }
0x60: {  	v5 =	vld [tilespmem:s15+$0x1100]  }
0x61: {  	v0 =	vadd.f32 v3, v0;
	v3 =	vld.idx.msk [tilespmem:v6+s7+$0x0], $0xffff  }
0x62: {  	v6 =	vld [tilespmem:s15+$0x1180]  }
0x63: {  	v0 =	vadd.f32 v1, v0;
	v1 =	vld.idx.msk [tilespmem:v7+s7+$0x0], $0xffff  }
0x64: {  	v7 =	vld [tilespmem:s15+$0x1200]  }
0x65: {  	v0 =	vadd.f32 v2, v0;
	v2 =	vld.idx.msk [tilespmem:v8+s7+$0x0], $0xffff  }
0x66: {  	v8 =	vld [tilespmem:s15+$0x1280]  }
0x67: {  	v0 =	vadd.f32 v3, v0;
	v3 =	vld.idx.msk [tilespmem:v4+s7+$0x0], $0xffff  }
0x68: {  	v4 =	vld [tilespmem:s15+$0x1300]  }
0x69: {  	v0 =	vadd.f32 v1, v0;
	v1 =	vld.idx.msk [tilespmem:v5+s7+$0x0], $0xffff  }
0x6a: {  	v5 =	vld [tilespmem:s15+$0x1380]  }
0x6b: {  	v0 =	vadd.f32 v2, v0;
	v2 =	vld.idx.msk [tilespmem:v6+s7+$0x0], $0xffff  }
0x6c: {  	v6 =	vld [tilespmem:s15+$0x2000]  }
0x6d: {  	v0 =	vadd.f32 v3, v0;
	v3 =	vld.idx.msk [tilespmem:v7+s7+$0x0], $0xffff  }
0x6e: {  	v7 =	vld [tilespmem:s15+$0x2080]  }
0x6f: {  	v0 =	vadd.f32 v1, v0;
	v1 =	vld.idx.msk [tilespmem:v8+s7+$0x0], $0xffff  }
0x70: {  	v8 =	vld [tilespmem:s15+$0x2100]  }
0x71: {  	v0 =	vadd.f32 v2, v0;
	v2 =	vld.idx.msk [tilespmem:v4+s7+$0x0], $0xffff  }
0x72: {  	v4 =	vld [tilespmem:s15+$0x2180]  }
0x73: {  	v0 =	vadd.f32 v3, v0;
	v3 =	vld.idx.msk [tilespmem:v5+s7+$0x0], $0xffff  }
0x74: {  	v5 =	vld [tilespmem:s15+$0x2200]  }
0x75: {  	v0 =	vadd.f32 v1, v0;
	v1 =	vld.idx.msk [tilespmem:v6+s7+$0x0], $0xffff  }
0x76: {  	v6 =	vld [tilespmem:s15+$0x2280]  }
0x77: {  	v0 =	vadd.f32 v2, v0;
	v2 =	vld.idx.msk [tilespmem:v7+s7+$0x0], $0xffff  }
0x78: {  	v7 =	vld [tilespmem:s15+$0x2300]  }
0x79: {  	v0 =	vadd.f32 v3, v0;
	v3 =	vld.idx.msk [tilespmem:v8+s7+$0x0], $0xffff  }
0x7a: {  	v8 =	vld [tilespmem:s15+$0x2380]  }
0x7b: {  	v0 =	vadd.f32 v1, v0;
	v1 =	vld.idx.msk [tilespmem:v4+s7+$0x0], $0xffff  }
0x7c: {  	v4 =	vld [tilespmem:s15+$0x3000]  }
0x7d: {  	v0 =	vadd.f32 v2, v0;
	v2 =	vld.idx.msk [tilespmem:v5+s7+$0x0], $0xffff  }
0x7e: {  	v5 =	vld [tilespmem:s15+$0x3080]  }
0x7f: {  	v0 =	vadd.f32 v3, v0;
	v3 =	vld.idx.msk [tilespmem:v6+s7+$0x0], $0xffff;
	_ =	sdelay $0x1  }
0x80: {  	v0 =	vadd.f32 v1, v0;
	v1 =	vld.idx.msk [tilespmem:v7+s7+$0x0], $0xffff;
	_ =	sdelay $0x1  }
0x81: {  	v0 =	vadd.f32 v2, v0;
	v2 =	vld.idx.msk [tilespmem:v8+s7+$0x0], $0xffff;
	_ =	sdelay $0x1  }
0x82: {  	v0 =	vadd.f32 v3, v0;
	v3 =	vld.idx.msk [tilespmem:v4+s7+$0x0], $0xffff;
	_ =	sdelay $0x1  }
0x83: {  	v0 =	vadd.f32 v1, v0;
	v1 =	vld.idx.msk [tilespmem:v5+s7+$0x0], $0xffff;
	_ =	sdelay $0x1  }
0x84: {  	v0 =	vadd.f32 v2, v0  }
.Ltmp0:
0x85: {  	(pc) =	sbr.rel @p0 .LBB2_2-.Ltmp0, $3  }
0x86: {  	v0 =	vadd.f32 v3, v0;
	_ =	sdelay $0x1  }
0x87: {  	s13 =	sadd.s32 $0x80, s13;
	s12 =	sadd.s32 $0x10, s12;
	v0 =	vadd.f32 v1, v0  }
0x88: {  	s16 =	sand.u32 $0xC00, s13;
	s15 =	sand.u32 $0x70, s14;
	s14 =	sadd.s32 $0x10, s14  }
0x89: {  	s13 =	sor.u32 s15, s16;
	[tilespmem:s12+$0x0] =	vst v0  }
0x8a: {  	v0 =	vld [tilespmem:s13+$0x0];
	_ =	sdelay $0x1  }
0x8b: {  	v1 =	vld [tilespmem:s13+$0x80];
	_ =	sdelay $0x1  }
0x8c: {  	v2 =	vld [tilespmem:s13+$0x100];
	_ =	sdelay $0x1  }
0x8d: {  	v3 =	vld [tilespmem:s13+$0x180]  }
0x8e: {  	v4 =	vld [tilespmem:s13+$0x200]  }
0x8f: {  	v0 =	vld.idx.msk [tilespmem:v0+s7+$0x0], $0xffff  }
0x90: {  	v5 =	vld [tilespmem:s13+$0x280]  }
0x91: {  	v1 =	vld.idx.msk [tilespmem:v1+s7+$0x0], $0xffff  }
0x92: {  	v6 =	vld [tilespmem:s13+$0x300]  }
0x93: {  	v2 =	vld.idx.msk [tilespmem:v2+s7+$0x0], $0xffff  }
0x94: {  	v7 =	vld [tilespmem:s13+$0x380];
	v0 =	vadd.f32 $0.0e+00, v0  }
0x95: {  	v3 =	vld.idx.msk [tilespmem:v3+s7+$0x0], $0xffff  }
0x96: {  	v8 =	vld [tilespmem:s13+$0x1000];
	v0 =	vadd.f32 v1, v0  }
0x97: {  	v25 =	vld.idx.msk [tilespmem:v4+s7+$0x0], $0xffff  }
0x98: {  	v26 =	vld [tilespmem:s13+$0x1080];
	v0 =	vadd.f32 v2, v0  }
0x99: {  	v27 =	vld.idx.msk [tilespmem:v5+s7+$0x0], $0xffff  }
0x9a: {  	v28 =	vld [tilespmem:s13+$0x1100];
	v0 =	vadd.f32 v3, v0  }
0x9b: {  	v29 =	vld.idx.msk [tilespmem:v6+s7+$0x0], $0xffff  }
0x9c: {  	v30 =	vld [tilespmem:s13+$0x1180];
	v0 =	vadd.f32 v25, v0  }
0x9d: {  	v31 =	vld.idx.msk [tilespmem:v7+s7+$0x0], $0xffff  }
0x9e: {  	v32 =	vld [tilespmem:s13+$0x1200];
	v0 =	vadd.f32 v27, v0  }
0x9f: {  	v33 =	vld.idx.msk [tilespmem:v8+s7+$0x0], $0xffff  }
0xa0: {  	v34 =	vld [tilespmem:s13+$0x1280];
	v0 =	vadd.f32 v29, v0  }
0xa1: {  	v35 =	vld.idx.msk [tilespmem:v26+s7+$0x0], $0xffff  }
0xa2: {  	v36 =	vld [tilespmem:s13+$0x1300];
	v0 =	vadd.f32 v31, v0  }
0xa3: {  	v37 =	vld.idx.msk [tilespmem:v28+s7+$0x0], $0xffff  }
0xa4: {  	v38 =	vld [tilespmem:s13+$0x1380];
	v0 =	vadd.f32 v33, v0  }
0xa5: {  	v39 =	vld.idx.msk [tilespmem:v30+s7+$0x0], $0xffff  }
0xa6: {  	v40 =	vld [tilespmem:s13+$0x2000];
	v0 =	vadd.f32 v35, v0  }
0xa7: {  	v41 =	vld.idx.msk [tilespmem:v32+s7+$0x0], $0xffff  }
0xa8: {  	v42 =	vld [tilespmem:s13+$0x2080];
	v0 =	vadd.f32 v37, v0  }
0xa9: {  	v43 =	vld.idx.msk [tilespmem:v34+s7+$0x0], $0xffff  }
0xaa: {  	v44 =	vld [tilespmem:s13+$0x2100];
	v0 =	vadd.f32 v39, v0  }
0xab: {  	v45 =	vld.idx.msk [tilespmem:v36+s7+$0x0], $0xffff  }
0xac: {  	v46 =	vld [tilespmem:s13+$0x2180];
	v0 =	vadd.f32 v41, v0  }
0xad: {  	v47 =	vld.idx.msk [tilespmem:v38+s7+$0x0], $0xffff  }
0xae: {  	v48 =	vld [tilespmem:s13+$0x2200];
	v0 =	vadd.f32 v43, v0  }
0xaf: {  	v49 =	vld.idx.msk [tilespmem:v40+s7+$0x0], $0xffff  }
0xb0: {  	v50 =	vld [tilespmem:s13+$0x2280];
	v0 =	vadd.f32 v45, v0  }
0xb1: {  	v51 =	vld.idx.msk [tilespmem:v42+s7+$0x0], $0xffff  }
0xb2: {  	v52 =	vld [tilespmem:s13+$0x2300];
	v0 =	vadd.f32 v47, v0  }
0xb3: {  	v53 =	vld.idx.msk [tilespmem:v44+s7+$0x0], $0xffff  }
0xb4: {  	v54 =	vld [tilespmem:s13+$0x2380];
	v0 =	vadd.f32 v49, v0  }
0xb5: {  	v55 =	vld.idx.msk [tilespmem:v46+s7+$0x0], $0xffff  }
0xb6: {  	v56 =	vld [tilespmem:s13+$0x3000];
	v0 =	vadd.f32 v51, v0  }
0xb7: {  	v57 =	vld.idx.msk [tilespmem:v48+s7+$0x0], $0xffff  }
0xb8: {  	v58 =	vld [tilespmem:s13+$0x3080];
	v0 =	vadd.f32 v53, v0  }
0xb9: {  	v59 =	vld.idx.msk [tilespmem:v50+s7+$0x0], $0xffff  }
0xba: {  	v0 =	vadd.f32 v55, v0  }
0xbb: {  	v60 =	vld.idx.msk [tilespmem:v52+s7+$0x0], $0xffff  }
0xbc: {  	v0 =	vadd.f32 v57, v0  }
0xbd: {  	v61 =	vld.idx.msk [tilespmem:v54+s7+$0x0], $0xffff  }
0xbe: {  	v0 =	vadd.f32 v59, v0  }
0xbf: {  	v62 =	vld.idx.msk [tilespmem:v56+s7+$0x0], $0xffff  }
0xc0: {  	v0 =	vadd.f32 v60, v0  }
0xc1: {  	v63 =	vld.idx.msk [tilespmem:v58+s7+$0x0], $0xffff  }
0xc2: {  	v0 =	vadd.f32 v61, v0;
	_ =	sdelay $0x1  }
0xc3: {  	v0 =	vadd.f32 v62, v0;
	_ =	sdelay $0x1  }
0xc4: {  	s11 =	sadd.s32 $0x1, s11;
	v0 =	vadd.f32 v63, v0  }
0xc5: {  	s31 =	sadd.s32 $0x10, s12;
	p0 =	sne.s32 s11, s6  }
.Ltmp1:
0xc6: {  	[tilespmem:s31+$0x0] =	vst v0;
	(pc) =	sbr.rel @p0 .LBB2_1-.Ltmp1, $4  }
0xc7: {  	[hbm4b:s5+s2] =	stream.linear.scatter [tilespmem:s10], [sflag:$0x2], $0x200, $0x38;
	[tilespmem:$0x1D880] =	vst v63  }
0xc8: {  	_ =	swait.ge [sflag:s8], $0x200  }
0xc9: {  	[sflag:s8] =	ssyncset.done $0x0  }
0xca: {  	[sflag:s8] =	ssyncadd.s32 $0xFFFFFE00  }
0xcb: {  	_ =	sfence.sel $0x180000  }
0xcc: {  	[bflag:$0x0] =	sbarrier.arrive $0xFFFF  }
0xcd: {  	p0 =	sne.s32 s0, $0x0;
	_ =	strace $0x90000053  }
0xce: {  	s0 =	sadd.s32 @!p0 $0x100000, s1;
	[bflag:$0x2] =	sbarrier.arrive $0xFFFF  }
0xcf: {  	[sflag:s0] =	ssyncadd.tile.s32 @!p0 $0x1;
	_ =	shalt  }
.Lfunc_end2:
_tile_overlayer_lowered:
.L_overlay_start_2:
0xd0: {  	(tag) =	ssettag $0x2  }
0xd1: {  	s0 =	rddreg [dreg:$0x0];
	s2 =	stileid.u32  }
0xd2: {  	s1 =	rddreg [dreg:$0x1];
	p0 =	sne.s32 s2, $0x0  }
0xd3: {  	s3 =	rddreg [dreg:$0x2];
	[bflag:$0x3] =	sbarrier.arrive $0xFFFF;
	s2 =	simm.s32 @!p0 $0x1C02  }
0xd4: {  	[timem:s3], [sflag:s2] =	dma.local @!p0 [hbm:s0], s1  }
0xd5: {  	s0 =	simm.s32 @!p0 $0x2  }
0xd6: {  	_ =	swait.ge @!p0 [sflag:s0], s1  }
0xd7: {  	s1 =	ssub.s32 @!p0 $0x0, s1;
	[sflag:s0] =	ssyncset.done @!p0 $0x0  }
0xd8: {  	[sflag:s0] =	ssyncadd.s32 @!p0 s1  }
0xd9: {  	[bflag:$0x3] =	sbarrier.arrive $0xFFFF  }
0xda: {  	_ =	shalt  }

</sc_bundles>
